<compile_context>
chip_gen: v7x
topology: tpu7x:2x2x1
jax: 0.10.2.dev20260603
libtpu: 0.0.44.dev20260713+nightly
codegen_flags: <defaults>
</compile_context>

<pallas_src>
import jax
import jax.numpy as jnp
from jax import lax
from jax.experimental import pallas as pl
from jax.experimental.pallas import tpu as pltpu, tpu_sc as plsc

N_NODES = 10000
N_PAD = 10240
E = 160000
F = 256
FH = 128
NC, NS = 2, 16
EPW = E // (NC * NS)
EPS = E // NS
CH = 80
NCHUNK = EPS // CH
RPT = N_PAD // NS
RCH = 32
VEC = 16
NB = 3
LOOK = 2



def _deg_body(dst_hbm, degp_hbm, dbuf, cnt, sem):
    c = lax.axis_index("c")
    s = lax.axis_index("s")
    wid = s * NC + c
    ones = jnp.ones((VEC,), jnp.float32)
    lane = lax.iota(jnp.int32, VEC)

    def zero(i, _):
        cnt[pl.ds(pl.multiple_of(i * VEC, VEC), VEC)] = jnp.zeros(
            (VEC,), jnp.float32)
        return 0
    lax.fori_loop(0, N_PAD // VEC, zero, 0)

    pltpu.sync_copy(dst_hbm.at[pl.ds(wid * EPW, EPW)], dbuf)

    nfull = EPW // VEC
    def body(i, _):
        idx = dbuf[pl.ds(pl.multiple_of(i * VEC, VEC), VEC)]
        plsc.addupdate_scatter(cnt, [idx], ones)
        return 0
    lax.fori_loop(0, nfull, body, 0)

    tail = EPW - nfull * VEC
    idx = dbuf[pl.ds(nfull * VEC - (VEC - tail), VEC)]
    mask = lane >= (VEC - tail)
    plsc.addupdate_scatter(cnt, [idx], ones, mask=mask)

    pltpu.sync_copy(cnt, degp_hbm.at[wid])


def _deg_partial(dst):
    mesh = plsc.VectorSubcoreMesh(core_axis_name="c", subcore_axis_name="s")
    return pl.kernel(
        _deg_body,
        out_type=jax.ShapeDtypeStruct((NC * NS, N_PAD), jnp.float32),
        mesh=mesh,
        scratch_types=[
            pltpu.VMEM((EPW,), jnp.int32),
            pltpu.VMEM((N_PAD,), jnp.float32),
            pltpu.SemaphoreType.DMA,
        ],
        compiler_params=pltpu.CompilerParams(needs_layout_passes=False),
        name="gcn_degree_sc",
    )(dst)



RBB = 512
RB = 400

def _mm_body(x_ref, w_ref, degp_ref, hp_ref, dis_ref):
    deg = jnp.sum(degp_ref[...], axis=0)
    dis = jnp.where(deg > 0.0, lax.rsqrt(jnp.maximum(deg, 1e-12)), 0.0)
    h = jnp.dot(x_ref[...], w_ref[...], preferred_element_type=jnp.float32)
    hp_ref[0] = jnp.where(dis[:, None] > 0.0, h * dis[:, None], 0.0)
    dis_ref[...] = dis[:, None]


def _matmul_scale(xp, W, degp):
    grid = (N_PAD // RBB, NC)
    return pl.pallas_call(
        _mm_body,
        grid=grid,
        in_specs=[
            pl.BlockSpec((RBB, F), lambda i, c: (i, 0)),
            pl.BlockSpec((F, FH), lambda i, c: (0, c)),
            pl.BlockSpec((NC * NS, RBB), lambda i, c: (0, i)),
        ],
        out_specs=[
            pl.BlockSpec((1, RBB, FH), lambda i, c: (c, i, 0)),
            pl.BlockSpec((RBB, 1), lambda i, c: (i, 0)),
        ],
        out_shape=[
            jax.ShapeDtypeStruct((NC, N_PAD, FH), jnp.float32),
            jax.ShapeDtypeStruct((N_PAD, 1), jnp.float32),
        ],
        name="gcn_matmul_scale_tc",
    )(xp, W, degp)



def _scatter_body(hp_hbm, srcoff_hbm, dst_hbm, acc_hbm,
                  src_all, dst_b, rows_b, stage, acc_sh,
                  gsem, dsem, ssem):
    c = lax.axis_index("c")
    s = lax.axis_index("s")
    base = s * EPS

    pltpu.sync_copy(srcoff_hbm.at[pl.ds(c * E + base, EPS)], src_all)

    def zstage(i, _):
        for v in range(FH // VEC):
            stage[i, pl.ds(v * VEC, VEC)] = jnp.zeros((VEC,), jnp.float32)
        return 0
    lax.fori_loop(0, RCH, zstage, 0)
    row0 = s * RPT
    for k in range(RPT // RCH):
        pltpu.sync_copy(stage, acc_sh.at[pl.ds(row0 + k * RCH, RCH)])
    plsc.subcore_barrier()

    def prep_issue(jj, b):
        e0 = pl.multiple_of(jj * CH, VEC)
        pltpu.async_copy(dst_hbm.at[pl.ds(base + e0, CH)], dst_b[b], dsem[b])
        pltpu.async_copy(hp_hbm.at[src_all.at[pl.ds(e0, CH)]],
                         rows_b[b], gsem[b])

    for j in range(LOOK):
        prep_issue(jnp.int32(j), j)

    def consume(jj, b):
        e0 = pl.multiple_of(jj * CH, VEC)
        pltpu.make_async_copy(hp_hbm.at[src_all.at[pl.ds(e0, CH)]],
                              rows_b[b], gsem[b]).wait()
        pltpu.make_async_copy(
            dst_hbm.at[pl.ds(base, CH)], dst_b[b], dsem[b]).wait()
        pltpu.async_copy(rows_b[b], acc_sh.at[dst_b[b]], ssem[b], add=True)

    def step(t, _):
        for b0 in range(NB):
            jj = t * NB + b0

            @pl.when(jj < NCHUNK)
            def _():
                consume(jj, b0)
                nxt = jj + LOOK

                @pl.when(nxt < NCHUNK)
                def _():
                    b2 = (b0 + LOOK) % NB

                    @pl.when(nxt >= NB)
                    def _():
                        pltpu.make_async_copy(
                            rows_b[b2], acc_sh.at[dst_b[b2]],
                            ssem[b2]).wait()
                    prep_issue(nxt, b2)
        return 0
    lax.fori_loop(0, (NCHUNK + NB - 1) // NB, step, 0)

    for b in range(NB):
        pltpu.make_async_copy(rows_b[b], acc_sh.at[dst_b[b]], ssem[b]).wait()

    plsc.subcore_barrier()
    for k in range(RPT // RCH):
        r = row0 + k * RCH
        pltpu.sync_copy(acc_sh.at[pl.ds(r, RCH)], stage)
        pltpu.sync_copy(stage, acc_hbm.at[c, pl.ds(r, RCH)])


def _edge_scatter(hp_flat, srcoff, dst):
    mesh = plsc.VectorSubcoreMesh(core_axis_name="c", subcore_axis_name="s")
    return pl.kernel(
        _scatter_body,
        out_type=jax.ShapeDtypeStruct((NC, N_PAD, FH), jnp.float32),
        mesh=mesh,
        scratch_types=[
            pltpu.VMEM((EPS,), jnp.int32),
            [pltpu.VMEM((CH,), jnp.int32) for _ in range(NB)],
            [pltpu.VMEM((CH, FH), jnp.float32) for _ in range(NB)],
            pltpu.VMEM((RCH, FH), jnp.float32),
            pltpu.VMEM_SHARED((N_PAD, FH), jnp.float32),
            [pltpu.SemaphoreType.DMA for _ in range(NB)],
            [pltpu.SemaphoreType.DMA for _ in range(NB)],
            [pltpu.SemaphoreType.DMA for _ in range(NB)],
        ],
        compiler_params=pltpu.CompilerParams(needs_layout_passes=False),
        name="gcn_edge_scatter_sc",
    )(hp_flat, srcoff, dst)



def _out_body(acc_ref, dis_ref, b_ref, out_ref):
    out_ref[...] = acc_ref[0] * dis_ref[...] + b_ref[...][None, :]


def _out_scale(acc, dis, b):
    grid = (N_NODES // RB, NC)
    return pl.pallas_call(
        _out_body,
        grid=grid,
        in_specs=[
            pl.BlockSpec((1, RB, FH), lambda i, c: (c, i, 0)),
            pl.BlockSpec((RB, 1), lambda i, c: (i, 0)),
            pl.BlockSpec((FH,), lambda i, c: (c,)),
        ],
        out_specs=pl.BlockSpec((RB, FH), lambda i, c: (i, c)),
        out_shape=jax.ShapeDtypeStruct((N_NODES, F), jnp.float32),
        name="gcn_out_scale_tc",
    )(acc, dis, b)



def kernel(x, edge_index, W, b):
    src = edge_index[0].astype(jnp.int32)
    dst = edge_index[1].astype(jnp.int32)
    degp = _deg_partial(dst)
    hp, dis = _matmul_scale(x, W, degp)
    srcoff = jnp.concatenate([src, src + N_PAD])
    acc = _edge_scatter(hp.reshape(NC * N_PAD, FH), srcoff, dst)
    return _out_scale(acc, dis, b)

# --- scband reference (transcript-rebuilt; emitter-appended) ---
"""Pipeline reference for scband-encoder-35098472742970 (READ-ONLY COPY).

The authoritative reference and input builder live on the scoring server;
editing this copy changes nothing except your own understanding.
"""

import jax, jax.numpy as jnp
import numpy as np

IN_CH = 256
OUT_CH = 256
N_NODES = 10000
N_EDGES = 160000


def setup_inputs(seed: int = 0) -> dict:
    key = jax.random.key(seed)
    k1, k2, k3, k4 = jax.random.split(key, 4)
    x = jax.random.normal(k1, (N_NODES, IN_CH), dtype=jnp.float32)
    edge_index = jax.random.randint(k2, (2, N_EDGES), 0, N_NODES, dtype=jnp.int64)
    # GCNConv weight: glorot init, shape [in_channels, out_channels]
    limit = float(np.sqrt(6.0 / (IN_CH + OUT_CH)))
    W = jax.random.uniform(k3, (IN_CH, OUT_CH), dtype=jnp.float32, minval=-limit, maxval=limit)
    b = jnp.zeros((OUT_CH,), dtype=jnp.float32)
    return {"x": x, "edge_index": edge_index, "W": W, "b": b}


def reference(x, edge_index, W, b):
    # GCNConv(in_channels, out_channels, add_self_loops=False, normalize=True)
    src = edge_index[0]
    dst = edge_index[1]
    n = x.shape[0]
    # gcn_norm without self loops: deg computed over dst (col) with unit edge weights
    deg = jnp.zeros((n,), dtype=x.dtype).at[dst].add(1.0)
    deg_inv_sqrt = jnp.where(deg > 0, 1.0 / jnp.sqrt(jnp.maximum(deg, 1e-12)), 0.0)
    norm = deg_inv_sqrt[src] * deg_inv_sqrt[dst]
    # linear transform then message passing (gather src, scatter-add at dst)
    h = x @ W
    msgs = h[src] * norm[:, None]
    out = jnp.zeros((n, W.shape[1]), dtype=x.dtype).at[dst].add(msgs)
    out = out + b
    return out

if __name__ == "__main__":
    import jax
    _d = setup_inputs()
    print(jax.jit(kernel)(*tuple(_d.values())))

</pallas_src>

<mosaic_0001>
#map = affine_map<(d0, d1) -> (0)>
#map1 = affine_map<(d0, d1) -> (0, 0)>
module attributes {stable_mosaic.version = 14 : i64} {
  func.func @gcn_degree_sc(%arg0: i32, %arg1: i32, %arg2: memref<160000xi32, #tpu.memory_space<hbm>>, %arg3: memref<32x10240xf32, #tpu.memory_space<hbm>>, %arg4: memref<5000xi32, #tpu.memory_space<vmem>>, %arg5: memref<10240xf32, #tpu.memory_space<vmem>>, %arg6: memref<!tpu.dma_semaphore, #tpu.memory_space<semaphore_mem>>) attributes {dimension_semantics = [#tpu.dimension_semantics<core_parallel>, #tpu.dimension_semantics<subcore_parallel>], iteration_bounds = array<i64: 2, 16>, scalar_prefetch = 0 : i64, scratch_operands = 3 : i64, tpu.core_type = #tpu.core_type<sc_vector_subcore>, window_params = [{transform_indices = #map}, {transform_indices = #map1}]} {
    %mul3A = arith.constant 2 : i32
    %mul3A_0 = arith.muli %arg1, %mul3A : i32
    %add3A = arith.addi %mul3A_0, %arg0 : i32
    %broadcast_in_dim3A = arith.constant 1.000000e+00 : f32
    %broadcast_in_dim3A_1 = vector.broadcast %broadcast_in_dim3A : f32 to vector<16xf32>
    %iota3A = tpu.iota {dimensions = array<i32: 0>} : vector<16xi32>
    %scan3A = arith.constant 0 : i32
    %scan3A_2 = arith.constant 0 : i32
    %scan3A_3 = arith.constant 640 : i32
    %scan3A_4 = arith.addi %scan3A_2, %scan3A_3 : i32
    %scan3A_5 = arith.constant 1 : i32
    %scan3A_6 = scf.for %scan3A_20 = %scan3A_2 to %scan3A_4 step %scan3A_5 iter_args(%scan3A_21 = %scan3A) -> (i32)  : i32 {
      %broadcast_in_dim3A_22 = arith.constant 0.000000e+00 : f32
      %broadcast_in_dim3A_23 = vector.broadcast %broadcast_in_dim3A_22 : f32 to vector<16xf32>
      %mul3A_24 = arith.constant 16 : i32
      %mul3A_25 = arith.muli %scan3A_20, %mul3A_24 : i32
      %multiple_of3A = tpu.assume_multiple %mul3A_25, 16 : i32
      %swap3A = arith.index_cast %multiple_of3A : i32 to index
      %swap3A_26 = tpu.vector_load %arg5[%swap3A] {strides = array<i32>} : memref<10240xf32, #tpu.memory_space<vmem>>, vector<16xf32>,
      tpu.vector_store %arg5[%swap3A], %broadcast_in_dim3A_23 {strides = array<i32>} : memref<10240xf32, #tpu.memory_space<vmem>>, vector<16xf32>,
      %scan3A_27 = arith.constant 0 : i32
      scf.yield %scan3A_27 : i32
    }
    %scan3A_7 = arith.constant 640 : i32
    %mul3A_8 = arith.constant 5000 : i32
    %mul3A_9 = arith.muli %add3A, %mul3A_8 : i32
    "tpu.region"() ({
      %run_scoped3A = tpu.sem_alloc : memref<!tpu.dma_semaphore, #tpu.memory_space<semaphore_mem>>
      %dma_start3A = tpu.memref_slice %arg2[%mul3A_9] : memref<160000xi32, #tpu.memory_space<hbm>> -> memref<5000xi32, #tpu.memory_space<hbm>>
      %dma_start3A_20 = tpu.memref_slice %arg2[%mul3A_9] : memref<160000xi32, #tpu.memory_space<hbm>> -> memref<5000xi32, #tpu.memory_space<hbm>>
      tpu.enqueue_dma source(%dma_start3A_20 : memref<5000xi32, #tpu.memory_space<hbm>>) target(%arg4 : memref<5000xi32, #tpu.memory_space<vmem>>) target_semaphore(%run_scoped3A : memref<!tpu.dma_semaphore, #tpu.memory_space<semaphore_mem>>)
      %dma_wait3A = tpu.memref_slice %arg2[%mul3A_9] : memref<160000xi32, #tpu.memory_space<hbm>> -> memref<5000xi32, #tpu.memory_space<hbm>>
      %dma_wait3A_21 = tpu.memref_slice %arg2[%mul3A_9] : memref<160000xi32, #tpu.memory_space<hbm>> -> memref<5000xi32, #tpu.memory_space<hbm>>
      tpu.wait_dma2 semaphore(%run_scoped3A : memref<!tpu.dma_semaphore, #tpu.memory_space<semaphore_mem>>) src(%dma_wait3A_21 : memref<5000xi32, #tpu.memory_space<hbm>>) dst(%arg4 : memref<5000xi32, #tpu.memory_space<vmem>>)
      tpu.yield
    }) : () -> ()
    %scan3A_10 = arith.constant 0 : i32
    %scan3A_11 = arith.constant 0 : i32
    %scan3A_12 = arith.constant 312 : i32
    %scan3A_13 = arith.addi %scan3A_11, %scan3A_12 : i32
    %scan3A_14 = arith.constant 1 : i32
    %scan3A_15 = scf.for %scan3A_20 = %scan3A_11 to %scan3A_13 step %scan3A_14 iter_args(%scan3A_21 = %scan3A_10) -> (i32)  : i32 {
      %mul3A_22 = arith.constant 16 : i32
      %mul3A_23 = arith.muli %scan3A_20, %mul3A_22 : i32
      %multiple_of3A = tpu.assume_multiple %mul3A_23, 16 : i32
      %get3A_24 = arith.index_cast %multiple_of3A : i32 to index
      %get3A_25 = tpu.vector_load %arg4[%get3A_24] {strides = array<i32>} : memref<5000xi32, #tpu.memory_space<vmem>>, vector<16xi32>,
      tpu.vector_store_idx %arg5[%get3A_25], %broadcast_in_dim3A_1 {add = true} : memref<10240xf32, #tpu.memory_space<vmem>>[vector<16xi32>], vector<16xf32>,
      %scan3A_26 = arith.constant 0 : i32
      scf.yield %scan3A_26 : i32
    }
    %scan3A_16 = arith.constant 312 : i32
    %get3A = arith.constant 4984 : index
    %get3A_17 = tpu.vector_load %arg4[%get3A] {strides = array<i32>} : memref<5000xi32, #tpu.memory_space<vmem>>, vector<16xi32>,
    %ge3A = arith.constant 8 : i32
    %ge3A_18 = vector.broadcast %ge3A : i32 to vector<16xi32>
    %ge3A_19 = arith.cmpi sge, %iota3A, %ge3A_18 : vector<16xi32>
    tpu.vector_store_idx %arg5[%get3A_17], %broadcast_in_dim3A_1 masked %ge3A_19 {add = true} : memref<10240xf32, #tpu.memory_space<vmem>>[vector<16xi32>], vector<16xf32>, vector<16xi1>
    "tpu.region"() ({
      %run_scoped3A = tpu.sem_alloc : memref<!tpu.dma_semaphore, #tpu.memory_space<semaphore_mem>>
      %dma_start3A = arith.constant 0 : i32
      %dma_start3A_20 = tpu.memref_slice %arg3[%add3A, %dma_start3A] : memref<32x10240xf32, #tpu.memory_space<hbm>> -> memref<1x10240xf32, #tpu.memory_space<hbm>>
      %dma_start3A_21 = tpu.memref_squeeze %dma_start3A_20 : memref<1x10240xf32, #tpu.memory_space<hbm>> -> memref<10240xf32, #tpu.memory_space<hbm>>
      %dma_start3A_22 = arith.constant 0 : i32
      %dma_start3A_23 = tpu.memref_slice %arg3[%add3A, %dma_start3A_22] : memref<32x10240xf32, #tpu.memory_space<hbm>> -> memref<1x10240xf32, #tpu.memory_space<hbm>>
      %dma_start3A_24 = tpu.memref_squeeze %dma_start3A_23 : memref<1x10240xf32, #tpu.memory_space<hbm>> -> memref<10240xf32, #tpu.memory_space<hbm>>
      tpu.enqueue_dma source(%arg5 : memref<10240xf32, #tpu.memory_space<vmem>>) target(%dma_start3A_24 : memref<10240xf32, #tpu.memory_space<hbm>>) target_semaphore(%run_scoped3A : memref<!tpu.dma_semaphore, #tpu.memory_space<semaphore_mem>>)
      %dma_wait3A = arith.constant 0 : i32
      %dma_wait3A_25 = tpu.memref_slice %arg3[%add3A, %dma_wait3A] : memref<32x10240xf32, #tpu.memory_space<hbm>> -> memref<1x10240xf32, #tpu.memory_space<hbm>>
      %dma_wait3A_26 = tpu.memref_squeeze %dma_wait3A_25 : memref<1x10240xf32, #tpu.memory_space<hbm>> -> memref<10240xf32, #tpu.memory_space<hbm>>
      %dma_wait3A_27 = arith.constant 0 : i32
      %dma_wait3A_28 = tpu.memref_slice %arg3[%add3A, %dma_wait3A_27] : memref<32x10240xf32, #tpu.memory_space<hbm>> -> memref<1x10240xf32, #tpu.memory_space<hbm>>
      %dma_wait3A_29 = tpu.memref_squeeze %dma_wait3A_28 : memref<1x10240xf32, #tpu.memory_space<hbm>> -> memref<10240xf32, #tpu.memory_space<hbm>>
      tpu.wait_dma2 semaphore(%run_scoped3A : memref<!tpu.dma_semaphore, #tpu.memory_space<semaphore_mem>>) src(%arg5 : memref<10240xf32, #tpu.memory_space<vmem>>) dst(%dma_wait3A_29 : memref<10240xf32, #tpu.memory_space<hbm>>)
      tpu.yield
    }) : () -> ()
    return
  }
}

#map = affine_map<(d0, d1) -> (0, 0)>
#map1 = affine_map<(d0, d1) -> (0)>
#map2 = affine_map<(d0, d1) -> (0, 0, 0)>
module attributes {stable_mosaic.version = 14 : i64} {
  func.func @gcn_edge_scatter_sc(%arg0: i32, %arg1: i32, %arg2: memref<20480x128xf32, #tpu.memory_space<hbm>>, %arg3: memref<320000xi32, #tpu.memory_space<hbm>>, %arg4: memref<160000xi32, #tpu.memory_space<hbm>>, %arg5: memref<2x10240x128xf32, #tpu.memory_space<hbm>>, %arg6: memref<10000xi32, #tpu.memory_space<vmem>>, %arg7: memref<80xi32, #tpu.memory_space<vmem>>, %arg8: memref<80xi32, #tpu.memory_space<vmem>>, %arg9: memref<80xi32, #tpu.memory_space<vmem>>, %arg10: memref<80x128xf32, #tpu.memory_space<vmem>>, %arg11: memref<80x128xf32, #tpu.memory_space<vmem>>, %arg12: memref<80x128xf32, #tpu.memory_space<vmem>>, %arg13: memref<32x128xf32, #tpu.memory_space<vmem>>, %arg14: memref<10240x128xf32, #tpu.memory_space<vmem_shared>>, %arg15: memref<!tpu.dma_semaphore, #tpu.memory_space<semaphore_mem>>, %arg16: memref<!tpu.dma_semaphore, #tpu.memory_space<semaphore_mem>>, %arg17: memref<!tpu.dma_semaphore, #tpu.memory_space<semaphore_mem>>, %arg18: memref<!tpu.dma_semaphore, #tpu.memory_space<semaphore_mem>>, %arg19: memref<!tpu.dma_semaphore, #tpu.memory_space<semaphore_mem>>, %arg20: memref<!tpu.dma_semaphore, #tpu.memory_space<semaphore_mem>>, %arg21: memref<!tpu.dma_semaphore, #tpu.memory_space<semaphore_mem>>, %arg22: memref<!tpu.dma_semaphore, #tpu.memory_space<semaphore_mem>>, %arg23: memref<!tpu.dma_semaphore, #tpu.memory_space<semaphore_mem>>) attributes {dimension_semantics = [#tpu.dimension_semantics<core_parallel>, #tpu.dimension_semantics<subcore_parallel>], iteration_bounds = array<i64: 2, 16>, scalar_prefetch = 0 : i64, scratch_operands = 18 : i64, tpu.core_type = #tpu.core_type<sc_vector_subcore>, window_params = [{transform_indices = #map}, {transform_indices = #map1}, {transform_indices = #map1}, {transform_indices = #map2}]} {
    %mul3A = arith.constant 10000 : i32
    %mul3A_0 = arith.muli %arg1, %mul3A : i32
    %mul3A_1 = arith.constant 160000 : i32
    %mul3A_2 = arith.muli %arg0, %mul3A_1 : i32
    %add3A = arith.addi %mul3A_2, %mul3A_0 : i32
    "tpu.region"() ({
      %run_scoped3A = tpu.sem_alloc : memref<!tpu.dma_semaphore, #tpu.memory_space<semaphore_mem>>
      %dma_start3A_127 = tpu.memref_slice %arg3[%add3A] : memref<320000xi32, #tpu.memory_space<hbm>> -> memref<10000xi32, #tpu.memory_space<hbm>>
      %dma_start3A_128 = tpu.memref_slice %arg3[%add3A] : memref<320000xi32, #tpu.memory_space<hbm>> -> memref<10000xi32, #tpu.memory_space<hbm>>
      tpu.enqueue_dma source(%dma_start3A_128 : memref<10000xi32, #tpu.memory_space<hbm>>) target(%arg6 : memref<10000xi32, #tpu.memory_space<vmem>>) target_semaphore(%run_scoped3A : memref<!tpu.dma_semaphore, #tpu.memory_space<semaphore_mem>>)
      %dma_wait3A_129 = tpu.memref_slice %arg3[%add3A] : memref<320000xi32, #tpu.memory_space<hbm>> -> memref<10000xi32, #tpu.memory_space<hbm>>
      %dma_wait3A_130 = tpu.memref_slice %arg3[%add3A] : memref<320000xi32, #tpu.memory_space<hbm>> -> memref<10000xi32, #tpu.memory_space<hbm>>
      tpu.wait_dma2 semaphore(%run_scoped3A : memref<!tpu.dma_semaphore, #tpu.memory_space<semaphore_mem>>) src(%dma_wait3A_130 : memref<10000xi32, #tpu.memory_space<hbm>>) dst(%arg6 : memref<10000xi32, #tpu.memory_space<vmem>>)
      tpu.yield
    }) : () -> ()
    %scan3A = arith.constant 0 : i32
    %scan3A_3 = arith.constant 0 : i32
    %scan3A_4 = arith.constant 32 : i32
    %scan3A_5 = arith.addi %scan3A_3, %scan3A_4 : i32
    %scan3A_6 = arith.constant 1 : i32
    %scan3A_7 = scf.for %scan3A_127 = %scan3A_3 to %scan3A_5 step %scan3A_6 iter_args(%scan3A_128 = %scan3A) -> (i32)  : i32 {
      %broadcast_in_dim3A = arith.constant 0.000000e+00 : f32
      %broadcast_in_dim3A_129 = vector.broadcast %broadcast_in_dim3A : f32 to vector<16xf32>
      %swap3A = arith.index_cast %scan3A_127 : i32 to index
      %swap3A_130 = arith.constant 0 : index
      %swap3A_131 = tpu.vector_load %arg13[%swap3A, %swap3A_130] {strides = array<i32>} : memref<32x128xf32, #tpu.memory_space<vmem>>, vector<16xf32>,
      tpu.vector_store %arg13[%swap3A, %swap3A_130], %broadcast_in_dim3A_129 {strides = array<i32>} : memref<32x128xf32, #tpu.memory_space<vmem>>, vector<16xf32>,
      %broadcast_in_dim3A_132 = arith.constant 0.000000e+00 : f32
      %broadcast_in_dim3A_133 = vector.broadcast %broadcast_in_dim3A_132 : f32 to vector<16xf32>
      %swap3A_134 = arith.index_cast %scan3A_127 : i32 to index
      %swap3A_135 = arith.constant 16 : index
      %swap3A_136 = tpu.vector_load %arg13[%swap3A_134, %swap3A_135] {strides = array<i32>} : memref<32x128xf32, #tpu.memory_space<vmem>>, vector<16xf32>,
      tpu.vector_store %arg13[%swap3A_134, %swap3A_135], %broadcast_in_dim3A_133 {strides = array<i32>} : memref<32x128xf32, #tpu.memory_space<vmem>>, vector<16xf32>,
      %broadcast_in_dim3A_137 = arith.constant 0.000000e+00 : f32
      %broadcast_in_dim3A_138 = vector.broadcast %broadcast_in_dim3A_137 : f32 to vector<16xf32>
      %swap3A_139 = arith.index_cast %scan3A_127 : i32 to index
      %swap3A_140 = arith.constant 32 : index
      %swap3A_141 = tpu.vector_load %arg13[%swap3A_139, %swap3A_140] {strides = array<i32>} : memref<32x128xf32, #tpu.memory_space<vmem>>, vector<16xf32>,
      tpu.vector_store %arg13[%swap3A_139, %swap3A_140], %broadcast_in_dim3A_138 {strides = array<i32>} : memref<32x128xf32, #tpu.memory_space<vmem>>, vector<16xf32>,
      %broadcast_in_dim3A_142 = arith.constant 0.000000e+00 : f32
      %broadcast_in_dim3A_143 = vector.broadcast %broadcast_in_dim3A_142 : f32 to vector<16xf32>
      %swap3A_144 = arith.index_cast %scan3A_127 : i32 to index
      %swap3A_145 = arith.constant 48 : index
      %swap3A_146 = tpu.vector_load %arg13[%swap3A_144, %swap3A_145] {strides = array<i32>} : memref<32x128xf32, #tpu.memory_space<vmem>>, vector<16xf32>,
      tpu.vector_store %arg13[%swap3A_144, %swap3A_145], %broadcast_in_dim3A_143 {strides = array<i32>} : memref<32x128xf32, #tpu.memory_space<vmem>>, vector<16xf32>,
      %broadcast_in_dim3A_147 = arith.constant 0.000000e+00 : f32
      %broadcast_in_dim3A_148 = vector.broadcast %broadcast_in_dim3A_147 : f32 to vector<16xf32>
      %swap3A_149 = arith.index_cast %scan3A_127 : i32 to index
      %swap3A_150 = arith.constant 64 : index
      %swap3A_151 = tpu.vector_load %arg13[%swap3A_149, %swap3A_150] {strides = array<i32>} : memref<32x128xf32, #tpu.memory_space<vmem>>, vector<16xf32>,
      tpu.vector_store %arg13[%swap3A_149, %swap3A_150], %broadcast_in_dim3A_148 {strides = array<i32>} : memref<32x128xf32, #tpu.memory_space<vmem>>, vector<16xf32>,
      %broadcast_in_dim3A_152 = arith.constant 0.000000e+00 : f32
      %broadcast_in_dim3A_153 = vector.broadcast %broadcast_in_dim3A_152 : f32 to vector<16xf32>
      %swap3A_154 = arith.index_cast %scan3A_127 : i32 to index
      %swap3A_155 = arith.constant 80 : index
      %swap3A_156 = tpu.vector_load %arg13[%swap3A_154, %swap3A_155] {strides = array<i32>} : memref<32x128xf32, #tpu.memory_space<vmem>>, vector<16xf32>,
      tpu.vector_store %arg13[%swap3A_154, %swap3A_155], %broadcast_in_dim3A_153 {strides = array<i32>} : memref<32x128xf32, #tpu.memory_space<vmem>>, vector<16xf32>,
      %broadcast_in_dim3A_157 = arith.constant 0.000000e+00 : f32
      %broadcast_in_dim3A_158 = vector.broadcast %broadcast_in_dim3A_157 : f32 to vector<16xf32>
      %swap3A_159 = arith.index_cast %scan3A_127 : i32 to index
      %swap3A_160 = arith.constant 96 : index
      %swap3A_161 = tpu.vector_load %arg13[%swap3A_159, %swap3A_160] {strides = array<i32>} : memref<32x128xf32, #tpu.memory_space<vmem>>, vector<16xf32>,
      tpu.vector_store %arg13[%swap3A_159, %swap3A_160], %broadcast_in_dim3A_158 {strides = array<i32>} : memref<32x128xf32, #tpu.memory_space<vmem>>, vector<16xf32>,
      %broadcast_in_dim3A_162 = arith.constant 0.000000e+00 : f32
      %broadcast_in_dim3A_163 = vector.broadcast %broadcast_in_dim3A_162 : f32 to vector<16xf32>
      %swap3A_164 = arith.index_cast %scan3A_127 : i32 to index
      %swap3A_165 = arith.constant 112 : index
      %swap3A_166 = tpu.vector_load %arg13[%swap3A_164, %swap3A_165] {strides = array<i32>} : memref<32x128xf32, #tpu.memory_space<vmem>>, vector<16xf32>,
      tpu.vector_store %arg13[%swap3A_164, %swap3A_165], %broadcast_in_dim3A_163 {strides = array<i32>} : memref<32x128xf32, #tpu.memory_space<vmem>>, vector<16xf32>,
      %scan3A_167 = arith.constant 0 : i32
      scf.yield %scan3A_167 : i32
    }
    %scan3A_8 = arith.constant 32 : i32
    %mul3A_9 = arith.constant 640 : i32
    %mul3A_10 = arith.muli %arg1, %mul3A_9 : i32
    %add3A_11 = arith.constant 0 : i32
    %add3A_12 = arith.addi %mul3A_10, %add3A_11 : i32
    "tpu.region"() ({
      %run_scoped3A = tpu.sem_alloc : memref<!tpu.dma_semaphore, #tpu.memory_space<semaphore_mem>>
      %dma_start3A_127 = arith.constant 0 : i32
      %dma_start3A_128 = tpu.memref_slice %arg14[%add3A_12, %dma_start3A_127] : memref<10240x128xf32, #tpu.memory_space<vmem_shared>> -> memref<32x128xf32, #tpu.memory_space<vmem_shared>>
      %dma_start3A_129 = arith.constant 0 : i32
      %dma_start3A_130 = tpu.memref_slice %arg14[%add3A_12, %dma_start3A_129] : memref<10240x128xf32, #tpu.memory_space<vmem_shared>> -> memref<32x128xf32, #tpu.memory_space<vmem_shared>>
      tpu.enqueue_dma source(%arg13 : memref<32x128xf32, #tpu.memory_space<vmem>>) target(%dma_start3A_130 : memref<32x128xf32, #tpu.memory_space<vmem_shared>>) target_semaphore(%run_scoped3A : memref<!tpu.dma_semaphore, #tpu.memory_space<semaphore_mem>>)
      %dma_wait3A_131 = arith.constant 0 : i32
      %dma_wait3A_132 = tpu.memref_slice %arg14[%add3A_12, %dma_wait3A_131] : memref<10240x128xf32, #tpu.memory_space<vmem_shared>> -> memref<32x128xf32, #tpu.memory_space<vmem_shared>>
      %dma_wait3A_133 = arith.constant 0 : i32
      %dma_wait3A_134 = tpu.memref_slice %arg14[%add3A_12, %dma_wait3A_133] : memref<10240x128xf32, #tpu.memory_space<vmem_shared>> -> memref<32x128xf32, #tpu.memory_space<vmem_shared>>
      tpu.wait_dma2 semaphore(%run_scoped3A : memref<!tpu.dma_semaphore, #tpu.memory_space<semaphore_mem>>) src(%arg13 : memref<32x128xf32, #tpu.memory_space<vmem>>) dst(%dma_wait3A_134 : memref<32x128xf32, #tpu.memory_space<vmem_shared>>)
      tpu.yield
    }) : () -> ()
    %add3A_13 = arith.constant 32 : i32
    %add3A_14 = arith.addi %mul3A_10, %add3A_13 : i32
    "tpu.region"() ({
      %run_scoped3A = tpu.sem_alloc : memref<!tpu.dma_semaphore, #tpu.memory_space<semaphore_mem>>
      %dma_start3A_127 = arith.constant 0 : i32
      %dma_start3A_128 = tpu.memref_slice %arg14[%add3A_14, %dma_start3A_127] : memref<10240x128xf32, #tpu.memory_space<vmem_shared>> -> memref<32x128xf32, #tpu.memory_space<vmem_shared>>
      %dma_start3A_129 = arith.constant 0 : i32
      %dma_start3A_130 = tpu.memref_slice %arg14[%add3A_14, %dma_start3A_129] : memref<10240x128xf32, #tpu.memory_space<vmem_shared>> -> memref<32x128xf32, #tpu.memory_space<vmem_shared>>
      tpu.enqueue_dma source(%arg13 : memref<32x128xf32, #tpu.memory_space<vmem>>) target(%dma_start3A_130 : memref<32x128xf32, #tpu.memory_space<vmem_shared>>) target_semaphore(%run_scoped3A : memref<!tpu.dma_semaphore, #tpu.memory_space<semaphore_mem>>)
      %dma_wait3A_131 = arith.constant 0 : i32
      %dma_wait3A_132 = tpu.memref_slice %arg14[%add3A_14, %dma_wait3A_131] : memref<10240x128xf32, #tpu.memory_space<vmem_shared>> -> memref<32x128xf32, #tpu.memory_space<vmem_shared>>
      %dma_wait3A_133 = arith.constant 0 : i32
      %dma_wait3A_134 = tpu.memref_slice %arg14[%add3A_14, %dma_wait3A_133] : memref<10240x128xf32, #tpu.memory_space<vmem_shared>> -> memref<32x128xf32, #tpu.memory_space<vmem_shared>>
      tpu.wait_dma2 semaphore(%run_scoped3A : memref<!tpu.dma_semaphore, #tpu.memory_space<semaphore_mem>>) src(%arg13 : memref<32x128xf32, #tpu.memory_space<vmem>>) dst(%dma_wait3A_134 : memref<32x128xf32, #tpu.memory_space<vmem_shared>>)
      tpu.yield
    }) : () -> ()
    %add3A_15 = arith.constant 64 : i32
    %add3A_16 = arith.addi %mul3A_10, %add3A_15 : i32
    "tpu.region"() ({
      %run_scoped3A = tpu.sem_alloc : memref<!tpu.dma_semaphore, #tpu.memory_space<semaphore_mem>>
      %dma_start3A_127 = arith.constant 0 : i32
      %dma_start3A_128 = tpu.memref_slice %arg14[%add3A_16, %dma_start3A_127] : memref<10240x128xf32, #tpu.memory_space<vmem_shared>> -> memref<32x128xf32, #tpu.memory_space<vmem_shared>>
      %dma_start3A_129 = arith.constant 0 : i32
      %dma_start3A_130 = tpu.memref_slice %arg14[%add3A_16, %dma_start3A_129] : memref<10240x128xf32, #tpu.memory_space<vmem_shared>> -> memref<32x128xf32, #tpu.memory_space<vmem_shared>>
      tpu.enqueue_dma source(%arg13 : memref<32x128xf32, #tpu.memory_space<vmem>>) target(%dma_start3A_130 : memref<32x128xf32, #tpu.memory_space<vmem_shared>>) target_semaphore(%run_scoped3A : memref<!tpu.dma_semaphore, #tpu.memory_space<semaphore_mem>>)
      %dma_wait3A_131 = arith.constant 0 : i32
      %dma_wait3A_132 = tpu.memref_slice %arg14[%add3A_16, %dma_wait3A_131] : memref<10240x128xf32, #tpu.memory_space<vmem_shared>> -> memref<32x128xf32, #tpu.memory_space<vmem_shared>>
      %dma_wait3A_133 = arith.constant 0 : i32
      %dma_wait3A_134 = tpu.memref_slice %arg14[%add3A_16, %dma_wait3A_133] : memref<10240x128xf32, #tpu.memory_space<vmem_shared>> -> memref<32x128xf32, #tpu.memory_space<vmem_shared>>
      tpu.wait_dma2 semaphore(%run_scoped3A : memref<!tpu.dma_semaphore, #tpu.memory_space<semaphore_mem>>) src(%arg13 : memref<32x128xf32, #tpu.memory_space<vmem>>) dst(%dma_wait3A_134 : memref<32x128xf32, #tpu.memory_space<vmem_shared>>)
      tpu.yield
    }) : () -> ()
    %add3A_17 = arith.constant 96 : i32
    %add3A_18 = arith.addi %mul3A_10, %add3A_17 : i32
    "tpu.region"() ({
      %run_scoped3A = tpu.sem_alloc : memref<!tpu.dma_semaphore, #tpu.memory_space<semaphore_mem>>
      %dma_start3A_127 = arith.constant 0 : i32
      %dma_start3A_128 = tpu.memref_slice %arg14[%add3A_18, %dma_start3A_127] : memref<10240x128xf32, #tpu.memory_space<vmem_shared>> -> memref<32x128xf32, #tpu.memory_space<vmem_shared>>
      %dma_start3A_129 = arith.constant 0 : i32
      %dma_start3A_130 = tpu.memref_slice %arg14[%add3A_18, %dma_start3A_129] : memref<10240x128xf32, #tpu.memory_space<vmem_shared>> -> memref<32x128xf32, #tpu.memory_space<vmem_shared>>
      tpu.enqueue_dma source(%arg13 : memref<32x128xf32, #tpu.memory_space<vmem>>) target(%dma_start3A_130 : memref<32x128xf32, #tpu.memory_space<vmem_shared>>) target_semaphore(%run_scoped3A : memref<!tpu.dma_semaphore, #tpu.memory_space<semaphore_mem>>)
      %dma_wait3A_131 = arith.constant 0 : i32
      %dma_wait3A_132 = tpu.memref_slice %arg14[%add3A_18, %dma_wait3A_131] : memref<10240x128xf32, #tpu.memory_space<vmem_shared>> -> memref<32x128xf32, #tpu.memory_space<vmem_shared>>
      %dma_wait3A_133 = arith.constant 0 : i32
      %dma_wait3A_134 = tpu.memref_slice %arg14[%add3A_18, %dma_wait3A_133] : memref<10240x128xf32, #tpu.memory_space<vmem_shared>> -> memref<32x128xf32, #tpu.memory_space<vmem_shared>>
      tpu.wait_dma2 semaphore(%run_scoped3A : memref<!tpu.dma_semaphore, #tpu.memory_space<semaphore_mem>>) src(%arg13 : memref<32x128xf32, #tpu.memory_space<vmem>>) dst(%dma_wait3A_134 : memref<32x128xf32, #tpu.memory_space<vmem_shared>>)
      tpu.yield
    }) : () -> ()
    %add3A_19 = arith.constant 128 : i32
    %add3A_20 = arith.addi %mul3A_10, %add3A_19 : i32
    "tpu.region"() ({
      %run_scoped3A = tpu.sem_alloc : memref<!tpu.dma_semaphore, #tpu.memory_space<semaphore_mem>>
      %dma_start3A_127 = arith.constant 0 : i32
      %dma_start3A_128 = tpu.memref_slice %arg14[%add3A_20, %dma_start3A_127] : memref<10240x128xf32, #tpu.memory_space<vmem_shared>> -> memref<32x128xf32, #tpu.memory_space<vmem_shared>>
      %dma_start3A_129 = arith.constant 0 : i32
      %dma_start3A_130 = tpu.memref_slice %arg14[%add3A_20, %dma_start3A_129] : memref<10240x128xf32, #tpu.memory_space<vmem_shared>> -> memref<32x128xf32, #tpu.memory_space<vmem_shared>>
      tpu.enqueue_dma source(%arg13 : memref<32x128xf32, #tpu.memory_space<vmem>>) target(%dma_start3A_130 : memref<32x128xf32, #tpu.memory_space<vmem_shared>>) target_semaphore(%run_scoped3A : memref<!tpu.dma_semaphore, #tpu.memory_space<semaphore_mem>>)
      %dma_wait3A_131 = arith.constant 0 : i32
      %dma_wait3A_132 = tpu.memref_slice %arg14[%add3A_20, %dma_wait3A_131] : memref<10240x128xf32, #tpu.memory_space<vmem_shared>> -> memref<32x128xf32, #tpu.memory_space<vmem_shared>>
      %dma_wait3A_133 = arith.constant 0 : i32
      %dma_wait3A_134 = tpu.memref_slice %arg14[%add3A_20, %dma_wait3A_133] : memref<10240x128xf32, #tpu.memory_space<vmem_shared>> -> memref<32x128xf32, #tpu.memory_space<vmem_shared>>
      tpu.wait_dma2 semaphore(%run_scoped3A : memref<!tpu.dma_semaphore, #tpu.memory_space<semaphore_mem>>) src(%arg13 : memref<32x128xf32, #tpu.memory_space<vmem>>) dst(%dma_wait3A_134 : memref<32x128xf32, #tpu.memory_space<vmem_shared>>)
      tpu.yield
    }) : () -> ()
    %add3A_21 = arith.constant 160 : i32
    %add3A_22 = arith.addi %mul3A_10, %add3A_21 : i32
    "tpu.region"() ({
      %run_scoped3A = tpu.sem_alloc : memref<!tpu.dma_semaphore, #tpu.memory_space<semaphore_mem>>
      %dma_start3A_127 = arith.constant 0 : i32
      %dma_start3A_128 = tpu.memref_slice %arg14[%add3A_22, %dma_start3A_127] : memref<10240x128xf32, #tpu.memory_space<vmem_shared>> -> memref<32x128xf32, #tpu.memory_space<vmem_shared>>
      %dma_start3A_129 = arith.constant 0 : i32
      %dma_start3A_130 = tpu.memref_slice %arg14[%add3A_22, %dma_start3A_129] : memref<10240x128xf32, #tpu.memory_space<vmem_shared>> -> memref<32x128xf32, #tpu.memory_space<vmem_shared>>
      tpu.enqueue_dma source(%arg13 : memref<32x128xf32, #tpu.memory_space<vmem>>) target(%dma_start3A_130 : memref<32x128xf32, #tpu.memory_space<vmem_shared>>) target_semaphore(%run_scoped3A : memref<!tpu.dma_semaphore, #tpu.memory_space<semaphore_mem>>)
      %dma_wait3A_131 = arith.constant 0 : i32
      %dma_wait3A_132 = tpu.memref_slice %arg14[%add3A_22, %dma_wait3A_131] : memref<10240x128xf32, #tpu.memory_space<vmem_shared>> -> memref<32x128xf32, #tpu.memory_space<vmem_shared>>
      %dma_wait3A_133 = arith.constant 0 : i32
      %dma_wait3A_134 = tpu.memref_slice %arg14[%add3A_22, %dma_wait3A_133] : memref<10240x128xf32, #tpu.memory_space<vmem_shared>> -> memref<32x128xf32, #tpu.memory_space<vmem_shared>>
      tpu.wait_dma2 semaphore(%run_scoped3A : memref<!tpu.dma_semaphore, #tpu.memory_space<semaphore_mem>>) src(%arg13 : memref<32x128xf32, #tpu.memory_space<vmem>>) dst(%dma_wait3A_134 : memref<32x128xf32, #tpu.memory_space<vmem_shared>>)
      tpu.yield
    }) : () -> ()
    %add3A_23 = arith.constant 192 : i32
    %add3A_24 = arith.addi %mul3A_10, %add3A_23 : i32
    "tpu.region"() ({
      %run_scoped3A = tpu.sem_alloc : memref<!tpu.dma_semaphore, #tpu.memory_space<semaphore_mem>>
      %dma_start3A_127 = arith.constant 0 : i32
      %dma_start3A_128 = tpu.memref_slice %arg14[%add3A_24, %dma_start3A_127] : memref<10240x128xf32, #tpu.memory_space<vmem_shared>> -> memref<32x128xf32, #tpu.memory_space<vmem_shared>>
      %dma_start3A_129 = arith.constant 0 : i32
      %dma_start3A_130 = tpu.memref_slice %arg14[%add3A_24, %dma_start3A_129] : memref<10240x128xf32, #tpu.memory_space<vmem_shared>> -> memref<32x128xf32, #tpu.memory_space<vmem_shared>>
      tpu.enqueue_dma source(%arg13 : memref<32x128xf32, #tpu.memory_space<vmem>>) target(%dma_start3A_130 : memref<32x128xf32, #tpu.memory_space<vmem_shared>>) target_semaphore(%run_scoped3A : memref<!tpu.dma_semaphore, #tpu.memory_space<semaphore_mem>>)
      %dma_wait3A_131 = arith.constant 0 : i32
      %dma_wait3A_132 = tpu.memref_slice %arg14[%add3A_24, %dma_wait3A_131] : memref<10240x128xf32, #tpu.memory_space<vmem_shared>> -> memref<32x128xf32, #tpu.memory_space<vmem_shared>>
      %dma_wait3A_133 = arith.constant 0 : i32
      %dma_wait3A_134 = tpu.memref_slice %arg14[%add3A_24, %dma_wait3A_133] : memref<10240x128xf32, #tpu.memory_space<vmem_shared>> -> memref<32x128xf32, #tpu.memory_space<vmem_shared>>
      tpu.wait_dma2 semaphore(%run_scoped3A : memref<!tpu.dma_semaphore, #tpu.memory_space<semaphore_mem>>) src(%arg13 : memref<32x128xf32, #tpu.memory_space<vmem>>) dst(%dma_wait3A_134 : memref<32x128xf32, #tpu.memory_space<vmem_shared>>)
      tpu.yield
    }) : () -> ()
    %add3A_25 = arith.constant 224 : i32
    %add3A_26 = arith.addi %mul3A_10, %add3A_25 : i32
    "tpu.region"() ({
      %run_scoped3A = tpu.sem_alloc : memref<!tpu.dma_semaphore, #tpu.memory_space<semaphore_mem>>
      %dma_start3A_127 = arith.constant 0 : i32
      %dma_start3A_128 = tpu.memref_slice %arg14[%add3A_26, %dma_start3A_127] : memref<10240x128xf32, #tpu.memory_space<vmem_shared>> -> memref<32x128xf32, #tpu.memory_space<vmem_shared>>
      %dma_start3A_129 = arith.constant 0 : i32
      %dma_start3A_130 = tpu.memref_slice %arg14[%add3A_26, %dma_start3A_129] : memref<10240x128xf32, #tpu.memory_space<vmem_shared>> -> memref<32x128xf32, #tpu.memory_space<vmem_shared>>
      tpu.enqueue_dma source(%arg13 : memref<32x128xf32, #tpu.memory_space<vmem>>) target(%dma_start3A_130 : memref<32x128xf32, #tpu.memory_space<vmem_shared>>) target_semaphore(%run_scoped3A : memref<!tpu.dma_semaphore, #tpu.memory_space<semaphore_mem>>)
      %dma_wait3A_131 = arith.constant 0 : i32
      %dma_wait3A_132 = tpu.memref_slice %arg14[%add3A_26, %dma_wait3A_131] : memref<10240x128xf32, #tpu.memory_space<vmem_shared>> -> memref<32x128xf32, #tpu.memory_space<vmem_shared>>
      %dma_wait3A_133 = arith.constant 0 : i32
      %dma_wait3A_134 = tpu.memref_slice %arg14[%add3A_26, %dma_wait3A_133] : memref<10240x128xf32, #tpu.memory_space<vmem_shared>> -> memref<32x128xf32, #tpu.memory_space<vmem_shared>>
      tpu.wait_dma2 semaphore(%run_scoped3A : memref<!tpu.dma_semaphore, #tpu.memory_space<semaphore_mem>>) src(%arg13 : memref<32x128xf32, #tpu.memory_space<vmem>>) dst(%dma_wait3A_134 : memref<32x128xf32, #tpu.memory_space<vmem_shared>>)
      tpu.yield
    }) : () -> ()
    %add3A_27 = arith.constant 256 : i32
    %add3A_28 = arith.addi %mul3A_10, %add3A_27 : i32
    "tpu.region"() ({
      %run_scoped3A = tpu.sem_alloc : memref<!tpu.dma_semaphore, #tpu.memory_space<semaphore_mem>>
      %dma_start3A_127 = arith.constant 0 : i32
      %dma_start3A_128 = tpu.memref_slice %arg14[%add3A_28, %dma_start3A_127] : memref<10240x128xf32, #tpu.memory_space<vmem_shared>> -> memref<32x128xf32, #tpu.memory_space<vmem_shared>>
      %dma_start3A_129 = arith.constant 0 : i32
      %dma_start3A_130 = tpu.memref_slice %arg14[%add3A_28, %dma_start3A_129] : memref<10240x128xf32, #tpu.memory_space<vmem_shared>> -> memref<32x128xf32, #tpu.memory_space<vmem_shared>>
      tpu.enqueue_dma source(%arg13 : memref<32x128xf32, #tpu.memory_space<vmem>>) target(%dma_start3A_130 : memref<32x128xf32, #tpu.memory_space<vmem_shared>>) target_semaphore(%run_scoped3A : memref<!tpu.dma_semaphore, #tpu.memory_space<semaphore_mem>>)
      %dma_wait3A_131 = arith.constant 0 : i32
      %dma_wait3A_132 = tpu.memref_slice %arg14[%add3A_28, %dma_wait3A_131] : memref<10240x128xf32, #tpu.memory_space<vmem_shared>> -> memref<32x128xf32, #tpu.memory_space<vmem_shared>>
      %dma_wait3A_133 = arith.constant 0 : i32
      %dma_wait3A_134 = tpu.memref_slice %arg14[%add3A_28, %dma_wait3A_133] : memref<10240x128xf32, #tpu.memory_space<vmem_shared>> -> memref<32x128xf32, #tpu.memory_space<vmem_shared>>
      tpu.wait_dma2 semaphore(%run_scoped3A : memref<!tpu.dma_semaphore, #tpu.memory_space<semaphore_mem>>) src(%arg13 : memref<32x128xf32, #tpu.memory_space<vmem>>) dst(%dma_wait3A_134 : memref<32x128xf32, #tpu.memory_space<vmem_shared>>)
      tpu.yield
    }) : () -> ()
    %add3A_29 = arith.constant 288 : i32
    %add3A_30 = arith.addi %mul3A_10, %add3A_29 : i32
    "tpu.region"() ({
      %run_scoped3A = tpu.sem_alloc : memref<!tpu.dma_semaphore, #tpu.memory_space<semaphore_mem>>
      %dma_start3A_127 = arith.constant 0 : i32
      %dma_start3A_128 = tpu.memref_slice %arg14[%add3A_30, %dma_start3A_127] : memref<10240x128xf32, #tpu.memory_space<vmem_shared>> -> memref<32x128xf32, #tpu.memory_space<vmem_shared>>
      %dma_start3A_129 = arith.constant 0 : i32
      %dma_start3A_130 = tpu.memref_slice %arg14[%add3A_30, %dma_start3A_129] : memref<10240x128xf32, #tpu.memory_space<vmem_shared>> -> memref<32x128xf32, #tpu.memory_space<vmem_shared>>
      tpu.enqueue_dma source(%arg13 : memref<32x128xf32, #tpu.memory_space<vmem>>) target(%dma_start3A_130 : memref<32x128xf32, #tpu.memory_space<vmem_shared>>) target_semaphore(%run_scoped3A : memref<!tpu.dma_semaphore, #tpu.memory_space<semaphore_mem>>)
      %dma_wait3A_131 = arith.constant 0 : i32
      %dma_wait3A_132 = tpu.memref_slice %arg14[%add3A_30, %dma_wait3A_131] : memref<10240x128xf32, #tpu.memory_space<vmem_shared>> -> memref<32x128xf32, #tpu.memory_space<vmem_shared>>
      %dma_wait3A_133 = arith.constant 0 : i32
      %dma_wait3A_134 = tpu.memref_slice %arg14[%add3A_30, %dma_wait3A_133] : memref<10240x128xf32, #tpu.memory_space<vmem_shared>> -> memref<32x128xf32, #tpu.memory_space<vmem_shared>>
      tpu.wait_dma2 semaphore(%run_scoped3A : memref<!tpu.dma_semaphore, #tpu.memory_space<semaphore_mem>>) src(%arg13 : memref<32x128xf32, #tpu.memory_space<vmem>>) dst(%dma_wait3A_134 : memref<32x128xf32, #tpu.memory_space<vmem_shared>>)
      tpu.yield
    }) : () -> ()
    %add3A_31 = arith.constant 320 : i32
    %add3A_32 = arith.addi %mul3A_10, %add3A_31 : i32
    "tpu.region"() ({
      %run_scoped3A = tpu.sem_alloc : memref<!tpu.dma_semaphore, #tpu.memory_space<semaphore_mem>>
      %dma_start3A_127 = arith.constant 0 : i32
      %dma_start3A_128 = tpu.memref_slice %arg14[%add3A_32, %dma_start3A_127] : memref<10240x128xf32, #tpu.memory_space<vmem_shared>> -> memref<32x128xf32, #tpu.memory_space<vmem_shared>>
      %dma_start3A_129 = arith.constant 0 : i32
      %dma_start3A_130 = tpu.memref_slice %arg14[%add3A_32, %dma_start3A_129] : memref<10240x128xf32, #tpu.memory_space<vmem_shared>> -> memref<32x128xf32, #tpu.memory_space<vmem_shared>>
      tpu.enqueue_dma source(%arg13 : memref<32x128xf32, #tpu.memory_space<vmem>>) target(%dma_start3A_130 : memref<32x128xf32, #tpu.memory_space<vmem_shared>>) target_semaphore(%run_scoped3A : memref<!tpu.dma_semaphore, #tpu.memory_space<semaphore_mem>>)
      %dma_wait3A_131 = arith.constant 0 : i32
      %dma_wait3A_132 = tpu.memref_slice %arg14[%add3A_32, %dma_wait3A_131] : memref<10240x128xf32, #tpu.memory_space<vmem_shared>> -> memref<32x128xf32, #tpu.memory_space<vmem_shared>>
      %dma_wait3A_133 = arith.constant 0 : i32
      %dma_wait3A_134 = tpu.memref_slice %arg14[%add3A_32, %dma_wait3A_133] : memref<10240x128xf32, #tpu.memory_space<vmem_shared>> -> memref<32x128xf32, #tpu.memory_space<vmem_shared>>
      tpu.wait_dma2 semaphore(%run_scoped3A : memref<!tpu.dma_semaphore, #tpu.memory_space<semaphore_mem>>) src(%arg13 : memref<32x128xf32, #tpu.memory_space<vmem>>) dst(%dma_wait3A_134 : memref<32x128xf32, #tpu.memory_space<vmem_shared>>)
      tpu.yield
    }) : () -> ()
    %add3A_33 = arith.constant 352 : i32
    %add3A_34 = arith.addi %mul3A_10, %add3A_33 : i32
    "tpu.region"() ({
      %run_scoped3A = tpu.sem_alloc : memref<!tpu.dma_semaphore, #tpu.memory_space<semaphore_mem>>
      %dma_start3A_127 = arith.constant 0 : i32
      %dma_start3A_128 = tpu.memref_slice %arg14[%add3A_34, %dma_start3A_127] : memref<10240x128xf32, #tpu.memory_space<vmem_shared>> -> memref<32x128xf32, #tpu.memory_space<vmem_shared>>
      %dma_start3A_129 = arith.constant 0 : i32
      %dma_start3A_130 = tpu.memref_slice %arg14[%add3A_34, %dma_start3A_129] : memref<10240x128xf32, #tpu.memory_space<vmem_shared>> -> memref<32x128xf32, #tpu.memory_space<vmem_shared>>
      tpu.enqueue_dma source(%arg13 : memref<32x128xf32, #tpu.memory_space<vmem>>) target(%dma_start3A_130 : memref<32x128xf32, #tpu.memory_space<vmem_shared>>) target_semaphore(%run_scoped3A : memref<!tpu.dma_semaphore, #tpu.memory_space<semaphore_mem>>)
      %dma_wait3A_131 = arith.constant 0 : i32
      %dma_wait3A_132 = tpu.memref_slice %arg14[%add3A_34, %dma_wait3A_131] : memref<10240x128xf32, #tpu.memory_space<vmem_shared>> -> memref<32x128xf32, #tpu.memory_space<vmem_shared>>
      %dma_wait3A_133 = arith.constant 0 : i32
      %dma_wait3A_134 = tpu.memref_slice %arg14[%add3A_34, %dma_wait3A_133] : memref<10240x128xf32, #tpu.memory_space<vmem_shared>> -> memref<32x128xf32, #tpu.memory_space<vmem_shared>>
      tpu.wait_dma2 semaphore(%run_scoped3A : memref<!tpu.dma_semaphore, #tpu.memory_space<semaphore_mem>>) src(%arg13 : memref<32x128xf32, #tpu.memory_space<vmem>>) dst(%dma_wait3A_134 : memref<32x128xf32, #tpu.memory_space<vmem_shared>>)
      tpu.yield
    }) : () -> ()
    %add3A_35 = arith.constant 384 : i32
    %add3A_36 = arith.addi %mul3A_10, %add3A_35 : i32
    "tpu.region"() ({
      %run_scoped3A = tpu.sem_alloc : memref<!tpu.dma_semaphore, #tpu.memory_space<semaphore_mem>>
      %dma_start3A_127 = arith.constant 0 : i32
      %dma_start3A_128 = tpu.memref_slice %arg14[%add3A_36, %dma_start3A_127] : memref<10240x128xf32, #tpu.memory_space<vmem_shared>> -> memref<32x128xf32, #tpu.memory_space<vmem_shared>>
      %dma_start3A_129 = arith.constant 0 : i32
      %dma_start3A_130 = tpu.memref_slice %arg14[%add3A_36, %dma_start3A_129] : memref<10240x128xf32, #tpu.memory_space<vmem_shared>> -> memref<32x128xf32, #tpu.memory_space<vmem_shared>>
      tpu.enqueue_dma source(%arg13 : memref<32x128xf32, #tpu.memory_space<vmem>>) target(%dma_start3A_130 : memref<32x128xf32, #tpu.memory_space<vmem_shared>>) target_semaphore(%run_scoped3A : memref<!tpu.dma_semaphore, #tpu.memory_space<semaphore_mem>>)
      %dma_wait3A_131 = arith.constant 0 : i32
      %dma_wait3A_132 = tpu.memref_slice %arg14[%add3A_36, %dma_wait3A_131] : memref<10240x128xf32, #tpu.memory_space<vmem_shared>> -> memref<32x128xf32, #tpu.memory_space<vmem_shared>>
      %dma_wait3A_133 = arith.constant 0 : i32
      %dma_wait3A_134 = tpu.memref_slice %arg14[%add3A_36, %dma_wait3A_133] : memref<10240x128xf32, #tpu.memory_space<vmem_shared>> -> memref<32x128xf32, #tpu.memory_space<vmem_shared>>
      tpu.wait_dma2 semaphore(%run_scoped3A : memref<!tpu.dma_semaphore, #tpu.memory_space<semaphore_mem>>) src(%arg13 : memref<32x128xf32, #tpu.memory_space<vmem>>) dst(%dma_wait3A_134 : memref<32x128xf32, #tpu.memory_space<vmem_shared>>)
      tpu.yield
    }) : () -> ()
    %add3A_37 = arith.constant 416 : i32
    %add3A_38 = arith.addi %mul3A_10, %add3A_37 : i32
    "tpu.region"() ({
      %run_scoped3A = tpu.sem_alloc : memref<!tpu.dma_semaphore, #tpu.memory_space<semaphore_mem>>
      %dma_start3A_127 = arith.constant 0 : i32
      %dma_start3A_128 = tpu.memref_slice %arg14[%add3A_38, %dma_start3A_127] : memref<10240x128xf32, #tpu.memory_space<vmem_shared>> -> memref<32x128xf32, #tpu.memory_space<vmem_shared>>
      %dma_start3A_129 = arith.constant 0 : i32
      %dma_start3A_130 = tpu.memref_slice %arg14[%add3A_38, %dma_start3A_129] : memref<10240x128xf32, #tpu.memory_space<vmem_shared>> -> memref<32x128xf32, #tpu.memory_space<vmem_shared>>
      tpu.enqueue_dma source(%arg13 : memref<32x128xf32, #tpu.memory_space<vmem>>) target(%dma_start3A_130 : memref<32x128xf32, #tpu.memory_space<vmem_shared>>) target_semaphore(%run_scoped3A : memref<!tpu.dma_semaphore, #tpu.memory_space<semaphore_mem>>)
      %dma_wait3A_131 = arith.constant 0 : i32
      %dma_wait3A_132 = tpu.memref_slice %arg14[%add3A_38, %dma_wait3A_131] : memref<10240x128xf32, #tpu.memory_space<vmem_shared>> -> memref<32x128xf32, #tpu.memory_space<vmem_shared>>
      %dma_wait3A_133 = arith.constant 0 : i32
      %dma_wait3A_134 = tpu.memref_slice %arg14[%add3A_38, %dma_wait3A_133] : memref<10240x128xf32, #tpu.memory_space<vmem_shared>> -> memref<32x128xf32, #tpu.memory_space<vmem_shared>>
      tpu.wait_dma2 semaphore(%run_scoped3A : memref<!tpu.dma_semaphore, #tpu.memory_space<semaphore_mem>>) src(%arg13 : memref<32x128xf32, #tpu.memory_space<vmem>>) dst(%dma_wait3A_134 : memref<32x128xf32, #tpu.memory_space<vmem_shared>>)
      tpu.yield
    }) : () -> ()
    %add3A_39 = arith.constant 448 : i32
    %add3A_40 = arith.addi %mul3A_10, %add3A_39 : i32
    "tpu.region"() ({
      %run_scoped3A = tpu.sem_alloc : memref<!tpu.dma_semaphore, #tpu.memory_space<semaphore_mem>>
      %dma_start3A_127 = arith.constant 0 : i32
      %dma_start3A_128 = tpu.memref_slice %arg14[%add3A_40, %dma_start3A_127] : memref<10240x128xf32, #tpu.memory_space<vmem_shared>> -> memref<32x128xf32, #tpu.memory_space<vmem_shared>>
      %dma_start3A_129 = arith.constant 0 : i32
      %dma_start3A_130 = tpu.memref_slice %arg14[%add3A_40, %dma_start3A_129] : memref<10240x128xf32, #tpu.memory_space<vmem_shared>> -> memref<32x128xf32, #tpu.memory_space<vmem_shared>>
      tpu.enqueue_dma source(%arg13 : memref<32x128xf32, #tpu.memory_space<vmem>>) target(%dma_start3A_130 : memref<32x128xf32, #tpu.memory_space<vmem_shared>>) target_semaphore(%run_scoped3A : memref<!tpu.dma_semaphore, #tpu.memory_space<semaphore_mem>>)
      %dma_wait3A_131 = arith.constant 0 : i32
      %dma_wait3A_132 = tpu.memref_slice %arg14[%add3A_40, %dma_wait3A_131] : memref<10240x128xf32, #tpu.memory_space<vmem_shared>> -> memref<32x128xf32, #tpu.memory_space<vmem_shared>>
      %dma_wait3A_133 = arith.constant 0 : i32
      %dma_wait3A_134 = tpu.memref_slice %arg14[%add3A_40, %dma_wait3A_133] : memref<10240x128xf32, #tpu.memory_space<vmem_shared>> -> memref<32x128xf32, #tpu.memory_space<vmem_shared>>
      tpu.wait_dma2 semaphore(%run_scoped3A : memref<!tpu.dma_semaphore, #tpu.memory_space<semaphore_mem>>) src(%arg13 : memref<32x128xf32, #tpu.memory_space<vmem>>) dst(%dma_wait3A_134 : memref<32x128xf32, #tpu.memory_space<vmem_shared>>)
      tpu.yield
    }) : () -> ()
    %add3A_41 = arith.constant 480 : i32
    %add3A_42 = arith.addi %mul3A_10, %add3A_41 : i32
    "tpu.region"() ({
      %run_scoped3A = tpu.sem_alloc : memref<!tpu.dma_semaphore, #tpu.memory_space<semaphore_mem>>
      %dma_start3A_127 = arith.constant 0 : i32
      %dma_start3A_128 = tpu.memref_slice %arg14[%add3A_42, %dma_start3A_127] : memref<10240x128xf32, #tpu.memory_space<vmem_shared>> -> memref<32x128xf32, #tpu.memory_space<vmem_shared>>
      %dma_start3A_129 = arith.constant 0 : i32
      %dma_start3A_130 = tpu.memref_slice %arg14[%add3A_42, %dma_start3A_129] : memref<10240x128xf32, #tpu.memory_space<vmem_shared>> -> memref<32x128xf32, #tpu.memory_space<vmem_shared>>
      tpu.enqueue_dma source(%arg13 : memref<32x128xf32, #tpu.memory_space<vmem>>) target(%dma_start3A_130 : memref<32x128xf32, #tpu.memory_space<vmem_shared>>) target_semaphore(%run_scoped3A : memref<!tpu.dma_semaphore, #tpu.memory_space<semaphore_mem>>)
      %dma_wait3A_131 = arith.constant 0 : i32
      %dma_wait3A_132 = tpu.memref_slice %arg14[%add3A_42, %dma_wait3A_131] : memref<10240x128xf32, #tpu.memory_space<vmem_shared>> -> memref<32x128xf32, #tpu.memory_space<vmem_shared>>
      %dma_wait3A_133 = arith.constant 0 : i32
      %dma_wait3A_134 = tpu.memref_slice %arg14[%add3A_42, %dma_wait3A_133] : memref<10240x128xf32, #tpu.memory_space<vmem_shared>> -> memref<32x128xf32, #tpu.memory_space<vmem_shared>>
      tpu.wait_dma2 semaphore(%run_scoped3A : memref<!tpu.dma_semaphore, #tpu.memory_space<semaphore_mem>>) src(%arg13 : memref<32x128xf32, #tpu.memory_space<vmem>>) dst(%dma_wait3A_134 : memref<32x128xf32, #tpu.memory_space<vmem_shared>>)
      tpu.yield
    }) : () -> ()
    %add3A_43 = arith.constant 512 : i32
    %add3A_44 = arith.addi %mul3A_10, %add3A_43 : i32
    "tpu.region"() ({
      %run_scoped3A = tpu.sem_alloc : memref<!tpu.dma_semaphore, #tpu.memory_space<semaphore_mem>>
      %dma_start3A_127 = arith.constant 0 : i32
      %dma_start3A_128 = tpu.memref_slice %arg14[%add3A_44, %dma_start3A_127] : memref<10240x128xf32, #tpu.memory_space<vmem_shared>> -> memref<32x128xf32, #tpu.memory_space<vmem_shared>>
      %dma_start3A_129 = arith.constant 0 : i32
      %dma_start3A_130 = tpu.memref_slice %arg14[%add3A_44, %dma_start3A_129] : memref<10240x128xf32, #tpu.memory_space<vmem_shared>> -> memref<32x128xf32, #tpu.memory_space<vmem_shared>>
      tpu.enqueue_dma source(%arg13 : memref<32x128xf32, #tpu.memory_space<vmem>>) target(%dma_start3A_130 : memref<32x128xf32, #tpu.memory_space<vmem_shared>>) target_semaphore(%run_scoped3A : memref<!tpu.dma_semaphore, #tpu.memory_space<semaphore_mem>>)
      %dma_wait3A_131 = arith.constant 0 : i32
      %dma_wait3A_132 = tpu.memref_slice %arg14[%add3A_44, %dma_wait3A_131] : memref<10240x128xf32, #tpu.memory_space<vmem_shared>> -> memref<32x128xf32, #tpu.memory_space<vmem_shared>>
      %dma_wait3A_133 = arith.constant 0 : i32
      %dma_wait3A_134 = tpu.memref_slice %arg14[%add3A_44, %dma_wait3A_133] : memref<10240x128xf32, #tpu.memory_space<vmem_shared>> -> memref<32x128xf32, #tpu.memory_space<vmem_shared>>
      tpu.wait_dma2 semaphore(%run_scoped3A : memref<!tpu.dma_semaphore, #tpu.memory_space<semaphore_mem>>) src(%arg13 : memref<32x128xf32, #tpu.memory_space<vmem>>) dst(%dma_wait3A_134 : memref<32x128xf32, #tpu.memory_space<vmem_shared>>)
      tpu.yield
    }) : () -> ()
    %add3A_45 = arith.constant 544 : i32
    %add3A_46 = arith.addi %mul3A_10, %add3A_45 : i32
    "tpu.region"() ({
      %run_scoped3A = tpu.sem_alloc : memref<!tpu.dma_semaphore, #tpu.memory_space<semaphore_mem>>
      %dma_start3A_127 = arith.constant 0 : i32
      %dma_start3A_128 = tpu.memref_slice %arg14[%add3A_46, %dma_start3A_127] : memref<10240x128xf32, #tpu.memory_space<vmem_shared>> -> memref<32x128xf32, #tpu.memory_space<vmem_shared>>
      %dma_start3A_129 = arith.constant 0 : i32
      %dma_start3A_130 = tpu.memref_slice %arg14[%add3A_46, %dma_start3A_129] : memref<10240x128xf32, #tpu.memory_space<vmem_shared>> -> memref<32x128xf32, #tpu.memory_space<vmem_shared>>
      tpu.enqueue_dma source(%arg13 : memref<32x128xf32, #tpu.memory_space<vmem>>) target(%dma_start3A_130 : memref<32x128xf32, #tpu.memory_space<vmem_shared>>) target_semaphore(%run_scoped3A : memref<!tpu.dma_semaphore, #tpu.memory_space<semaphore_mem>>)
      %dma_wait3A_131 = arith.constant 0 : i32
      %dma_wait3A_132 = tpu.memref_slice %arg14[%add3A_46, %dma_wait3A_131] : memref<10240x128xf32, #tpu.memory_space<vmem_shared>> -> memref<32x128xf32, #tpu.memory_space<vmem_shared>>
      %dma_wait3A_133 = arith.constant 0 : i32
      %dma_wait3A_134 = tpu.memref_slice %arg14[%add3A_46, %dma_wait3A_133] : memref<10240x128xf32, #tpu.memory_space<vmem_shared>> -> memref<32x128xf32, #tpu.memory_space<vmem_shared>>
      tpu.wait_dma2 semaphore(%run_scoped3A : memref<!tpu.dma_semaphore, #tpu.memory_space<semaphore_mem>>) src(%arg13 : memref<32x128xf32, #tpu.memory_space<vmem>>) dst(%dma_wait3A_134 : memref<32x128xf32, #tpu.memory_space<vmem_shared>>)
      tpu.yield
    }) : () -> ()
    %add3A_47 = arith.constant 576 : i32
    %add3A_48 = arith.addi %mul3A_10, %add3A_47 : i32
    "tpu.region"() ({
      %run_scoped3A = tpu.sem_alloc : memref<!tpu.dma_semaphore, #tpu.memory_space<semaphore_mem>>
      %dma_start3A_127 = arith.constant 0 : i32
      %dma_start3A_128 = tpu.memref_slice %arg14[%add3A_48, %dma_start3A_127] : memref<10240x128xf32, #tpu.memory_space<vmem_shared>> -> memref<32x128xf32, #tpu.memory_space<vmem_shared>>
      %dma_start3A_129 = arith.constant 0 : i32
      %dma_start3A_130 = tpu.memref_slice %arg14[%add3A_48, %dma_start3A_129] : memref<10240x128xf32, #tpu.memory_space<vmem_shared>> -> memref<32x128xf32, #tpu.memory_space<vmem_shared>>
      tpu.enqueue_dma source(%arg13 : memref<32x128xf32, #tpu.memory_space<vmem>>) target(%dma_start3A_130 : memref<32x128xf32, #tpu.memory_space<vmem_shared>>) target_semaphore(%run_scoped3A : memref<!tpu.dma_semaphore, #tpu.memory_space<semaphore_mem>>)
      %dma_wait3A_131 = arith.constant 0 : i32
      %dma_wait3A_132 = tpu.memref_slice %arg14[%add3A_48, %dma_wait3A_131] : memref<10240x128xf32, #tpu.memory_space<vmem_shared>> -> memref<32x128xf32, #tpu.memory_space<vmem_shared>>
      %dma_wait3A_133 = arith.constant 0 : i32
      %dma_wait3A_134 = tpu.memref_slice %arg14[%add3A_48, %dma_wait3A_133] : memref<10240x128xf32, #tpu.memory_space<vmem_shared>> -> memref<32x128xf32, #tpu.memory_space<vmem_shared>>
      tpu.wait_dma2 semaphore(%run_scoped3A : memref<!tpu.dma_semaphore, #tpu.memory_space<semaphore_mem>>) src(%arg13 : memref<32x128xf32, #tpu.memory_space<vmem>>) dst(%dma_wait3A_134 : memref<32x128xf32, #tpu.memory_space<vmem_shared>>)
      tpu.yield
    }) : () -> ()
    %add3A_49 = arith.constant 608 : i32
    %add3A_50 = arith.addi %mul3A_10, %add3A_49 : i32
    "tpu.region"() ({
      %run_scoped3A = tpu.sem_alloc : memref<!tpu.dma_semaphore, #tpu.memory_space<semaphore_mem>>
      %dma_start3A_127 = arith.constant 0 : i32
      %dma_start3A_128 = tpu.memref_slice %arg14[%add3A_50, %dma_start3A_127] : memref<10240x128xf32, #tpu.memory_space<vmem_shared>> -> memref<32x128xf32, #tpu.memory_space<vmem_shared>>
      %dma_start3A_129 = arith.constant 0 : i32
      %dma_start3A_130 = tpu.memref_slice %arg14[%add3A_50, %dma_start3A_129] : memref<10240x128xf32, #tpu.memory_space<vmem_shared>> -> memref<32x128xf32, #tpu.memory_space<vmem_shared>>
      tpu.enqueue_dma source(%arg13 : memref<32x128xf32, #tpu.memory_space<vmem>>) target(%dma_start3A_130 : memref<32x128xf32, #tpu.memory_space<vmem_shared>>) target_semaphore(%run_scoped3A : memref<!tpu.dma_semaphore, #tpu.memory_space<semaphore_mem>>)
      %dma_wait3A_131 = arith.constant 0 : i32
      %dma_wait3A_132 = tpu.memref_slice %arg14[%add3A_50, %dma_wait3A_131] : memref<10240x128xf32, #tpu.memory_space<vmem_shared>> -> memref<32x128xf32, #tpu.memory_space<vmem_shared>>
      %dma_wait3A_133 = arith.constant 0 : i32
      %dma_wait3A_134 = tpu.memref_slice %arg14[%add3A_50, %dma_wait3A_133] : memref<10240x128xf32, #tpu.memory_space<vmem_shared>> -> memref<32x128xf32, #tpu.memory_space<vmem_shared>>
      tpu.wait_dma2 semaphore(%run_scoped3A : memref<!tpu.dma_semaphore, #tpu.memory_space<semaphore_mem>>) src(%arg13 : memref<32x128xf32, #tpu.memory_space<vmem>>) dst(%dma_wait3A_134 : memref<32x128xf32, #tpu.memory_space<vmem_shared>>)
      tpu.yield
    }) : () -> ()
    %barrier3A = arith.constant 0 : index
    tpu.barrier barrier_id(%barrier3A)
    %mul3A_51 = arith.constant 0 : i32
    %mul3A_52 = arith.constant 80 : i32
    %mul3A_53 = arith.muli %mul3A_51, %mul3A_52 : i32
    %multiple_of3A = tpu.assume_multiple %mul3A_53, 16 : i32
    %add3A_54 = arith.addi %mul3A_0, %multiple_of3A : i32
    %dma_start3A = tpu.memref_slice %arg4[%add3A_54] : memref<160000xi32, #tpu.memory_space<hbm>> -> memref<80xi32, #tpu.memory_space<hbm>>
    %dma_start3A_55 = tpu.memref_slice %arg4[%add3A_54] : memref<160000xi32, #tpu.memory_space<hbm>> -> memref<80xi32, #tpu.memory_space<hbm>>
    tpu.enqueue_dma source(%dma_start3A_55 : memref<80xi32, #tpu.memory_space<hbm>>) target(%arg7 : memref<80xi32, #tpu.memory_space<vmem>>) target_semaphore(%arg18 : memref<!tpu.dma_semaphore, #tpu.memory_space<semaphore_mem>>)
    %dma_start3A_56 = tpu.memref_slice %arg6[%multiple_of3A] : memref<10000xi32, #tpu.memory_space<vmem>> -> memref<80xi32, #tpu.memory_space<vmem>>
    %dma_start3A_57 = arith.constant 0 : i32
    %dma_start3A_58 = arith.constant 0 : i32
    %dma_start3A_59 = tpu.memref_slice %arg2[%dma_start3A_57, %dma_start3A_58] : memref<20480x128xf32, #tpu.memory_space<hbm>> -> memref<20480x128xf32, #tpu.memory_space<hbm>>
    tpu.enqueue_indirect_dma source(%dma_start3A_59 : memref<20480x128xf32, #tpu.memory_space<hbm>>) target(%arg10 : memref<80x128xf32, #tpu.memory_space<vmem>>) offsets(%dma_start3A_56 : memref<80xi32, #tpu.memory_space<vmem>>) semaphore(%arg15 : memref<!tpu.dma_semaphore, #tpu.memory_space<semaphore_mem>>)
    %mul3A_60 = arith.constant 1 : i32
    %mul3A_61 = arith.constant 80 : i32
    %mul3A_62 = arith.muli %mul3A_60, %mul3A_61 : i32
    %multiple_of3A_63 = tpu.assume_multiple %mul3A_62, 16 : i32
    %add3A_64 = arith.addi %mul3A_0, %multiple_of3A_63 : i32
    %dma_start3A_65 = tpu.memref_slice %arg4[%add3A_64] : memref<160000xi32, #tpu.memory_space<hbm>> -> memref<80xi32, #tpu.memory_space<hbm>>
    %dma_start3A_66 = tpu.memref_slice %arg4[%add3A_64] : memref<160000xi32, #tpu.memory_space<hbm>> -> memref<80xi32, #tpu.memory_space<hbm>>
    tpu.enqueue_dma source(%dma_start3A_66 : memref<80xi32, #tpu.memory_space<hbm>>) target(%arg8 : memref<80xi32, #tpu.memory_space<vmem>>) target_semaphore(%arg19 : memref<!tpu.dma_semaphore, #tpu.memory_space<semaphore_mem>>)
    %dma_start3A_67 = tpu.memref_slice %arg6[%multiple_of3A_63] : memref<10000xi32, #tpu.memory_space<vmem>> -> memref<80xi32, #tpu.memory_space<vmem>>
    %dma_start3A_68 = arith.constant 0 : i32
    %dma_start3A_69 = arith.constant 0 : i32
    %dma_start3A_70 = tpu.memref_slice %arg2[%dma_start3A_68, %dma_start3A_69] : memref<20480x128xf32, #tpu.memory_space<hbm>> -> memref<20480x128xf32, #tpu.memory_space<hbm>>
    tpu.enqueue_indirect_dma source(%dma_start3A_70 : memref<20480x128xf32, #tpu.memory_space<hbm>>) target(%arg11 : memref<80x128xf32, #tpu.memory_space<vmem>>) offsets(%dma_start3A_67 : memref<80xi32, #tpu.memory_space<vmem>>) semaphore(%arg16 : memref<!tpu.dma_semaphore, #tpu.memory_space<semaphore_mem>>)
    %scan3A_71 = arith.constant 0 : i32
    %scan3A_72 = arith.constant 0 : i32
    %scan3A_73 = arith.constant 42 : i32
    %scan3A_74 = arith.addi %scan3A_72, %scan3A_73 : i32
    %scan3A_75 = arith.constant 1 : i32
    %scan3A_76 = scf.for %scan3A_127 = %scan3A_72 to %scan3A_74 step %scan3A_75 iter_args(%scan3A_128 = %scan3A_71) -> (i32)  : i32 {
      %mul3A_129 = arith.constant 3 : i32
      %mul3A_130 = arith.muli %scan3A_127, %mul3A_129 : i32
      %add3A_131 = arith.constant 0 : i32
      %add3A_132 = arith.addi %mul3A_130, %add3A_131 : i32
      %lt3A = arith.constant 125 : i32
      %lt3A_133 = arith.cmpi slt, %add3A_132, %lt3A : i32
      %convert_element_type3A = arith.extui %lt3A_133 : i1 to i32
      %cond3A = arith.constant 0 : i32
      %cond3A_134 = arith.cmpi ne, %convert_element_type3A, %cond3A : i32
      scf.if %cond3A_134 {
        %mul3A_154 = arith.constant 80 : i32
        %mul3A_155 = arith.muli %add3A_132, %mul3A_154 : i32
        %multiple_of3A_156 = tpu.assume_multiple %mul3A_155, 16 : i32
        %dma_wait3A_157 = tpu.memref_slice %arg6[%multiple_of3A_156] : memref<10000xi32, #tpu.memory_space<vmem>> -> memref<80xi32, #tpu.memory_space<vmem>>
        %dma_wait3A_158 = arith.constant 0 : i32
        %dma_wait3A_159 = arith.constant 0 : i32
        %dma_wait3A_160 = tpu.memref_slice %arg2[%dma_wait3A_158, %dma_wait3A_159] : memref<20480x128xf32, #tpu.memory_space<hbm>> -> memref<20480x128xf32, #tpu.memory_space<hbm>>
        tpu.wait_indirect_dma semaphore(%arg15 : memref<!tpu.dma_semaphore, #tpu.memory_space<semaphore_mem>>) src(%dma_wait3A_160 : memref<20480x128xf32, #tpu.memory_space<hbm>>) dst(%arg10 : memref<80x128xf32, #tpu.memory_space<vmem>>)
        %dma_wait3A_161 = tpu.memref_slice %arg4[%mul3A_0] : memref<160000xi32, #tpu.memory_space<hbm>> -> memref<80xi32, #tpu.memory_space<hbm>>
        %dma_wait3A_162 = tpu.memref_slice %arg4[%mul3A_0] : memref<160000xi32, #tpu.memory_space<hbm>> -> memref<80xi32, #tpu.memory_space<hbm>>
        tpu.wait_dma2 semaphore(%arg18 : memref<!tpu.dma_semaphore, #tpu.memory_space<semaphore_mem>>) src(%dma_wait3A_162 : memref<80xi32, #tpu.memory_space<hbm>>) dst(%arg7 : memref<80xi32, #tpu.memory_space<vmem>>)
        %dma_start3A_163 = arith.constant 0 : i32
        %dma_start3A_164 = arith.constant 0 : i32
        %dma_start3A_165 = tpu.memref_slice %arg14[%dma_start3A_163, %dma_start3A_164] : memref<10240x128xf32, #tpu.memory_space<vmem_shared>> -> memref<10240x128xf32, #tpu.memory_space<vmem_shared>>
        tpu.enqueue_indirect_dma source(%arg10 : memref<80x128xf32, #tpu.memory_space<vmem>>) target(%dma_start3A_165 : memref<10240x128xf32, #tpu.memory_space<vmem_shared>>) offsets(%arg7 : memref<80xi32, #tpu.memory_space<vmem>>) semaphore(%arg21 : memref<!tpu.dma_semaphore, #tpu.memory_space<semaphore_mem>>) {add = true}
        %add3A_166 = arith.constant 2 : i32
        %add3A_167 = arith.addi %add3A_132, %add3A_166 : i32
        %lt3A_168 = arith.constant 125 : i32
        %lt3A_169 = arith.cmpi slt, %add3A_167, %lt3A_168 : i32
        %convert_element_type3A_170 = arith.extui %lt3A_169 : i1 to i32
        %cond3A_171 = arith.constant 0 : i32
        %cond3A_172 = arith.cmpi ne, %convert_element_type3A_170, %cond3A_171 : i32
        scf.if %cond3A_172 {
          %ge3A = arith.constant 3 : i32
          %ge3A_173 = arith.cmpi sge, %add3A_167, %ge3A : i32
          %convert_element_type3A_174 = arith.extui %ge3A_173 : i1 to i32
          %cond3A_175 = arith.constant 0 : i32
          %cond3A_176 = arith.cmpi ne, %convert_element_type3A_174, %cond3A_175 : i32
          scf.if %cond3A_176 {
            %dma_wait3A_187 = arith.constant 0 : i32
            %dma_wait3A_188 = arith.constant 0 : i32
            %dma_wait3A_189 = tpu.memref_slice %arg14[%dma_wait3A_187, %dma_wait3A_188] : memref<10240x128xf32, #tpu.memory_space<vmem_shared>> -> memref<10240x128xf32, #tpu.memory_space<vmem_shared>>
            tpu.wait_indirect_dma semaphore(%arg23 : memref<!tpu.dma_semaphore, #tpu.memory_space<semaphore_mem>>) src(%arg12 : memref<80x128xf32, #tpu.memory_space<vmem>>) dst(%dma_wait3A_189 : memref<10240x128xf32, #tpu.memory_space<vmem_shared>>)
          } else {
          }
          %mul3A_177 = arith.constant 80 : i32
          %mul3A_178 = arith.muli %add3A_167, %mul3A_177 : i32
          %multiple_of3A_179 = tpu.assume_multiple %mul3A_178, 16 : i32
          %add3A_180 = arith.addi %mul3A_0, %multiple_of3A_179 : i32
          %dma_start3A_181 = tpu.memref_slice %arg4[%add3A_180] : memref<160000xi32, #tpu.memory_space<hbm>> -> memref<80xi32, #tpu.memory_space<hbm>>
          %dma_start3A_182 = tpu.memref_slice %arg4[%add3A_180] : memref<160000xi32, #tpu.memory_space<hbm>> -> memref<80xi32, #tpu.memory_space<hbm>>
          tpu.enqueue_dma source(%dma_start3A_182 : memref<80xi32, #tpu.memory_space<hbm>>) target(%arg9 : memref<80xi32, #tpu.memory_space<vmem>>) target_semaphore(%arg20 : memref<!tpu.dma_semaphore, #tpu.memory_space<semaphore_mem>>)
          %dma_start3A_183 = tpu.memref_slice %arg6[%multiple_of3A_179] : memref<10000xi32, #tpu.memory_space<vmem>> -> memref<80xi32, #tpu.memory_space<vmem>>
          %dma_start3A_184 = arith.constant 0 : i32
          %dma_start3A_185 = arith.constant 0 : i32
          %dma_start3A_186 = tpu.memref_slice %arg2[%dma_start3A_184, %dma_start3A_185] : memref<20480x128xf32, #tpu.memory_space<hbm>> -> memref<20480x128xf32, #tpu.memory_space<hbm>>
          tpu.enqueue_indirect_dma source(%dma_start3A_186 : memref<20480x128xf32, #tpu.memory_space<hbm>>) target(%arg12 : memref<80x128xf32, #tpu.memory_space<vmem>>) offsets(%dma_start3A_183 : memref<80xi32, #tpu.memory_space<vmem>>) semaphore(%arg17 : memref<!tpu.dma_semaphore, #tpu.memory_space<semaphore_mem>>)
        } else {
        }
      } else {
      }
      %mul3A_135 = arith.constant 3 : i32
      %mul3A_136 = arith.muli %scan3A_127, %mul3A_135 : i32
      %add3A_137 = arith.constant 1 : i32
      %add3A_138 = arith.addi %mul3A_136, %add3A_137 : i32
      %lt3A_139 = arith.constant 125 : i32
      %lt3A_140 = arith.cmpi slt, %add3A_138, %lt3A_139 : i32
      %convert_element_type3A_141 = arith.extui %lt3A_140 : i1 to i32
      %cond3A_142 = arith.constant 0 : i32
      %cond3A_143 = arith.cmpi ne, %convert_element_type3A_141, %cond3A_142 : i32
      scf.if %cond3A_143 {
        %mul3A_154 = arith.constant 80 : i32
        %mul3A_155 = arith.muli %add3A_138, %mul3A_154 : i32
        %multiple_of3A_156 = tpu.assume_multiple %mul3A_155, 16 : i32
        %dma_wait3A_157 = tpu.memref_slice %arg6[%multiple_of3A_156] : memref<10000xi32, #tpu.memory_space<vmem>> -> memref<80xi32, #tpu.memory_space<vmem>>
        %dma_wait3A_158 = arith.constant 0 : i32
        %dma_wait3A_159 = arith.constant 0 : i32
        %dma_wait3A_160 = tpu.memref_slice %arg2[%dma_wait3A_158, %dma_wait3A_159] : memref<20480x128xf32, #tpu.memory_space<hbm>> -> memref<20480x128xf32, #tpu.memory_space<hbm>>
        tpu.wait_indirect_dma semaphore(%arg16 : memref<!tpu.dma_semaphore, #tpu.memory_space<semaphore_mem>>) src(%dma_wait3A_160 : memref<20480x128xf32, #tpu.memory_space<hbm>>) dst(%arg11 : memref<80x128xf32, #tpu.memory_space<vmem>>)
        %dma_wait3A_161 = tpu.memref_slice %arg4[%mul3A_0] : memref<160000xi32, #tpu.memory_space<hbm>> -> memref<80xi32, #tpu.memory_space<hbm>>
        %dma_wait3A_162 = tpu.memref_slice %arg4[%mul3A_0] : memref<160000xi32, #tpu.memory_space<hbm>> -> memref<80xi32, #tpu.memory_space<hbm>>
        tpu.wait_dma2 semaphore(%arg19 : memref<!tpu.dma_semaphore, #tpu.memory_space<semaphore_mem>>) src(%dma_wait3A_162 : memref<80xi32, #tpu.memory_space<hbm>>) dst(%arg8 : memref<80xi32, #tpu.memory_space<vmem>>)
        %dma_start3A_163 = arith.constant 0 : i32
        %dma_start3A_164 = arith.constant 0 : i32
        %dma_start3A_165 = tpu.memref_slice %arg14[%dma_start3A_163, %dma_start3A_164] : memref<10240x128xf32, #tpu.memory_space<vmem_shared>> -> memref<10240x128xf32, #tpu.memory_space<vmem_shared>>
        tpu.enqueue_indirect_dma source(%arg11 : memref<80x128xf32, #tpu.memory_space<vmem>>) target(%dma_start3A_165 : memref<10240x128xf32, #tpu.memory_space<vmem_shared>>) offsets(%arg8 : memref<80xi32, #tpu.memory_space<vmem>>) semaphore(%arg22 : memref<!tpu.dma_semaphore, #tpu.memory_space<semaphore_mem>>) {add = true}
        %add3A_166 = arith.constant 2 : i32
        %add3A_167 = arith.addi %add3A_138, %add3A_166 : i32
        %lt3A_168 = arith.constant 125 : i32
        %lt3A_169 = arith.cmpi slt, %add3A_167, %lt3A_168 : i32
        %convert_element_type3A_170 = arith.extui %lt3A_169 : i1 to i32
        %cond3A_171 = arith.constant 0 : i32
        %cond3A_172 = arith.cmpi ne, %convert_element_type3A_170, %cond3A_171 : i32
        scf.if %cond3A_172 {
          %ge3A = arith.constant 3 : i32
          %ge3A_173 = arith.cmpi sge, %add3A_167, %ge3A : i32
          %convert_element_type3A_174 = arith.extui %ge3A_173 : i1 to i32
          %cond3A_175 = arith.constant 0 : i32
          %cond3A_176 = arith.cmpi ne, %convert_element_type3A_174, %cond3A_175 : i32
          scf.if %cond3A_176 {
            %dma_wait3A_187 = arith.constant 0 : i32
            %dma_wait3A_188 = arith.constant 0 : i32
            %dma_wait3A_189 = tpu.memref_slice %arg14[%dma_wait3A_187, %dma_wait3A_188] : memref<10240x128xf32, #tpu.memory_space<vmem_shared>> -> memref<10240x128xf32, #tpu.memory_space<vmem_shared>>
            tpu.wait_indirect_dma semaphore(%arg21 : memref<!tpu.dma_semaphore, #tpu.memory_space<semaphore_mem>>) src(%arg10 : memref<80x128xf32, #tpu.memory_space<vmem>>) dst(%dma_wait3A_189 : memref<10240x128xf32, #tpu.memory_space<vmem_shared>>)
          } else {
          }
          %mul3A_177 = arith.constant 80 : i32
          %mul3A_178 = arith.muli %add3A_167, %mul3A_177 : i32
          %multiple_of3A_179 = tpu.assume_multiple %mul3A_178, 16 : i32
          %add3A_180 = arith.addi %mul3A_0, %multiple_of3A_179 : i32
          %dma_start3A_181 = tpu.memref_slice %arg4[%add3A_180] : memref<160000xi32, #tpu.memory_space<hbm>> -> memref<80xi32, #tpu.memory_space<hbm>>
          %dma_start3A_182 = tpu.memref_slice %arg4[%add3A_180] : memref<160000xi32, #tpu.memory_space<hbm>> -> memref<80xi32, #tpu.memory_space<hbm>>
          tpu.enqueue_dma source(%dma_start3A_182 : memref<80xi32, #tpu.memory_space<hbm>>) target(%arg7 : memref<80xi32, #tpu.memory_space<vmem>>) target_semaphore(%arg18 : memref<!tpu.dma_semaphore, #tpu.memory_space<semaphore_mem>>)
          %dma_start3A_183 = tpu.memref_slice %arg6[%multiple_of3A_179] : memref<10000xi32, #tpu.memory_space<vmem>> -> memref<80xi32, #tpu.memory_space<vmem>>
          %dma_start3A_184 = arith.constant 0 : i32
          %dma_start3A_185 = arith.constant 0 : i32
          %dma_start3A_186 = tpu.memref_slice %arg2[%dma_start3A_184, %dma_start3A_185] : memref<20480x128xf32, #tpu.memory_space<hbm>> -> memref<20480x128xf32, #tpu.memory_space<hbm>>
          tpu.enqueue_indirect_dma source(%dma_start3A_186 : memref<20480x128xf32, #tpu.memory_space<hbm>>) target(%arg10 : memref<80x128xf32, #tpu.memory_space<vmem>>) offsets(%dma_start3A_183 : memref<80xi32, #tpu.memory_space<vmem>>) semaphore(%arg15 : memref<!tpu.dma_semaphore, #tpu.memory_space<semaphore_mem>>)
        } else {
        }
      } else {
      }
      %mul3A_144 = arith.constant 3 : i32
      %mul3A_145 = arith.muli %scan3A_127, %mul3A_144 : i32
      %add3A_146 = arith.constant 2 : i32
      %add3A_147 = arith.addi %mul3A_145, %add3A_146 : i32
      %lt3A_148 = arith.constant 125 : i32
      %lt3A_149 = arith.cmpi slt, %add3A_147, %lt3A_148 : i32
      %convert_element_type3A_150 = arith.extui %lt3A_149 : i1 to i32
      %cond3A_151 = arith.constant 0 : i32
      %cond3A_152 = arith.cmpi ne, %convert_element_type3A_150, %cond3A_151 : i32
      scf.if %cond3A_152 {
        %mul3A_154 = arith.constant 80 : i32
        %mul3A_155 = arith.muli %add3A_147, %mul3A_154 : i32
        %multiple_of3A_156 = tpu.assume_multiple %mul3A_155, 16 : i32
        %dma_wait3A_157 = tpu.memref_slice %arg6[%multiple_of3A_156] : memref<10000xi32, #tpu.memory_space<vmem>> -> memref<80xi32, #tpu.memory_space<vmem>>
        %dma_wait3A_158 = arith.constant 0 : i32
        %dma_wait3A_159 = arith.constant 0 : i32
        %dma_wait3A_160 = tpu.memref_slice %arg2[%dma_wait3A_158, %dma_wait3A_159] : memref<20480x128xf32, #tpu.memory_space<hbm>> -> memref<20480x128xf32, #tpu.memory_space<hbm>>
        tpu.wait_indirect_dma semaphore(%arg17 : memref<!tpu.dma_semaphore, #tpu.memory_space<semaphore_mem>>) src(%dma_wait3A_160 : memref<20480x128xf32, #tpu.memory_space<hbm>>) dst(%arg12 : memref<80x128xf32, #tpu.memory_space<vmem>>)
        %dma_wait3A_161 = tpu.memref_slice %arg4[%mul3A_0] : memref<160000xi32, #tpu.memory_space<hbm>> -> memref<80xi32, #tpu.memory_space<hbm>>
        %dma_wait3A_162 = tpu.memref_slice %arg4[%mul3A_0] : memref<160000xi32, #tpu.memory_space<hbm>> -> memref<80xi32, #tpu.memory_space<hbm>>
        tpu.wait_dma2 semaphore(%arg20 : memref<!tpu.dma_semaphore, #tpu.memory_space<semaphore_mem>>) src(%dma_wait3A_162 : memref<80xi32, #tpu.memory_space<hbm>>) dst(%arg9 : memref<80xi32, #tpu.memory_space<vmem>>)
        %dma_start3A_163 = arith.constant 0 : i32
        %dma_start3A_164 = arith.constant 0 : i32
        %dma_start3A_165 = tpu.memref_slice %arg14[%dma_start3A_163, %dma_start3A_164] : memref<10240x128xf32, #tpu.memory_space<vmem_shared>> -> memref<10240x128xf32, #tpu.memory_space<vmem_shared>>
        tpu.enqueue_indirect_dma source(%arg12 : memref<80x128xf32, #tpu.memory_space<vmem>>) target(%dma_start3A_165 : memref<10240x128xf32, #tpu.memory_space<vmem_shared>>) offsets(%arg9 : memref<80xi32, #tpu.memory_space<vmem>>) semaphore(%arg23 : memref<!tpu.dma_semaphore, #tpu.memory_space<semaphore_mem>>) {add = true}
        %add3A_166 = arith.constant 2 : i32
        %add3A_167 = arith.addi %add3A_147, %add3A_166 : i32
        %lt3A_168 = arith.constant 125 : i32
        %lt3A_169 = arith.cmpi slt, %add3A_167, %lt3A_168 : i32
        %convert_element_type3A_170 = arith.extui %lt3A_169 : i1 to i32
        %cond3A_171 = arith.constant 0 : i32
        %cond3A_172 = arith.cmpi ne, %convert_element_type3A_170, %cond3A_171 : i32
        scf.if %cond3A_172 {
          %ge3A = arith.constant 3 : i32
          %ge3A_173 = arith.cmpi sge, %add3A_167, %ge3A : i32
          %convert_element_type3A_174 = arith.extui %ge3A_173 : i1 to i32
          %cond3A_175 = arith.constant 0 : i32
          %cond3A_176 = arith.cmpi ne, %convert_element_type3A_174, %cond3A_175 : i32
          scf.if %cond3A_176 {
            %dma_wait3A_187 = arith.constant 0 : i32
            %dma_wait3A_188 = arith.constant 0 : i32
            %dma_wait3A_189 = tpu.memref_slice %arg14[%dma_wait3A_187, %dma_wait3A_188] : memref<10240x128xf32, #tpu.memory_space<vmem_shared>> -> memref<10240x128xf32, #tpu.memory_space<vmem_shared>>
            tpu.wait_indirect_dma semaphore(%arg22 : memref<!tpu.dma_semaphore, #tpu.memory_space<semaphore_mem>>) src(%arg11 : memref<80x128xf32, #tpu.memory_space<vmem>>) dst(%dma_wait3A_189 : memref<10240x128xf32, #tpu.memory_space<vmem_shared>>)
          } else {
          }
          %mul3A_177 = arith.constant 80 : i32
          %mul3A_178 = arith.muli %add3A_167, %mul3A_177 : i32
          %multiple_of3A_179 = tpu.assume_multiple %mul3A_178, 16 : i32
          %add3A_180 = arith.addi %mul3A_0, %multiple_of3A_179 : i32
          %dma_start3A_181 = tpu.memref_slice %arg4[%add3A_180] : memref<160000xi32, #tpu.memory_space<hbm>> -> memref<80xi32, #tpu.memory_space<hbm>>
          %dma_start3A_182 = tpu.memref_slice %arg4[%add3A_180] : memref<160000xi32, #tpu.memory_space<hbm>> -> memref<80xi32, #tpu.memory_space<hbm>>
          tpu.enqueue_dma source(%dma_start3A_182 : memref<80xi32, #tpu.memory_space<hbm>>) target(%arg8 : memref<80xi32, #tpu.memory_space<vmem>>) target_semaphore(%arg19 : memref<!tpu.dma_semaphore, #tpu.memory_space<semaphore_mem>>)
          %dma_start3A_183 = tpu.memref_slice %arg6[%multiple_of3A_179] : memref<10000xi32, #tpu.memory_space<vmem>> -> memref<80xi32, #tpu.memory_space<vmem>>
          %dma_start3A_184 = arith.constant 0 : i32
          %dma_start3A_185 = arith.constant 0 : i32
          %dma_start3A_186 = tpu.memref_slice %arg2[%dma_start3A_184, %dma_start3A_185] : memref<20480x128xf32, #tpu.memory_space<hbm>> -> memref<20480x128xf32, #tpu.memory_space<hbm>>
          tpu.enqueue_indirect_dma source(%dma_start3A_186 : memref<20480x128xf32, #tpu.memory_space<hbm>>) target(%arg11 : memref<80x128xf32, #tpu.memory_space<vmem>>) offsets(%dma_start3A_183 : memref<80xi32, #tpu.memory_space<vmem>>) semaphore(%arg16 : memref<!tpu.dma_semaphore, #tpu.memory_space<semaphore_mem>>)
        } else {
        }
      } else {
      }
      %scan3A_153 = arith.constant 0 : i32
      scf.yield %scan3A_153 : i32
    }
    %scan3A_77 = arith.constant 42 : i32
    %dma_wait3A = arith.constant 0 : i32
    %dma_wait3A_78 = arith.constant 0 : i32
    %dma_wait3A_79 = tpu.memref_slice %arg14[%dma_wait3A, %dma_wait3A_78] : memref<10240x128xf32, #tpu.memory_space<vmem_shared>> -> memref<10240x128xf32, #tpu.memory_space<vmem_shared>>
    tpu.wait_indirect_dma semaphore(%arg21 : memref<!tpu.dma_semaphore, #tpu.memory_space<semaphore_mem>>) src(%arg10 : memref<80x128xf32, #tpu.memory_space<vmem>>) dst(%dma_wait3A_79 : memref<10240x128xf32, #tpu.memory_space<vmem_shared>>)
    %dma_wait3A_80 = arith.constant 0 : i32
    %dma_wait3A_81 = arith.constant 0 : i32
    %dma_wait3A_82 = tpu.memref_slice %arg14[%dma_wait3A_80, %dma_wait3A_81] : memref<10240x128xf32, #tpu.memory_space<vmem_shared>> -> memref<10240x128xf32, #tpu.memory_space<vmem_shared>>
    tpu.wait_indirect_dma semaphore(%arg22 : memref<!tpu.dma_semaphore, #tpu.memory_space<semaphore_mem>>) src(%arg11 : memref<80x128xf32, #tpu.memory_space<vmem>>) dst(%dma_wait3A_82 : memref<10240x128xf32, #tpu.memory_space<vmem_shared>>)
    %dma_wait3A_83 = arith.constant 0 : i32
    %dma_wait3A_84 = arith.constant 0 : i32
    %dma_wait3A_85 = tpu.memref_slice %arg14[%dma_wait3A_83, %dma_wait3A_84] : memref<10240x128xf32, #tpu.memory_space<vmem_shared>> -> memref<10240x128xf32, #tpu.memory_space<vmem_shared>>
    tpu.wait_indirect_dma semaphore(%arg23 : memref<!tpu.dma_semaphore, #tpu.memory_space<semaphore_mem>>) src(%arg12 : memref<80x128xf32, #tpu.memory_space<vmem>>) dst(%dma_wait3A_85 : memref<10240x128xf32, #tpu.memory_space<vmem_shared>>)
    %barrier3A_86 = arith.constant 0 : index
    tpu.barrier barrier_id(%barrier3A_86)
    %add3A_87 = arith.constant 0 : i32
    %add3A_88 = arith.addi %mul3A_10, %add3A_87 : i32
    "tpu.region"() ({
      %run_scoped3A = tpu.sem_alloc : memref<!tpu.dma_semaphore, #tpu.memory_space<semaphore_mem>>
      %dma_start3A_127 = arith.constant 0 : i32
      %dma_start3A_128 = tpu.memref_slice %arg14[%add3A_88, %dma_start3A_127] : memref<10240x128xf32, #tpu.memory_space<vmem_shared>> -> memref<32x128xf32, #tpu.memory_space<vmem_shared>>
      %dma_start3A_129 = arith.constant 0 : i32
      %dma_start3A_130 = tpu.memref_slice %arg14[%add3A_88, %dma_start3A_129] : memref<10240x128xf32, #tpu.memory_space<vmem_shared>> -> memref<32x128xf32, #tpu.memory_space<vmem_shared>>
      tpu.enqueue_dma source(%dma_start3A_130 : memref<32x128xf32, #tpu.memory_space<vmem_shared>>) target(%arg13 : memref<32x128xf32, #tpu.memory_space<vmem>>) target_semaphore(%run_scoped3A : memref<!tpu.dma_semaphore, #tpu.memory_space<semaphore_mem>>)
      %dma_wait3A_131 = arith.constant 0 : i32
      %dma_wait3A_132 = tpu.memref_slice %arg14[%add3A_88, %dma_wait3A_131] : memref<10240x128xf32, #tpu.memory_space<vmem_shared>> -> memref<32x128xf32, #tpu.memory_space<vmem_shared>>
      %dma_wait3A_133 = arith.constant 0 : i32
      %dma_wait3A_134 = tpu.memref_slice %arg14[%add3A_88, %dma_wait3A_133] : memref<10240x128xf32, #tpu.memory_space<vmem_shared>> -> memref<32x128xf32, #tpu.memory_space<vmem_shared>>
      tpu.wait_dma2 semaphore(%run_scoped3A : memref<!tpu.dma_semaphore, #tpu.memory_space<semaphore_mem>>) src(%dma_wait3A_134 : memref<32x128xf32, #tpu.memory_space<vmem_shared>>) dst(%arg13 : memref<32x128xf32, #tpu.memory_space<vmem>>)
      tpu.yield
    }) : () -> ()
    "tpu.region"() ({
      %run_scoped3A = tpu.sem_alloc : memref<!tpu.dma_semaphore, #tpu.memory_space<semaphore_mem>>
      %dma_start3A_127 = arith.constant 0 : i32
      %dma_start3A_128 = tpu.memref_slice %arg5[%arg0, %add3A_88, %dma_start3A_127] : memref<2x10240x128xf32, #tpu.memory_space<hbm>> -> memref<1x32x128xf32, #tpu.memory_space<hbm>>
      %dma_start3A_129 = tpu.memref_squeeze %dma_start3A_128 : memref<1x32x128xf32, #tpu.memory_space<hbm>> -> memref<32x128xf32, #tpu.memory_space<hbm>>
      %dma_start3A_130 = arith.constant 0 : i32
      %dma_start3A_131 = tpu.memref_slice %arg5[%arg0, %add3A_88, %dma_start3A_130] : memref<2x10240x128xf32, #tpu.memory_space<hbm>> -> memref<1x32x128xf32, #tpu.memory_space<hbm>>
      %dma_start3A_132 = tpu.memref_squeeze %dma_start3A_131 : memref<1x32x128xf32, #tpu.memory_space<hbm>> -> memref<32x128xf32, #tpu.memory_space<hbm>>
      tpu.enqueue_dma source(%arg13 : memref<32x128xf32, #tpu.memory_space<vmem>>) target(%dma_start3A_132 : memref<32x128xf32, #tpu.memory_space<hbm>>) target_semaphore(%run_scoped3A : memref<!tpu.dma_semaphore, #tpu.memory_space<semaphore_mem>>)
      %dma_wait3A_133 = arith.constant 0 : i32
      %dma_wait3A_134 = tpu.memref_slice %arg5[%arg0, %add3A_88, %dma_wait3A_133] : memref<2x10240x128xf32, #tpu.memory_space<hbm>> -> memref<1x32x128xf32, #tpu.memory_space<hbm>>
      %dma_wait3A_135 = tpu.memref_squeeze %dma_wait3A_134 : memref<1x32x128xf32, #tpu.memory_space<hbm>> -> memref<32x128xf32, #tpu.memory_space<hbm>>
      %dma_wait3A_136 = arith.constant 0 : i32
      %dma_wait3A_137 = tpu.memref_slice %arg5[%arg0, %add3A_88, %dma_wait3A_136] : memref<2x10240x128xf32, #tpu.memory_space<hbm>> -> memref<1x32x128xf32, #tpu.memory_space<hbm>>
      %dma_wait3A_138 = tpu.memref_squeeze %dma_wait3A_137 : memref<1x32x128xf32, #tpu.memory_space<hbm>> -> memref<32x128xf32, #tpu.memory_space<hbm>>
      tpu.wait_dma2 semaphore(%run_scoped3A : memref<!tpu.dma_semaphore, #tpu.memory_space<semaphore_mem>>) src(%arg13 : memref<32x128xf32, #tpu.memory_space<vmem>>) dst(%dma_wait3A_138 : memref<32x128xf32, #tpu.memory_space<hbm>>)
      tpu.yield
    }) : () -> ()
    %add3A_89 = arith.constant 32 : i32
    %add3A_90 = arith.addi %mul3A_10, %add3A_89 : i32
    "tpu.region"() ({
      %run_scoped3A = tpu.sem_alloc : memref<!tpu.dma_semaphore, #tpu.memory_space<semaphore_mem>>
      %dma_start3A_127 = arith.constant 0 : i32
      %dma_start3A_128 = tpu.memref_slice %arg14[%add3A_90, %dma_start3A_127] : memref<10240x128xf32, #tpu.memory_space<vmem_shared>> -> memref<32x128xf32, #tpu.memory_space<vmem_shared>>
      %dma_start3A_129 = arith.constant 0 : i32
      %dma_start3A_130 = tpu.memref_slice %arg14[%add3A_90, %dma_start3A_129] : memref<10240x128xf32, #tpu.memory_space<vmem_shared>> -> memref<32x128xf32, #tpu.memory_space<vmem_shared>>
      tpu.enqueue_dma source(%dma_start3A_130 : memref<32x128xf32, #tpu.memory_space<vmem_shared>>) target(%arg13 : memref<32x128xf32, #tpu.memory_space<vmem>>) target_semaphore(%run_scoped3A : memref<!tpu.dma_semaphore, #tpu.memory_space<semaphore_mem>>)
      %dma_wait3A_131 = arith.constant 0 : i32
      %dma_wait3A_132 = tpu.memref_slice %arg14[%add3A_90, %dma_wait3A_131] : memref<10240x128xf32, #tpu.memory_space<vmem_shared>> -> memref<32x128xf32, #tpu.memory_space<vmem_shared>>
      %dma_wait3A_133 = arith.constant 0 : i32
      %dma_wait3A_134 = tpu.memref_slice %arg14[%add3A_90, %dma_wait3A_133] : memref<10240x128xf32, #tpu.memory_space<vmem_shared>> -> memref<32x128xf32, #tpu.memory_space<vmem_shared>>
      tpu.wait_dma2 semaphore(%run_scoped3A : memref<!tpu.dma_semaphore, #tpu.memory_space<semaphore_mem>>) src(%dma_wait3A_134 : memref<32x128xf32, #tpu.memory_space<vmem_shared>>) dst(%arg13 : memref<32x128xf32, #tpu.memory_space<vmem>>)
      tpu.yield
    }) : () -> ()
    "tpu.region"() ({
      %run_scoped3A = tpu.sem_alloc : memref<!tpu.dma_semaphore, #tpu.memory_space<semaphore_mem>>
      %dma_start3A_127 = arith.constant 0 : i32
      %dma_start3A_128 = tpu.memref_slice %arg5[%arg0, %add3A_90, %dma_start3A_127] : memref<2x10240x128xf32, #tpu.memory_space<hbm>> -> memref<1x32x128xf32, #tpu.memory_space<hbm>>
      %dma_start3A_129 = tpu.memref_squeeze %dma_start3A_128 : memref<1x32x128xf32, #tpu.memory_space<hbm>> -> memref<32x128xf32, #tpu.memory_space<hbm>>
      %dma_start3A_130 = arith.constant 0 : i32
      %dma_start3A_131 = tpu.memref_slice %arg5[%arg0, %add3A_90, %dma_start3A_130] : memref<2x10240x128xf32, #tpu.memory_space<hbm>> -> memref<1x32x128xf32, #tpu.memory_space<hbm>>
      %dma_start3A_132 = tpu.memref_squeeze %dma_start3A_131 : memref<1x32x128xf32, #tpu.memory_space<hbm>> -> memref<32x128xf32, #tpu.memory_space<hbm>>
      tpu.enqueue_dma source(%arg13 : memref<32x128xf32, #tpu.memory_space<vmem>>) target(%dma_start3A_132 : memref<32x128xf32, #tpu.memory_space<hbm>>) target_semaphore(%run_scoped3A : memref<!tpu.dma_semaphore, #tpu.memory_space<semaphore_mem>>)
      %dma_wait3A_133 = arith.constant 0 : i32
      %dma_wait3A_134 = tpu.memref_slice %arg5[%arg0, %add3A_90, %dma_wait3A_133] : memref<2x10240x128xf32, #tpu.memory_space<hbm>> -> memref<1x32x128xf32, #tpu.memory_space<hbm>>
      %dma_wait3A_135 = tpu.memref_squeeze %dma_wait3A_134 : memref<1x32x128xf32, #tpu.memory_space<hbm>> -> memref<32x128xf32, #tpu.memory_space<hbm>>
      %dma_wait3A_136 = arith.constant 0 : i32
      %dma_wait3A_137 = tpu.memref_slice %arg5[%arg0, %add3A_90, %dma_wait3A_136] : memref<2x10240x128xf32, #tpu.memory_space<hbm>> -> memref<1x32x128xf32, #tpu.memory_space<hbm>>
      %dma_wait3A_138 = tpu.memref_squeeze %dma_wait3A_137 : memref<1x32x128xf32, #tpu.memory_space<hbm>> -> memref<32x128xf32, #tpu.memory_space<hbm>>
      tpu.wait_dma2 semaphore(%run_scoped3A : memref<!tpu.dma_semaphore, #tpu.memory_space<semaphore_mem>>) src(%arg13 : memref<32x128xf32, #tpu.memory_space<vmem>>) dst(%dma_wait3A_138 : memref<32x128xf32, #tpu.memory_space<hbm>>)
      tpu.yield
    }) : () -> ()
    %add3A_91 = arith.constant 64 : i32
    %add3A_92 = arith.addi %mul3A_10, %add3A_91 : i32
    "tpu.region"() ({
      %run_scoped3A = tpu.sem_alloc : memref<!tpu.dma_semaphore, #tpu.memory_space<semaphore_mem>>
      %dma_start3A_127 = arith.constant 0 : i32
      %dma_start3A_128 = tpu.memref_slice %arg14[%add3A_92, %dma_start3A_127] : memref<10240x128xf32, #tpu.memory_space<vmem_shared>> -> memref<32x128xf32, #tpu.memory_space<vmem_shared>>
      %dma_start3A_129 = arith.constant 0 : i32
      %dma_start3A_130 = tpu.memref_slice %arg14[%add3A_92, %dma_start3A_129] : memref<10240x128xf32, #tpu.memory_space<vmem_shared>> -> memref<32x128xf32, #tpu.memory_space<vmem_shared>>
      tpu.enqueue_dma source(%dma_start3A_130 : memref<32x128xf32, #tpu.memory_space<vmem_shared>>) target(%arg13 : memref<32x128xf32, #tpu.memory_space<vmem>>) target_semaphore(%run_scoped3A : memref<!tpu.dma_semaphore, #tpu.memory_space<semaphore_mem>>)
      %dma_wait3A_131 = arith.constant 0 : i32
      %dma_wait3A_132 = tpu.memref_slice %arg14[%add3A_92, %dma_wait3A_131] : memref<10240x128xf32, #tpu.memory_space<vmem_shared>> -> memref<32x128xf32, #tpu.memory_space<vmem_shared>>
      %dma_wait3A_133 = arith.constant 0 : i32
      %dma_wait3A_134 = tpu.memref_slice %arg14[%add3A_92, %dma_wait3A_133] : memref<10240x128xf32, #tpu.memory_space<vmem_shared>> -> memref<32x128xf32, #tpu.memory_space<vmem_shared>>
      tpu.wait_dma2 semaphore(%run_scoped3A : memref<!tpu.dma_semaphore, #tpu.memory_space<semaphore_mem>>) src(%dma_wait3A_134 : memref<32x128xf32, #tpu.memory_space<vmem_shared>>) dst(%arg13 : memref<32x128xf32, #tpu.memory_space<vmem>>)
      tpu.yield
    }) : () -> ()
    "tpu.region"() ({
      %run_scoped3A = tpu.sem_alloc : memref<!tpu.dma_semaphore, #tpu.memory_space<semaphore_mem>>
      %dma_start3A_127 = arith.constant 0 : i32
      %dma_start3A_128 = tpu.memref_slice %arg5[%arg0, %add3A_92, %dma_start3A_127] : memref<2x10240x128xf32, #tpu.memory_space<hbm>> -> memref<1x32x128xf32, #tpu.memory_space<hbm>>
      %dma_start3A_129 = tpu.memref_squeeze %dma_start3A_128 : memref<1x32x128xf32, #tpu.memory_space<hbm>> -> memref<32x128xf32, #tpu.memory_space<hbm>>
      %dma_start3A_130 = arith.constant 0 : i32
      %dma_start3A_131 = tpu.memref_slice %arg5[%arg0, %add3A_92, %dma_start3A_130] : memref<2x10240x128xf32, #tpu.memory_space<hbm>> -> memref<1x32x128xf32, #tpu.memory_space<hbm>>
      %dma_start3A_132 = tpu.memref_squeeze %dma_start3A_131 : memref<1x32x128xf32, #tpu.memory_space<hbm>> -> memref<32x128xf32, #tpu.memory_space<hbm>>
      tpu.enqueue_dma source(%arg13 : memref<32x128xf32, #tpu.memory_space<vmem>>) target(%dma_start3A_132 : memref<32x128xf32, #tpu.memory_space<hbm>>) target_semaphore(%run_scoped3A : memref<!tpu.dma_semaphore, #tpu.memory_space<semaphore_mem>>)
      %dma_wait3A_133 = arith.constant 0 : i32
      %dma_wait3A_134 = tpu.memref_slice %arg5[%arg0, %add3A_92, %dma_wait3A_133] : memref<2x10240x128xf32, #tpu.memory_space<hbm>> -> memref<1x32x128xf32, #tpu.memory_space<hbm>>
      %dma_wait3A_135 = tpu.memref_squeeze %dma_wait3A_134 : memref<1x32x128xf32, #tpu.memory_space<hbm>> -> memref<32x128xf32, #tpu.memory_space<hbm>>
      %dma_wait3A_136 = arith.constant 0 : i32
      %dma_wait3A_137 = tpu.memref_slice %arg5[%arg0, %add3A_92, %dma_wait3A_136] : memref<2x10240x128xf32, #tpu.memory_space<hbm>> -> memref<1x32x128xf32, #tpu.memory_space<hbm>>
      %dma_wait3A_138 = tpu.memref_squeeze %dma_wait3A_137 : memref<1x32x128xf32, #tpu.memory_space<hbm>> -> memref<32x128xf32, #tpu.memory_space<hbm>>
      tpu.wait_dma2 semaphore(%run_scoped3A : memref<!tpu.dma_semaphore, #tpu.memory_space<semaphore_mem>>) src(%arg13 : memref<32x128xf32, #tpu.memory_space<vmem>>) dst(%dma_wait3A_138 : memref<32x128xf32, #tpu.memory_space<hbm>>)
      tpu.yield
    }) : () -> ()
    %add3A_93 = arith.constant 96 : i32
    %add3A_94 = arith.addi %mul3A_10, %add3A_93 : i32
    "tpu.region"() ({
      %run_scoped3A = tpu.sem_alloc : memref<!tpu.dma_semaphore, #tpu.memory_space<semaphore_mem>>
      %dma_start3A_127 = arith.constant 0 : i32
      %dma_start3A_128 = tpu.memref_slice %arg14[%add3A_94, %dma_start3A_127] : memref<10240x128xf32, #tpu.memory_space<vmem_shared>> -> memref<32x128xf32, #tpu.memory_space<vmem_shared>>
      %dma_start3A_129 = arith.constant 0 : i32
      %dma_start3A_130 = tpu.memref_slice %arg14[%add3A_94, %dma_start3A_129] : memref<10240x128xf32, #tpu.memory_space<vmem_shared>> -> memref<32x128xf32, #tpu.memory_space<vmem_shared>>
      tpu.enqueue_dma source(%dma_start3A_130 : memref<32x128xf32, #tpu.memory_space<vmem_shared>>) target(%arg13 : memref<32x128xf32, #tpu.memory_space<vmem>>) target_semaphore(%run_scoped3A : memref<!tpu.dma_semaphore, #tpu.memory_space<semaphore_mem>>)
      %dma_wait3A_131 = arith.constant 0 : i32
      %dma_wait3A_132 = tpu.memref_slice %arg14[%add3A_94, %dma_wait3A_131] : memref<10240x128xf32, #tpu.memory_space<vmem_shared>> -> memref<32x128xf32, #tpu.memory_space<vmem_shared>>
      %dma_wait3A_133 = arith.constant 0 : i32
      %dma_wait3A_134 = tpu.memref_slice %arg14[%add3A_94, %dma_wait3A_133] : memref<10240x128xf32, #tpu.memory_space<vmem_shared>> -> memref<32x128xf32, #tpu.memory_space<vmem_shared>>
      tpu.wait_dma2 semaphore(%run_scoped3A : memref<!tpu.dma_semaphore, #tpu.memory_space<semaphore_mem>>) src(%dma_wait3A_134 : memref<32x128xf32, #tpu.memory_space<vmem_shared>>) dst(%arg13 : memref<32x128xf32, #tpu.memory_space<vmem>>)
      tpu.yield
    }) : () -> ()
    "tpu.region"() ({
      %run_scoped3A = tpu.sem_alloc : memref<!tpu.dma_semaphore, #tpu.memory_space<semaphore_mem>>
      %dma_start3A_127 = arith.constant 0 : i32
      %dma_start3A_128 = tpu.memref_slice %arg5[%arg0, %add3A_94, %dma_start3A_127] : memref<2x10240x128xf32, #tpu.memory_space<hbm>> -> memref<1x32x128xf32, #tpu.memory_space<hbm>>
      %dma_start3A_129 = tpu.memref_squeeze %dma_start3A_128 : memref<1x32x128xf32, #tpu.memory_space<hbm>> -> memref<32x128xf32, #tpu.memory_space<hbm>>
      %dma_start3A_130 = arith.constant 0 : i32
      %dma_start3A_131 = tpu.memref_slice %arg5[%arg0, %add3A_94, %dma_start3A_130] : memref<2x10240x128xf32, #tpu.memory_space<hbm>> -> memref<1x32x128xf32, #tpu.memory_space<hbm>>
      %dma_start3A_132 = tpu.memref_squeeze %dma_start3A_131 : memref<1x32x128xf32, #tpu.memory_space<hbm>> -> memref<32x128xf32, #tpu.memory_space<hbm>>
      tpu.enqueue_dma source(%arg13 : memref<32x128xf32, #tpu.memory_space<vmem>>) target(%dma_start3A_132 : memref<32x128xf32, #tpu.memory_space<hbm>>) target_semaphore(%run_scoped3A : memref<!tpu.dma_semaphore, #tpu.memory_space<semaphore_mem>>)
      %dma_wait3A_133 = arith.constant 0 : i32
      %dma_wait3A_134 = tpu.memref_slice %arg5[%arg0, %add3A_94, %dma_wait3A_133] : memref<2x10240x128xf32, #tpu.memory_space<hbm>> -> memref<1x32x128xf32, #tpu.memory_space<hbm>>
      %dma_wait3A_135 = tpu.memref_squeeze %dma_wait3A_134 : memref<1x32x128xf32, #tpu.memory_space<hbm>> -> memref<32x128xf32, #tpu.memory_space<hbm>>
      %dma_wait3A_136 = arith.constant 0 : i32
      %dma_wait3A_137 = tpu.memref_slice %arg5[%arg0, %add3A_94, %dma_wait3A_136] : memref<2x10240x128xf32, #tpu.memory_space<hbm>> -> memref<1x32x128xf32, #tpu.memory_space<hbm>>
      %dma_wait3A_138 = tpu.memref_squeeze %dma_wait3A_137 : memref<1x32x128xf32, #tpu.memory_space<hbm>> -> memref<32x128xf32, #tpu.memory_space<hbm>>
      tpu.wait_dma2 semaphore(%run_scoped3A : memref<!tpu.dma_semaphore, #tpu.memory_space<semaphore_mem>>) src(%arg13 : memref<32x128xf32, #tpu.memory_space<vmem>>) dst(%dma_wait3A_138 : memref<32x128xf32, #tpu.memory_space<hbm>>)
      tpu.yield
    }) : () -> ()
    %add3A_95 = arith.constant 128 : i32
    %add3A_96 = arith.addi %mul3A_10, %add3A_95 : i32
    "tpu.region"() ({
      %run_scoped3A = tpu.sem_alloc : memref<!tpu.dma_semaphore, #tpu.memory_space<semaphore_mem>>
      %dma_start3A_127 = arith.constant 0 : i32
      %dma_start3A_128 = tpu.memref_slice %arg14[%add3A_96, %dma_start3A_127] : memref<10240x128xf32, #tpu.memory_space<vmem_shared>> -> memref<32x128xf32, #tpu.memory_space<vmem_shared>>
      %dma_start3A_129 = arith.constant 0 : i32
      %dma_start3A_130 = tpu.memref_slice %arg14[%add3A_96, %dma_start3A_129] : memref<10240x128xf32, #tpu.memory_space<vmem_shared>> -> memref<32x128xf32, #tpu.memory_space<vmem_shared>>
      tpu.enqueue_dma source(%dma_start3A_130 : memref<32x128xf32, #tpu.memory_space<vmem_shared>>) target(%arg13 : memref<32x128xf32, #tpu.memory_space<vmem>>) target_semaphore(%run_scoped3A : memref<!tpu.dma_semaphore, #tpu.memory_space<semaphore_mem>>)
      %dma_wait3A_131 = arith.constant 0 : i32
      %dma_wait3A_132 = tpu.memref_slice %arg14[%add3A_96, %dma_wait3A_131] : memref<10240x128xf32, #tpu.memory_space<vmem_shared>> -> memref<32x128xf32, #tpu.memory_space<vmem_shared>>
      %dma_wait3A_133 = arith.constant 0 : i32
      %dma_wait3A_134 = tpu.memref_slice %arg14[%add3A_96, %dma_wait3A_133] : memref<10240x128xf32, #tpu.memory_space<vmem_shared>> -> memref<32x128xf32, #tpu.memory_space<vmem_shared>>
      tpu.wait_dma2 semaphore(%run_scoped3A : memref<!tpu.dma_semaphore, #tpu.memory_space<semaphore_mem>>) src(%dma_wait3A_134 : memref<32x128xf32, #tpu.memory_space<vmem_shared>>) dst(%arg13 : memref<32x128xf32, #tpu.memory_space<vmem>>)
      tpu.yield
    }) : () -> ()
    "tpu.region"() ({
      %run_scoped3A = tpu.sem_alloc : memref<!tpu.dma_semaphore, #tpu.memory_space<semaphore_mem>>
      %dma_start3A_127 = arith.constant 0 : i32
      %dma_start3A_128 = tpu.memref_slice %arg5[%arg0, %add3A_96, %dma_start3A_127] : memref<2x10240x128xf32, #tpu.memory_space<hbm>> -> memref<1x32x128xf32, #tpu.memory_space<hbm>>
      %dma_start3A_129 = tpu.memref_squeeze %dma_start3A_128 : memref<1x32x128xf32, #tpu.memory_space<hbm>> -> memref<32x128xf32, #tpu.memory_space<hbm>>
      %dma_start3A_130 = arith.constant 0 : i32
      %dma_start3A_131 = tpu.memref_slice %arg5[%arg0, %add3A_96, %dma_start3A_130] : memref<2x10240x128xf32, #tpu.memory_space<hbm>> -> memref<1x32x128xf32, #tpu.memory_space<hbm>>
      %dma_start3A_132 = tpu.memref_squeeze %dma_start3A_131 : memref<1x32x128xf32, #tpu.memory_space<hbm>> -> memref<32x128xf32, #tpu.memory_space<hbm>>
      tpu.enqueue_dma source(%arg13 : memref<32x128xf32, #tpu.memory_space<vmem>>) target(%dma_start3A_132 : memref<32x128xf32, #tpu.memory_space<hbm>>) target_semaphore(%run_scoped3A : memref<!tpu.dma_semaphore, #tpu.memory_space<semaphore_mem>>)
      %dma_wait3A_133 = arith.constant 0 : i32
      %dma_wait3A_134 = tpu.memref_slice %arg5[%arg0, %add3A_96, %dma_wait3A_133] : memref<2x10240x128xf32, #tpu.memory_space<hbm>> -> memref<1x32x128xf32, #tpu.memory_space<hbm>>
      %dma_wait3A_135 = tpu.memref_squeeze %dma_wait3A_134 : memref<1x32x128xf32, #tpu.memory_space<hbm>> -> memref<32x128xf32, #tpu.memory_space<hbm>>
      %dma_wait3A_136 = arith.constant 0 : i32
      %dma_wait3A_137 = tpu.memref_slice %arg5[%arg0, %add3A_96, %dma_wait3A_136] : memref<2x10240x128xf32, #tpu.memory_space<hbm>> -> memref<1x32x128xf32, #tpu.memory_space<hbm>>
      %dma_wait3A_138 = tpu.memref_squeeze %dma_wait3A_137 : memref<1x32x128xf32, #tpu.memory_space<hbm>> -> memref<32x128xf32, #tpu.memory_space<hbm>>
      tpu.wait_dma2 semaphore(%run_scoped3A : memref<!tpu.dma_semaphore, #tpu.memory_space<semaphore_mem>>) src(%arg13 : memref<32x128xf32, #tpu.memory_space<vmem>>) dst(%dma_wait3A_138 : memref<32x128xf32, #tpu.memory_space<hbm>>)
      tpu.yield
    }) : () -> ()
    %add3A_97 = arith.constant 160 : i32
    %add3A_98 = arith.addi %mul3A_10, %add3A_97 : i32
    "tpu.region"() ({
      %run_scoped3A = tpu.sem_alloc : memref<!tpu.dma_semaphore, #tpu.memory_space<semaphore_mem>>
      %dma_start3A_127 = arith.constant 0 : i32
      %dma_start3A_128 = tpu.memref_slice %arg14[%add3A_98, %dma_start3A_127] : memref<10240x128xf32, #tpu.memory_space<vmem_shared>> -> memref<32x128xf32, #tpu.memory_space<vmem_shared>>
      %dma_start3A_129 = arith.constant 0 : i32
      %dma_start3A_130 = tpu.memref_slice %arg14[%add3A_98, %dma_start3A_129] : memref<10240x128xf32, #tpu.memory_space<vmem_shared>> -> memref<32x128xf32, #tpu.memory_space<vmem_shared>>
      tpu.enqueue_dma source(%dma_start3A_130 : memref<32x128xf32, #tpu.memory_space<vmem_shared>>) target(%arg13 : memref<32x128xf32, #tpu.memory_space<vmem>>) target_semaphore(%run_scoped3A : memref<!tpu.dma_semaphore, #tpu.memory_space<semaphore_mem>>)
      %dma_wait3A_131 = arith.constant 0 : i32
      %dma_wait3A_132 = tpu.memref_slice %arg14[%add3A_98, %dma_wait3A_131] : memref<10240x128xf32, #tpu.memory_space<vmem_shared>> -> memref<32x128xf32, #tpu.memory_space<vmem_shared>>
      %dma_wait3A_133 = arith.constant 0 : i32
      %dma_wait3A_134 = tpu.memref_slice %arg14[%add3A_98, %dma_wait3A_133] : memref<10240x128xf32, #tpu.memory_space<vmem_shared>> -> memref<32x128xf32, #tpu.memory_space<vmem_shared>>
      tpu.wait_dma2 semaphore(%run_scoped3A : memref<!tpu.dma_semaphore, #tpu.memory_space<semaphore_mem>>) src(%dma_wait3A_134 : memref<32x128xf32, #tpu.memory_space<vmem_shared>>) dst(%arg13 : memref<32x128xf32, #tpu.memory_space<vmem>>)
      tpu.yield
    }) : () -> ()
    "tpu.region"() ({
      %run_scoped3A = tpu.sem_alloc : memref<!tpu.dma_semaphore, #tpu.memory_space<semaphore_mem>>
      %dma_start3A_127 = arith.constant 0 : i32
      %dma_start3A_128 = tpu.memref_slice %arg5[%arg0, %add3A_98, %dma_start3A_127] : memref<2x10240x128xf32, #tpu.memory_space<hbm>> -> memref<1x32x128xf32, #tpu.memory_space<hbm>>
      %dma_start3A_129 = tpu.memref_squeeze %dma_start3A_128 : memref<1x32x128xf32, #tpu.memory_space<hbm>> -> memref<32x128xf32, #tpu.memory_space<hbm>>
      %dma_start3A_130 = arith.constant 0 : i32
      %dma_start3A_131 = tpu.memref_slice %arg5[%arg0, %add3A_98, %dma_start3A_130] : memref<2x10240x128xf32, #tpu.memory_space<hbm>> -> memref<1x32x128xf32, #tpu.memory_space<hbm>>
      %dma_start3A_132 = tpu.memref_squeeze %dma_start3A_131 : memref<1x32x128xf32, #tpu.memory_space<hbm>> -> memref<32x128xf32, #tpu.memory_space<hbm>>
      tpu.enqueue_dma source(%arg13 : memref<32x128xf32, #tpu.memory_space<vmem>>) target(%dma_start3A_132 : memref<32x128xf32, #tpu.memory_space<hbm>>) target_semaphore(%run_scoped3A : memref<!tpu.dma_semaphore, #tpu.memory_space<semaphore_mem>>)
      %dma_wait3A_133 = arith.constant 0 : i32
      %dma_wait3A_134 = tpu.memref_slice %arg5[%arg0, %add3A_98, %dma_wait3A_133] : memref<2x10240x128xf32, #tpu.memory_space<hbm>> -> memref<1x32x128xf32, #tpu.memory_space<hbm>>
      %dma_wait3A_135 = tpu.memref_squeeze %dma_wait3A_134 : memref<1x32x128xf32, #tpu.memory_space<hbm>> -> memref<32x128xf32, #tpu.memory_space<hbm>>
      %dma_wait3A_136 = arith.constant 0 : i32
      %dma_wait3A_137 = tpu.memref_slice %arg5[%arg0, %add3A_98, %dma_wait3A_136] : memref<2x10240x128xf32, #tpu.memory_space<hbm>> -> memref<1x32x128xf32, #tpu.memory_space<hbm>>
      %dma_wait3A_138 = tpu.memref_squeeze %dma_wait3A_137 : memref<1x32x128xf32, #tpu.memory_space<hbm>> -> memref<32x128xf32, #tpu.memory_space<hbm>>
      tpu.wait_dma2 semaphore(%run_scoped3A : memref<!tpu.dma_semaphore, #tpu.memory_space<semaphore_mem>>) src(%arg13 : memref<32x128xf32, #tpu.memory_space<vmem>>) dst(%dma_wait3A_138 : memref<32x128xf32, #tpu.memory_space<hbm>>)
      tpu.yield
    }) : () -> ()
    %add3A_99 = arith.constant 192 : i32
    %add3A_100 = arith.addi %mul3A_10, %add3A_99 : i32
    "tpu.region"() ({
      %run_scoped3A = tpu.sem_alloc : memref<!tpu.dma_semaphore, #tpu.memory_space<semaphore_mem>>
      %dma_start3A_127 = arith.constant 0 : i32
      %dma_start3A_128 = tpu.memref_slice %arg14[%add3A_100, %dma_start3A_127] : memref<10240x128xf32, #tpu.memory_space<vmem_shared>> -> memref<32x128xf32, #tpu.memory_space<vmem_shared>>
      %dma_start3A_129 = arith.constant 0 : i32
      %dma_start3A_130 = tpu.memref_slice %arg14[%add3A_100, %dma_start3A_129] : memref<10240x128xf32, #tpu.memory_space<vmem_shared>> -> memref<32x128xf32, #tpu.memory_space<vmem_shared>>
      tpu.enqueue_dma source(%dma_start3A_130 : memref<32x128xf32, #tpu.memory_space<vmem_shared>>) target(%arg13 : memref<32x128xf32, #tpu.memory_space<vmem>>) target_semaphore(%run_scoped3A : memref<!tpu.dma_semaphore, #tpu.memory_space<semaphore_mem>>)
      %dma_wait3A_131 = arith.constant 0 : i32
      %dma_wait3A_132 = tpu.memref_slice %arg14[%add3A_100, %dma_wait3A_131] : memref<10240x128xf32, #tpu.memory_space<vmem_shared>> -> memref<32x128xf32, #tpu.memory_space<vmem_shared>>
      %dma_wait3A_133 = arith.constant 0 : i32
      %dma_wait3A_134 = tpu.memref_slice %arg14[%add3A_100, %dma_wait3A_133] : memref<10240x128xf32, #tpu.memory_space<vmem_shared>> -> memref<32x128xf32, #tpu.memory_space<vmem_shared>>
      tpu.wait_dma2 semaphore(%run_scoped3A : memref<!tpu.dma_semaphore, #tpu.memory_space<semaphore_mem>>) src(%dma_wait3A_134 : memref<32x128xf32, #tpu.memory_space<vmem_shared>>) dst(%arg13 : memref<32x128xf32, #tpu.memory_space<vmem>>)
      tpu.yield
    }) : () -> ()
    "tpu.region"() ({
      %run_scoped3A = tpu.sem_alloc : memref<!tpu.dma_semaphore, #tpu.memory_space<semaphore_mem>>
      %dma_start3A_127 = arith.constant 0 : i32
      %dma_start3A_128 = tpu.memref_slice %arg5[%arg0, %add3A_100, %dma_start3A_127] : memref<2x10240x128xf32, #tpu.memory_space<hbm>> -> memref<1x32x128xf32, #tpu.memory_space<hbm>>
      %dma_start3A_129 = tpu.memref_squeeze %dma_start3A_128 : memref<1x32x128xf32, #tpu.memory_space<hbm>> -> memref<32x128xf32, #tpu.memory_space<hbm>>
      %dma_start3A_130 = arith.constant 0 : i32
      %dma_start3A_131 = tpu.memref_slice %arg5[%arg0, %add3A_100, %dma_start3A_130] : memref<2x10240x128xf32, #tpu.memory_space<hbm>> -> memref<1x32x128xf32, #tpu.memory_space<hbm>>
      %dma_start3A_132 = tpu.memref_squeeze %dma_start3A_131 : memref<1x32x128xf32, #tpu.memory_space<hbm>> -> memref<32x128xf32, #tpu.memory_space<hbm>>
      tpu.enqueue_dma source(%arg13 : memref<32x128xf32, #tpu.memory_space<vmem>>) target(%dma_start3A_132 : memref<32x128xf32, #tpu.memory_space<hbm>>) target_semaphore(%run_scoped3A : memref<!tpu.dma_semaphore, #tpu.memory_space<semaphore_mem>>)
      %dma_wait3A_133 = arith.constant 0 : i32
      %dma_wait3A_134 = tpu.memref_slice %arg5[%arg0, %add3A_100, %dma_wait3A_133] : memref<2x10240x128xf32, #tpu.memory_space<hbm>> -> memref<1x32x128xf32, #tpu.memory_space<hbm>>
      %dma_wait3A_135 = tpu.memref_squeeze %dma_wait3A_134 : memref<1x32x128xf32, #tpu.memory_space<hbm>> -> memref<32x128xf32, #tpu.memory_space<hbm>>
      %dma_wait3A_136 = arith.constant 0 : i32
      %dma_wait3A_137 = tpu.memref_slice %arg5[%arg0, %add3A_100, %dma_wait3A_136] : memref<2x10240x128xf32, #tpu.memory_space<hbm>> -> memref<1x32x128xf32, #tpu.memory_space<hbm>>
      %dma_wait3A_138 = tpu.memref_squeeze %dma_wait3A_137 : memref<1x32x128xf32, #tpu.memory_space<hbm>> -> memref<32x128xf32, #tpu.memory_space<hbm>>
      tpu.wait_dma2 semaphore(%run_scoped3A : memref<!tpu.dma_semaphore, #tpu.memory_space<semaphore_mem>>) src(%arg13 : memref<32x128xf32, #tpu.memory_space<vmem>>) dst(%dma_wait3A_138 : memref<32x128xf32, #tpu.memory_space<hbm>>)
      tpu.yield
    }) : () -> ()
    %add3A_101 = arith.constant 224 : i32
    %add3A_102 = arith.addi %mul3A_10, %add3A_101 : i32
    "tpu.region"() ({
      %run_scoped3A = tpu.sem_alloc : memref<!tpu.dma_semaphore, #tpu.memory_space<semaphore_mem>>
      %dma_start3A_127 = arith.constant 0 : i32
      %dma_start3A_128 = tpu.memref_slice %arg14[%add3A_102, %dma_start3A_127] : memref<10240x128xf32, #tpu.memory_space<vmem_shared>> -> memref<32x128xf32, #tpu.memory_space<vmem_shared>>
      %dma_start3A_129 = arith.constant 0 : i32
      %dma_start3A_130 = tpu.memref_slice %arg14[%add3A_102, %dma_start3A_129] : memref<10240x128xf32, #tpu.memory_space<vmem_shared>> -> memref<32x128xf32, #tpu.memory_space<vmem_shared>>
      tpu.enqueue_dma source(%dma_start3A_130 : memref<32x128xf32, #tpu.memory_space<vmem_shared>>) target(%arg13 : memref<32x128xf32, #tpu.memory_space<vmem>>) target_semaphore(%run_scoped3A : memref<!tpu.dma_semaphore, #tpu.memory_space<semaphore_mem>>)
      %dma_wait3A_131 = arith.constant 0 : i32
      %dma_wait3A_132 = tpu.memref_slice %arg14[%add3A_102, %dma_wait3A_131] : memref<10240x128xf32, #tpu.memory_space<vmem_shared>> -> memref<32x128xf32, #tpu.memory_space<vmem_shared>>
      %dma_wait3A_133 = arith.constant 0 : i32
      %dma_wait3A_134 = tpu.memref_slice %arg14[%add3A_102, %dma_wait3A_133] : memref<10240x128xf32, #tpu.memory_space<vmem_shared>> -> memref<32x128xf32, #tpu.memory_space<vmem_shared>>
      tpu.wait_dma2 semaphore(%run_scoped3A : memref<!tpu.dma_semaphore, #tpu.memory_space<semaphore_mem>>) src(%dma_wait3A_134 : memref<32x128xf32, #tpu.memory_space<vmem_shared>>) dst(%arg13 : memref<32x128xf32, #tpu.memory_space<vmem>>)
      tpu.yield
    }) : () -> ()
    "tpu.region"() ({
      %run_scoped3A = tpu.sem_alloc : memref<!tpu.dma_semaphore, #tpu.memory_space<semaphore_mem>>
      %dma_start3A_127 = arith.constant 0 : i32
      %dma_start3A_128 = tpu.memref_slice %arg5[%arg0, %add3A_102, %dma_start3A_127] : memref<2x10240x128xf32, #tpu.memory_space<hbm>> -> memref<1x32x128xf32, #tpu.memory_space<hbm>>
      %dma_start3A_129 = tpu.memref_squeeze %dma_start3A_128 : memref<1x32x128xf32, #tpu.memory_space<hbm>> -> memref<32x128xf32, #tpu.memory_space<hbm>>
      %dma_start3A_130 = arith.constant 0 : i32
      %dma_start3A_131 = tpu.memref_slice %arg5[%arg0, %add3A_102, %dma_start3A_130] : memref<2x10240x128xf32, #tpu.memory_space<hbm>> -> memref<1x32x128xf32, #tpu.memory_space<hbm>>
      %dma_start3A_132 = tpu.memref_squeeze %dma_start3A_131 : memref<1x32x128xf32, #tpu.memory_space<hbm>> -> memref<32x128xf32, #tpu.memory_space<hbm>>
      tpu.enqueue_dma source(%arg13 : memref<32x128xf32, #tpu.memory_space<vmem>>) target(%dma_start3A_132 : memref<32x128xf32, #tpu.memory_space<hbm>>) target_semaphore(%run_scoped3A : memref<!tpu.dma_semaphore, #tpu.memory_space<semaphore_mem>>)
      %dma_wait3A_133 = arith.constant 0 : i32
      %dma_wait3A_134 = tpu.memref_slice %arg5[%arg0, %add3A_102, %dma_wait3A_133] : memref<2x10240x128xf32, #tpu.memory_space<hbm>> -> memref<1x32x128xf32, #tpu.memory_space<hbm>>
      %dma_wait3A_135 = tpu.memref_squeeze %dma_wait3A_134 : memref<1x32x128xf32, #tpu.memory_space<hbm>> -> memref<32x128xf32, #tpu.memory_space<hbm>>
      %dma_wait3A_136 = arith.constant 0 : i32
      %dma_wait3A_137 = tpu.memref_slice %arg5[%arg0, %add3A_102, %dma_wait3A_136] : memref<2x10240x128xf32, #tpu.memory_space<hbm>> -> memref<1x32x128xf32, #tpu.memory_space<hbm>>
      %dma_wait3A_138 = tpu.memref_squeeze %dma_wait3A_137 : memref<1x32x128xf32, #tpu.memory_space<hbm>> -> memref<32x128xf32, #tpu.memory_space<hbm>>
      tpu.wait_dma2 semaphore(%run_scoped3A : memref<!tpu.dma_semaphore, #tpu.memory_space<semaphore_mem>>) src(%arg13 : memref<32x128xf32, #tpu.memory_space<vmem>>) dst(%dma_wait3A_138 : memref<32x128xf32, #tpu.memory_space<hbm>>)
      tpu.yield
    }) : () -> ()
    %add3A_103 = arith.constant 256 : i32
    %add3A_104 = arith.addi %mul3A_10, %add3A_103 : i32
    "tpu.region"() ({
      %run_scoped3A = tpu.sem_alloc : memref<!tpu.dma_semaphore, #tpu.memory_space<semaphore_mem>>
      %dma_start3A_127 = arith.constant 0 : i32
      %dma_start3A_128 = tpu.memref_slice %arg14[%add3A_104, %dma_start3A_127] : memref<10240x128xf32, #tpu.memory_space<vmem_shared>> -> memref<32x128xf32, #tpu.memory_space<vmem_shared>>
      %dma_start3A_129 = arith.constant 0 : i32
      %dma_start3A_130 = tpu.memref_slice %arg14[%add3A_104, %dma_start3A_129] : memref<10240x128xf32, #tpu.memory_space<vmem_shared>> -> memref<32x128xf32, #tpu.memory_space<vmem_shared>>
      tpu.enqueue_dma source(%dma_start3A_130 : memref<32x128xf32, #tpu.memory_space<vmem_shared>>) target(%arg13 : memref<32x128xf32, #tpu.memory_space<vmem>>) target_semaphore(%run_scoped3A : memref<!tpu.dma_semaphore, #tpu.memory_space<semaphore_mem>>)
      %dma_wait3A_131 = arith.constant 0 : i32
      %dma_wait3A_132 = tpu.memref_slice %arg14[%add3A_104, %dma_wait3A_131] : memref<10240x128xf32, #tpu.memory_space<vmem_shared>> -> memref<32x128xf32, #tpu.memory_space<vmem_shared>>
      %dma_wait3A_133 = arith.constant 0 : i32
      %dma_wait3A_134 = tpu.memref_slice %arg14[%add3A_104, %dma_wait3A_133] : memref<10240x128xf32, #tpu.memory_space<vmem_shared>> -> memref<32x128xf32, #tpu.memory_space<vmem_shared>>
      tpu.wait_dma2 semaphore(%run_scoped3A : memref<!tpu.dma_semaphore, #tpu.memory_space<semaphore_mem>>) src(%dma_wait3A_134 : memref<32x128xf32, #tpu.memory_space<vmem_shared>>) dst(%arg13 : memref<32x128xf32, #tpu.memory_space<vmem>>)
      tpu.yield
    }) : () -> ()
    "tpu.region"() ({
      %run_scoped3A = tpu.sem_alloc : memref<!tpu.dma_semaphore, #tpu.memory_space<semaphore_mem>>
      %dma_start3A_127 = arith.constant 0 : i32
      %dma_start3A_128 = tpu.memref_slice %arg5[%arg0, %add3A_104, %dma_start3A_127] : memref<2x10240x128xf32, #tpu.memory_space<hbm>> -> memref<1x32x128xf32, #tpu.memory_space<hbm>>
      %dma_start3A_129 = tpu.memref_squeeze %dma_start3A_128 : memref<1x32x128xf32, #tpu.memory_space<hbm>> -> memref<32x128xf32, #tpu.memory_space<hbm>>
      %dma_start3A_130 = arith.constant 0 : i32
      %dma_start3A_131 = tpu.memref_slice %arg5[%arg0, %add3A_104, %dma_start3A_130] : memref<2x10240x128xf32, #tpu.memory_space<hbm>> -> memref<1x32x128xf32, #tpu.memory_space<hbm>>
      %dma_start3A_132 = tpu.memref_squeeze %dma_start3A_131 : memref<1x32x128xf32, #tpu.memory_space<hbm>> -> memref<32x128xf32, #tpu.memory_space<hbm>>
      tpu.enqueue_dma source(%arg13 : memref<32x128xf32, #tpu.memory_space<vmem>>) target(%dma_start3A_132 : memref<32x128xf32, #tpu.memory_space<hbm>>) target_semaphore(%run_scoped3A : memref<!tpu.dma_semaphore, #tpu.memory_space<semaphore_mem>>)
      %dma_wait3A_133 = arith.constant 0 : i32
      %dma_wait3A_134 = tpu.memref_slice %arg5[%arg0, %add3A_104, %dma_wait3A_133] : memref<2x10240x128xf32, #tpu.memory_space<hbm>> -> memref<1x32x128xf32, #tpu.memory_space<hbm>>
      %dma_wait3A_135 = tpu.memref_squeeze %dma_wait3A_134 : memref<1x32x128xf32, #tpu.memory_space<hbm>> -> memref<32x128xf32, #tpu.memory_space<hbm>>
      %dma_wait3A_136 = arith.constant 0 : i32
      %dma_wait3A_137 = tpu.memref_slice %arg5[%arg0, %add3A_104, %dma_wait3A_136] : memref<2x10240x128xf32, #tpu.memory_space<hbm>> -> memref<1x32x128xf32, #tpu.memory_space<hbm>>
      %dma_wait3A_138 = tpu.memref_squeeze %dma_wait3A_137 : memref<1x32x128xf32, #tpu.memory_space<hbm>> -> memref<32x128xf32, #tpu.memory_space<hbm>>
      tpu.wait_dma2 semaphore(%run_scoped3A : memref<!tpu.dma_semaphore, #tpu.memory_space<semaphore_mem>>) src(%arg13 : memref<32x128xf32, #tpu.memory_space<vmem>>) dst(%dma_wait3A_138 : memref<32x128xf32, #tpu.memory_space<hbm>>)
      tpu.yield
    }) : () -> ()
    %add3A_105 = arith.constant 288 : i32
    %add3A_106 = arith.addi %mul3A_10, %add3A_105 : i32
    "tpu.region"() ({
      %run_scoped3A = tpu.sem_alloc : memref<!tpu.dma_semaphore, #tpu.memory_space<semaphore_mem>>
      %dma_start3A_127 = arith.constant 0 : i32
      %dma_start3A_128 = tpu.memref_slice %arg14[%add3A_106, %dma_start3A_127] : memref<10240x128xf32, #tpu.memory_space<vmem_shared>> -> memref<32x128xf32, #tpu.memory_space<vmem_shared>>
      %dma_start3A_129 = arith.constant 0 : i32
      %dma_start3A_130 = tpu.memref_slice %arg14[%add3A_106, %dma_start3A_129] : memref<10240x128xf32, #tpu.memory_space<vmem_shared>> -> memref<32x128xf32, #tpu.memory_space<vmem_shared>>
      tpu.enqueue_dma source(%dma_start3A_130 : memref<32x128xf32, #tpu.memory_space<vmem_shared>>) target(%arg13 : memref<32x128xf32, #tpu.memory_space<vmem>>) target_semaphore(%run_scoped3A : memref<!tpu.dma_semaphore, #tpu.memory_space<semaphore_mem>>)
      %dma_wait3A_131 = arith.constant 0 : i32
      %dma_wait3A_132 = tpu.memref_slice %arg14[%add3A_106, %dma_wait3A_131] : memref<10240x128xf32, #tpu.memory_space<vmem_shared>> -> memref<32x128xf32, #tpu.memory_space<vmem_shared>>
      %dma_wait3A_133 = arith.constant 0 : i32
      %dma_wait3A_134 = tpu.memref_slice %arg14[%add3A_106, %dma_wait3A_133] : memref<10240x128xf32, #tpu.memory_space<vmem_shared>> -> memref<32x128xf32, #tpu.memory_space<vmem_shared>>
      tpu.wait_dma2 semaphore(%run_scoped3A : memref<!tpu.dma_semaphore, #tpu.memory_space<semaphore_mem>>) src(%dma_wait3A_134 : memref<32x128xf32, #tpu.memory_space<vmem_shared>>) dst(%arg13 : memref<32x128xf32, #tpu.memory_space<vmem>>)
      tpu.yield
    }) : () -> ()
    "tpu.region"() ({
      %run_scoped3A = tpu.sem_alloc : memref<!tpu.dma_semaphore, #tpu.memory_space<semaphore_mem>>
      %dma_start3A_127 = arith.constant 0 : i32
      %dma_start3A_128 = tpu.memref_slice %arg5[%arg0, %add3A_106, %dma_start3A_127] : memref<2x10240x128xf32, #tpu.memory_space<hbm>> -> memref<1x32x128xf32, #tpu.memory_space<hbm>>
      %dma_start3A_129 = tpu.memref_squeeze %dma_start3A_128 : memref<1x32x128xf32, #tpu.memory_space<hbm>> -> memref<32x128xf32, #tpu.memory_space<hbm>>
      %dma_start3A_130 = arith.constant 0 : i32
      %dma_start3A_131 = tpu.memref_slice %arg5[%arg0, %add3A_106, %dma_start3A_130] : memref<2x10240x128xf32, #tpu.memory_space<hbm>> -> memref<1x32x128xf32, #tpu.memory_space<hbm>>
      %dma_start3A_132 = tpu.memref_squeeze %dma_start3A_131 : memref<1x32x128xf32, #tpu.memory_space<hbm>> -> memref<32x128xf32, #tpu.memory_space<hbm>>
      tpu.enqueue_dma source(%arg13 : memref<32x128xf32, #tpu.memory_space<vmem>>) target(%dma_start3A_132 : memref<32x128xf32, #tpu.memory_space<hbm>>) target_semaphore(%run_scoped3A : memref<!tpu.dma_semaphore, #tpu.memory_space<semaphore_mem>>)
      %dma_wait3A_133 = arith.constant 0 : i32
      %dma_wait3A_134 = tpu.memref_slice %arg5[%arg0, %add3A_106, %dma_wait3A_133] : memref<2x10240x128xf32, #tpu.memory_space<hbm>> -> memref<1x32x128xf32, #tpu.memory_space<hbm>>
      %dma_wait3A_135 = tpu.memref_squeeze %dma_wait3A_134 : memref<1x32x128xf32, #tpu.memory_space<hbm>> -> memref<32x128xf32, #tpu.memory_space<hbm>>
      %dma_wait3A_136 = arith.constant 0 : i32
      %dma_wait3A_137 = tpu.memref_slice %arg5[%arg0, %add3A_106, %dma_wait3A_136] : memref<2x10240x128xf32, #tpu.memory_space<hbm>> -> memref<1x32x128xf32, #tpu.memory_space<hbm>>
      %dma_wait3A_138 = tpu.memref_squeeze %dma_wait3A_137 : memref<1x32x128xf32, #tpu.memory_space<hbm>> -> memref<32x128xf32, #tpu.memory_space<hbm>>
      tpu.wait_dma2 semaphore(%run_scoped3A : memref<!tpu.dma_semaphore, #tpu.memory_space<semaphore_mem>>) src(%arg13 : memref<32x128xf32, #tpu.memory_space<vmem>>) dst(%dma_wait3A_138 : memref<32x128xf32, #tpu.memory_space<hbm>>)
      tpu.yield
    }) : () -> ()
    %add3A_107 = arith.constant 320 : i32
    %add3A_108 = arith.addi %mul3A_10, %add3A_107 : i32
    "tpu.region"() ({
      %run_scoped3A = tpu.sem_alloc : memref<!tpu.dma_semaphore, #tpu.memory_space<semaphore_mem>>
      %dma_start3A_127 = arith.constant 0 : i32
      %dma_start3A_128 = tpu.memref_slice %arg14[%add3A_108, %dma_start3A_127] : memref<10240x128xf32, #tpu.memory_space<vmem_shared>> -> memref<32x128xf32, #tpu.memory_space<vmem_shared>>
      %dma_start3A_129 = arith.constant 0 : i32
      %dma_start3A_130 = tpu.memref_slice %arg14[%add3A_108, %dma_start3A_129] : memref<10240x128xf32, #tpu.memory_space<vmem_shared>> -> memref<32x128xf32, #tpu.memory_space<vmem_shared>>
      tpu.enqueue_dma source(%dma_start3A_130 : memref<32x128xf32, #tpu.memory_space<vmem_shared>>) target(%arg13 : memref<32x128xf32, #tpu.memory_space<vmem>>) target_semaphore(%run_scoped3A : memref<!tpu.dma_semaphore, #tpu.memory_space<semaphore_mem>>)
      %dma_wait3A_131 = arith.constant 0 : i32
      %dma_wait3A_132 = tpu.memref_slice %arg14[%add3A_108, %dma_wait3A_131] : memref<10240x128xf32, #tpu.memory_space<vmem_shared>> -> memref<32x128xf32, #tpu.memory_space<vmem_shared>>
      %dma_wait3A_133 = arith.constant 0 : i32
      %dma_wait3A_134 = tpu.memref_slice %arg14[%add3A_108, %dma_wait3A_133] : memref<10240x128xf32, #tpu.memory_space<vmem_shared>> -> memref<32x128xf32, #tpu.memory_space<vmem_shared>>
      tpu.wait_dma2 semaphore(%run_scoped3A : memref<!tpu.dma_semaphore, #tpu.memory_space<semaphore_mem>>) src(%dma_wait3A_134 : memref<32x128xf32, #tpu.memory_space<vmem_shared>>) dst(%arg13 : memref<32x128xf32, #tpu.memory_space<vmem>>)
      tpu.yield
    }) : () -> ()
    "tpu.region"() ({
      %run_scoped3A = tpu.sem_alloc : memref<!tpu.dma_semaphore, #tpu.memory_space<semaphore_mem>>
      %dma_start3A_127 = arith.constant 0 : i32
      %dma_start3A_128 = tpu.memref_slice %arg5[%arg0, %add3A_108, %dma_start3A_127] : memref<2x10240x128xf32, #tpu.memory_space<hbm>> -> memref<1x32x128xf32, #tpu.memory_space<hbm>>
      %dma_start3A_129 = tpu.memref_squeeze %dma_start3A_128 : memref<1x32x128xf32, #tpu.memory_space<hbm>> -> memref<32x128xf32, #tpu.memory_space<hbm>>
      %dma_start3A_130 = arith.constant 0 : i32
      %dma_start3A_131 = tpu.memref_slice %arg5[%arg0, %add3A_108, %dma_start3A_130] : memref<2x10240x128xf32, #tpu.memory_space<hbm>> -> memref<1x32x128xf32, #tpu.memory_space<hbm>>
      %dma_start3A_132 = tpu.memref_squeeze %dma_start3A_131 : memref<1x32x128xf32, #tpu.memory_space<hbm>> -> memref<32x128xf32, #tpu.memory_space<hbm>>
      tpu.enqueue_dma source(%arg13 : memref<32x128xf32, #tpu.memory_space<vmem>>) target(%dma_start3A_132 : memref<32x128xf32, #tpu.memory_space<hbm>>) target_semaphore(%run_scoped3A : memref<!tpu.dma_semaphore, #tpu.memory_space<semaphore_mem>>)
      %dma_wait3A_133 = arith.constant 0 : i32
      %dma_wait3A_134 = tpu.memref_slice %arg5[%arg0, %add3A_108, %dma_wait3A_133] : memref<2x10240x128xf32, #tpu.memory_space<hbm>> -> memref<1x32x128xf32, #tpu.memory_space<hbm>>
      %dma_wait3A_135 = tpu.memref_squeeze %dma_wait3A_134 : memref<1x32x128xf32, #tpu.memory_space<hbm>> -> memref<32x128xf32, #tpu.memory_space<hbm>>
      %dma_wait3A_136 = arith.constant 0 : i32
      %dma_wait3A_137 = tpu.memref_slice %arg5[%arg0, %add3A_108, %dma_wait3A_136] : memref<2x10240x128xf32, #tpu.memory_space<hbm>> -> memref<1x32x128xf32, #tpu.memory_space<hbm>>
      %dma_wait3A_138 = tpu.memref_squeeze %dma_wait3A_137 : memref<1x32x128xf32, #tpu.memory_space<hbm>> -> memref<32x128xf32, #tpu.memory_space<hbm>>
      tpu.wait_dma2 semaphore(%run_scoped3A : memref<!tpu.dma_semaphore, #tpu.memory_space<semaphore_mem>>) src(%arg13 : memref<32x128xf32, #tpu.memory_space<vmem>>) dst(%dma_wait3A_138 : memref<32x128xf32, #tpu.memory_space<hbm>>)
      tpu.yield
    }) : () -> ()
    %add3A_109 = arith.constant 352 : i32
    %add3A_110 = arith.addi %mul3A_10, %add3A_109 : i32
    "tpu.region"() ({
      %run_scoped3A = tpu.sem_alloc : memref<!tpu.dma_semaphore, #tpu.memory_space<semaphore_mem>>
      %dma_start3A_127 = arith.constant 0 : i32
      %dma_start3A_128 = tpu.memref_slice %arg14[%add3A_110, %dma_start3A_127] : memref<10240x128xf32, #tpu.memory_space<vmem_shared>> -> memref<32x128xf32, #tpu.memory_space<vmem_shared>>
      %dma_start3A_129 = arith.constant 0 : i32
      %dma_start3A_130 = tpu.memref_slice %arg14[%add3A_110, %dma_start3A_129] : memref<10240x128xf32, #tpu.memory_space<vmem_shared>> -> memref<32x128xf32, #tpu.memory_space<vmem_shared>>
      tpu.enqueue_dma source(%dma_start3A_130 : memref<32x128xf32, #tpu.memory_space<vmem_shared>>) target(%arg13 : memref<32x128xf32, #tpu.memory_space<vmem>>) target_semaphore(%run_scoped3A : memref<!tpu.dma_semaphore, #tpu.memory_space<semaphore_mem>>)
      %dma_wait3A_131 = arith.constant 0 : i32
      %dma_wait3A_132 = tpu.memref_slice %arg14[%add3A_110, %dma_wait3A_131] : memref<10240x128xf32, #tpu.memory_space<vmem_shared>> -> memref<32x128xf32, #tpu.memory_space<vmem_shared>>
      %dma_wait3A_133 = arith.constant 0 : i32
      %dma_wait3A_134 = tpu.memref_slice %arg14[%add3A_110, %dma_wait3A_133] : memref<10240x128xf32, #tpu.memory_space<vmem_shared>> -> memref<32x128xf32, #tpu.memory_space<vmem_shared>>
      tpu.wait_dma2 semaphore(%run_scoped3A : memref<!tpu.dma_semaphore, #tpu.memory_space<semaphore_mem>>) src(%dma_wait3A_134 : memref<32x128xf32, #tpu.memory_space<vmem_shared>>) dst(%arg13 : memref<32x128xf32, #tpu.memory_space<vmem>>)
      tpu.yield
    }) : () -> ()
    "tpu.region"() ({
      %run_scoped3A = tpu.sem_alloc : memref<!tpu.dma_semaphore, #tpu.memory_space<semaphore_mem>>
      %dma_start3A_127 = arith.constant 0 : i32
      %dma_start3A_128 = tpu.memref_slice %arg5[%arg0, %add3A_110, %dma_start3A_127] : memref<2x10240x128xf32, #tpu.memory_space<hbm>> -> memref<1x32x128xf32, #tpu.memory_space<hbm>>
      %dma_start3A_129 = tpu.memref_squeeze %dma_start3A_128 : memref<1x32x128xf32, #tpu.memory_space<hbm>> -> memref<32x128xf32, #tpu.memory_space<hbm>>
      %dma_start3A_130 = arith.constant 0 : i32
      %dma_start3A_131 = tpu.memref_slice %arg5[%arg0, %add3A_110, %dma_start3A_130] : memref<2x10240x128xf32, #tpu.memory_space<hbm>> -> memref<1x32x128xf32, #tpu.memory_space<hbm>>
      %dma_start3A_132 = tpu.memref_squeeze %dma_start3A_131 : memref<1x32x128xf32, #tpu.memory_space<hbm>> -> memref<32x128xf32, #tpu.memory_space<hbm>>
      tpu.enqueue_dma source(%arg13 : memref<32x128xf32, #tpu.memory_space<vmem>>) target(%dma_start3A_132 : memref<32x128xf32, #tpu.memory_space<hbm>>) target_semaphore(%run_scoped3A : memref<!tpu.dma_semaphore, #tpu.memory_space<semaphore_mem>>)
      %dma_wait3A_133 = arith.constant 0 : i32
      %dma_wait3A_134 = tpu.memref_slice %arg5[%arg0, %add3A_110, %dma_wait3A_133] : memref<2x10240x128xf32, #tpu.memory_space<hbm>> -> memref<1x32x128xf32, #tpu.memory_space<hbm>>
      %dma_wait3A_135 = tpu.memref_squeeze %dma_wait3A_134 : memref<1x32x128xf32, #tpu.memory_space<hbm>> -> memref<32x128xf32, #tpu.memory_space<hbm>>
      %dma_wait3A_136 = arith.constant 0 : i32
      %dma_wait3A_137 = tpu.memref_slice %arg5[%arg0, %add3A_110, %dma_wait3A_136] : memref<2x10240x128xf32, #tpu.memory_space<hbm>> -> memref<1x32x128xf32, #tpu.memory_space<hbm>>
      %dma_wait3A_138 = tpu.memref_squeeze %dma_wait3A_137 : memref<1x32x128xf32, #tpu.memory_space<hbm>> -> memref<32x128xf32, #tpu.memory_space<hbm>>
      tpu.wait_dma2 semaphore(%run_scoped3A : memref<!tpu.dma_semaphore, #tpu.memory_space<semaphore_mem>>) src(%arg13 : memref<32x128xf32, #tpu.memory_space<vmem>>) dst(%dma_wait3A_138 : memref<32x128xf32, #tpu.memory_space<hbm>>)
      tpu.yield
    }) : () -> ()
    %add3A_111 = arith.constant 384 : i32
    %add3A_112 = arith.addi %mul3A_10, %add3A_111 : i32
    "tpu.region"() ({
      %run_scoped3A = tpu.sem_alloc : memref<!tpu.dma_semaphore, #tpu.memory_space<semaphore_mem>>
      %dma_start3A_127 = arith.constant 0 : i32
      %dma_start3A_128 = tpu.memref_slice %arg14[%add3A_112, %dma_start3A_127] : memref<10240x128xf32, #tpu.memory_space<vmem_shared>> -> memref<32x128xf32, #tpu.memory_space<vmem_shared>>
      %dma_start3A_129 = arith.constant 0 : i32
      %dma_start3A_130 = tpu.memref_slice %arg14[%add3A_112, %dma_start3A_129] : memref<10240x128xf32, #tpu.memory_space<vmem_shared>> -> memref<32x128xf32, #tpu.memory_space<vmem_shared>>
      tpu.enqueue_dma source(%dma_start3A_130 : memref<32x128xf32, #tpu.memory_space<vmem_shared>>) target(%arg13 : memref<32x128xf32, #tpu.memory_space<vmem>>) target_semaphore(%run_scoped3A : memref<!tpu.dma_semaphore, #tpu.memory_space<semaphore_mem>>)
      %dma_wait3A_131 = arith.constant 0 : i32
      %dma_wait3A_132 = tpu.memref_slice %arg14[%add3A_112, %dma_wait3A_131] : memref<10240x128xf32, #tpu.memory_space<vmem_shared>> -> memref<32x128xf32, #tpu.memory_space<vmem_shared>>
      %dma_wait3A_133 = arith.constant 0 : i32
      %dma_wait3A_134 = tpu.memref_slice %arg14[%add3A_112, %dma_wait3A_133] : memref<10240x128xf32, #tpu.memory_space<vmem_shared>> -> memref<32x128xf32, #tpu.memory_space<vmem_shared>>
      tpu.wait_dma2 semaphore(%run_scoped3A : memref<!tpu.dma_semaphore, #tpu.memory_space<semaphore_mem>>) src(%dma_wait3A_134 : memref<32x128xf32, #tpu.memory_space<vmem_shared>>) dst(%arg13 : memref<32x128xf32, #tpu.memory_space<vmem>>)
      tpu.yield
    }) : () -> ()
    "tpu.region"() ({
      %run_scoped3A = tpu.sem_alloc : memref<!tpu.dma_semaphore, #tpu.memory_space<semaphore_mem>>
      %dma_start3A_127 = arith.constant 0 : i32
      %dma_start3A_128 = tpu.memref_slice %arg5[%arg0, %add3A_112, %dma_start3A_127] : memref<2x10240x128xf32, #tpu.memory_space<hbm>> -> memref<1x32x128xf32, #tpu.memory_space<hbm>>
      %dma_start3A_129 = tpu.memref_squeeze %dma_start3A_128 : memref<1x32x128xf32, #tpu.memory_space<hbm>> -> memref<32x128xf32, #tpu.memory_space<hbm>>
      %dma_start3A_130 = arith.constant 0 : i32
      %dma_start3A_131 = tpu.memref_slice %arg5[%arg0, %add3A_112, %dma_start3A_130] : memref<2x10240x128xf32, #tpu.memory_space<hbm>> -> memref<1x32x128xf32, #tpu.memory_space<hbm>>
      %dma_start3A_132 = tpu.memref_squeeze %dma_start3A_131 : memref<1x32x128xf32, #tpu.memory_space<hbm>> -> memref<32x128xf32, #tpu.memory_space<hbm>>
      tpu.enqueue_dma source(%arg13 : memref<32x128xf32, #tpu.memory_space<vmem>>) target(%dma_start3A_132 : memref<32x128xf32, #tpu.memory_space<hbm>>) target_semaphore(%run_scoped3A : memref<!tpu.dma_semaphore, #tpu.memory_space<semaphore_mem>>)
      %dma_wait3A_133 = arith.constant 0 : i32
      %dma_wait3A_134 = tpu.memref_slice %arg5[%arg0, %add3A_112, %dma_wait3A_133] : memref<2x10240x128xf32, #tpu.memory_space<hbm>> -> memref<1x32x128xf32, #tpu.memory_space<hbm>>
      %dma_wait3A_135 = tpu.memref_squeeze %dma_wait3A_134 : memref<1x32x128xf32, #tpu.memory_space<hbm>> -> memref<32x128xf32, #tpu.memory_space<hbm>>
      %dma_wait3A_136 = arith.constant 0 : i32
      %dma_wait3A_137 = tpu.memref_slice %arg5[%arg0, %add3A_112, %dma_wait3A_136] : memref<2x10240x128xf32, #tpu.memory_space<hbm>> -> memref<1x32x128xf32, #tpu.memory_space<hbm>>
      %dma_wait3A_138 = tpu.memref_squeeze %dma_wait3A_137 : memref<1x32x128xf32, #tpu.memory_space<hbm>> -> memref<32x128xf32, #tpu.memory_space<hbm>>
      tpu.wait_dma2 semaphore(%run_scoped3A : memref<!tpu.dma_semaphore, #tpu.memory_space<semaphore_mem>>) src(%arg13 : memref<32x128xf32, #tpu.memory_space<vmem>>) dst(%dma_wait3A_138 : memref<32x128xf32, #tpu.memory_space<hbm>>)
      tpu.yield
    }) : () -> ()
    %add3A_113 = arith.constant 416 : i32
    %add3A_114 = arith.addi %mul3A_10, %add3A_113 : i32
    "tpu.region"() ({
      %run_scoped3A = tpu.sem_alloc : memref<!tpu.dma_semaphore, #tpu.memory_space<semaphore_mem>>
      %dma_start3A_127 = arith.constant 0 : i32
      %dma_start3A_128 = tpu.memref_slice %arg14[%add3A_114, %dma_start3A_127] : memref<10240x128xf32, #tpu.memory_space<vmem_shared>> -> memref<32x128xf32, #tpu.memory_space<vmem_shared>>
      %dma_start3A_129 = arith.constant 0 : i32
      %dma_start3A_130 = tpu.memref_slice %arg14[%add3A_114, %dma_start3A_129] : memref<10240x128xf32, #tpu.memory_space<vmem_shared>> -> memref<32x128xf32, #tpu.memory_space<vmem_shared>>
      tpu.enqueue_dma source(%dma_start3A_130 : memref<32x128xf32, #tpu.memory_space<vmem_shared>>) target(%arg13 : memref<32x128xf32, #tpu.memory_space<vmem>>) target_semaphore(%run_scoped3A : memref<!tpu.dma_semaphore, #tpu.memory_space<semaphore_mem>>)
      %dma_wait3A_131 = arith.constant 0 : i32
      %dma_wait3A_132 = tpu.memref_slice %arg14[%add3A_114, %dma_wait3A_131] : memref<10240x128xf32, #tpu.memory_space<vmem_shared>> -> memref<32x128xf32, #tpu.memory_space<vmem_shared>>
      %dma_wait3A_133 = arith.constant 0 : i32
      %dma_wait3A_134 = tpu.memref_slice %arg14[%add3A_114, %dma_wait3A_133] : memref<10240x128xf32, #tpu.memory_space<vmem_shared>> -> memref<32x128xf32, #tpu.memory_space<vmem_shared>>
      tpu.wait_dma2 semaphore(%run_scoped3A : memref<!tpu.dma_semaphore, #tpu.memory_space<semaphore_mem>>) src(%dma_wait3A_134 : memref<32x128xf32, #tpu.memory_space<vmem_shared>>) dst(%arg13 : memref<32x128xf32, #tpu.memory_space<vmem>>)
      tpu.yield
    }) : () -> ()
    "tpu.region"() ({
      %run_scoped3A = tpu.sem_alloc : memref<!tpu.dma_semaphore, #tpu.memory_space<semaphore_mem>>
      %dma_start3A_127 = arith.constant 0 : i32
      %dma_start3A_128 = tpu.memref_slice %arg5[%arg0, %add3A_114, %dma_start3A_127] : memref<2x10240x128xf32, #tpu.memory_space<hbm>> -> memref<1x32x128xf32, #tpu.memory_space<hbm>>
      %dma_start3A_129 = tpu.memref_squeeze %dma_start3A_128 : memref<1x32x128xf32, #tpu.memory_space<hbm>> -> memref<32x128xf32, #tpu.memory_space<hbm>>
      %dma_start3A_130 = arith.constant 0 : i32
      %dma_start3A_131 = tpu.memref_slice %arg5[%arg0, %add3A_114, %dma_start3A_130] : memref<2x10240x128xf32, #tpu.memory_space<hbm>> -> memref<1x32x128xf32, #tpu.memory_space<hbm>>
      %dma_start3A_132 = tpu.memref_squeeze %dma_start3A_131 : memref<1x32x128xf32, #tpu.memory_space<hbm>> -> memref<32x128xf32, #tpu.memory_space<hbm>>
      tpu.enqueue_dma source(%arg13 : memref<32x128xf32, #tpu.memory_space<vmem>>) target(%dma_start3A_132 : memref<32x128xf32, #tpu.memory_space<hbm>>) target_semaphore(%run_scoped3A : memref<!tpu.dma_semaphore, #tpu.memory_space<semaphore_mem>>)
      %dma_wait3A_133 = arith.constant 0 : i32
      %dma_wait3A_134 = tpu.memref_slice %arg5[%arg0, %add3A_114, %dma_wait3A_133] : memref<2x10240x128xf32, #tpu.memory_space<hbm>> -> memref<1x32x128xf32, #tpu.memory_space<hbm>>
      %dma_wait3A_135 = tpu.memref_squeeze %dma_wait3A_134 : memref<1x32x128xf32, #tpu.memory_space<hbm>> -> memref<32x128xf32, #tpu.memory_space<hbm>>
      %dma_wait3A_136 = arith.constant 0 : i32
      %dma_wait3A_137 = tpu.memref_slice %arg5[%arg0, %add3A_114, %dma_wait3A_136] : memref<2x10240x128xf32, #tpu.memory_space<hbm>> -> memref<1x32x128xf32, #tpu.memory_space<hbm>>
      %dma_wait3A_138 = tpu.memref_squeeze %dma_wait3A_137 : memref<1x32x128xf32, #tpu.memory_space<hbm>> -> memref<32x128xf32, #tpu.memory_space<hbm>>
      tpu.wait_dma2 semaphore(%run_scoped3A : memref<!tpu.dma_semaphore, #tpu.memory_space<semaphore_mem>>) src(%arg13 : memref<32x128xf32, #tpu.memory_space<vmem>>) dst(%dma_wait3A_138 : memref<32x128xf32, #tpu.memory_space<hbm>>)
      tpu.yield
    }) : () -> ()
    %add3A_115 = arith.constant 448 : i32
    %add3A_116 = arith.addi %mul3A_10, %add3A_115 : i32
    "tpu.region"() ({
      %run_scoped3A = tpu.sem_alloc : memref<!tpu.dma_semaphore, #tpu.memory_space<semaphore_mem>>
      %dma_start3A_127 = arith.constant 0 : i32
      %dma_start3A_128 = tpu.memref_slice %arg14[%add3A_116, %dma_start3A_127] : memref<10240x128xf32, #tpu.memory_space<vmem_shared>> -> memref<32x128xf32, #tpu.memory_space<vmem_shared>>
      %dma_start3A_129 = arith.constant 0 : i32
      %dma_start3A_130 = tpu.memref_slice %arg14[%add3A_116, %dma_start3A_129] : memref<10240x128xf32, #tpu.memory_space<vmem_shared>> -> memref<32x128xf32, #tpu.memory_space<vmem_shared>>
      tpu.enqueue_dma source(%dma_start3A_130 : memref<32x128xf32, #tpu.memory_space<vmem_shared>>) target(%arg13 : memref<32x128xf32, #tpu.memory_space<vmem>>) target_semaphore(%run_scoped3A : memref<!tpu.dma_semaphore, #tpu.memory_space<semaphore_mem>>)
      %dma_wait3A_131 = arith.constant 0 : i32
      %dma_wait3A_132 = tpu.memref_slice %arg14[%add3A_116, %dma_wait3A_131] : memref<10240x128xf32, #tpu.memory_space<vmem_shared>> -> memref<32x128xf32, #tpu.memory_space<vmem_shared>>
      %dma_wait3A_133 = arith.constant 0 : i32
      %dma_wait3A_134 = tpu.memref_slice %arg14[%add3A_116, %dma_wait3A_133] : memref<10240x128xf32, #tpu.memory_space<vmem_shared>> -> memref<32x128xf32, #tpu.memory_space<vmem_shared>>
      tpu.wait_dma2 semaphore(%run_scoped3A : memref<!tpu.dma_semaphore, #tpu.memory_space<semaphore_mem>>) src(%dma_wait3A_134 : memref<32x128xf32, #tpu.memory_space<vmem_shared>>) dst(%arg13 : memref<32x128xf32, #tpu.memory_space<vmem>>)
      tpu.yield
    }) : () -> ()
    "tpu.region"() ({
      %run_scoped3A = tpu.sem_alloc : memref<!tpu.dma_semaphore, #tpu.memory_space<semaphore_mem>>
      %dma_start3A_127 = arith.constant 0 : i32
      %dma_start3A_128 = tpu.memref_slice %arg5[%arg0, %add3A_116, %dma_start3A_127] : memref<2x10240x128xf32, #tpu.memory_space<hbm>> -> memref<1x32x128xf32, #tpu.memory_space<hbm>>
      %dma_start3A_129 = tpu.memref_squeeze %dma_start3A_128 : memref<1x32x128xf32, #tpu.memory_space<hbm>> -> memref<32x128xf32, #tpu.memory_space<hbm>>
      %dma_start3A_130 = arith.constant 0 : i32
      %dma_start3A_131 = tpu.memref_slice %arg5[%arg0, %add3A_116, %dma_start3A_130] : memref<2x10240x128xf32, #tpu.memory_space<hbm>> -> memref<1x32x128xf32, #tpu.memory_space<hbm>>
      %dma_start3A_132 = tpu.memref_squeeze %dma_start3A_131 : memref<1x32x128xf32, #tpu.memory_space<hbm>> -> memref<32x128xf32, #tpu.memory_space<hbm>>
      tpu.enqueue_dma source(%arg13 : memref<32x128xf32, #tpu.memory_space<vmem>>) target(%dma_start3A_132 : memref<32x128xf32, #tpu.memory_space<hbm>>) target_semaphore(%run_scoped3A : memref<!tpu.dma_semaphore, #tpu.memory_space<semaphore_mem>>)
      %dma_wait3A_133 = arith.constant 0 : i32
      %dma_wait3A_134 = tpu.memref_slice %arg5[%arg0, %add3A_116, %dma_wait3A_133] : memref<2x10240x128xf32, #tpu.memory_space<hbm>> -> memref<1x32x128xf32, #tpu.memory_space<hbm>>
      %dma_wait3A_135 = tpu.memref_squeeze %dma_wait3A_134 : memref<1x32x128xf32, #tpu.memory_space<hbm>> -> memref<32x128xf32, #tpu.memory_space<hbm>>
      %dma_wait3A_136 = arith.constant 0 : i32
      %dma_wait3A_137 = tpu.memref_slice %arg5[%arg0, %add3A_116, %dma_wait3A_136] : memref<2x10240x128xf32, #tpu.memory_space<hbm>> -> memref<1x32x128xf32, #tpu.memory_space<hbm>>
      %dma_wait3A_138 = tpu.memref_squeeze %dma_wait3A_137 : memref<1x32x128xf32, #tpu.memory_space<hbm>> -> memref<32x128xf32, #tpu.memory_space<hbm>>
      tpu.wait_dma2 semaphore(%run_scoped3A : memref<!tpu.dma_semaphore, #tpu.memory_space<semaphore_mem>>) src(%arg13 : memref<32x128xf32, #tpu.memory_space<vmem>>) dst(%dma_wait3A_138 : memref<32x128xf32, #tpu.memory_space<hbm>>)
      tpu.yield
    }) : () -> ()
    %add3A_117 = arith.constant 480 : i32
    %add3A_118 = arith.addi %mul3A_10, %add3A_117 : i32
    "tpu.region"() ({
      %run_scoped3A = tpu.sem_alloc : memref<!tpu.dma_semaphore, #tpu.memory_space<semaphore_mem>>
      %dma_start3A_127 = arith.constant 0 : i32
      %dma_start3A_128 = tpu.memref_slice %arg14[%add3A_118, %dma_start3A_127] : memref<10240x128xf32, #tpu.memory_space<vmem_shared>> -> memref<32x128xf32, #tpu.memory_space<vmem_shared>>
      %dma_start3A_129 = arith.constant 0 : i32
      %dma_start3A_130 = tpu.memref_slice %arg14[%add3A_118, %dma_start3A_129] : memref<10240x128xf32, #tpu.memory_space<vmem_shared>> -> memref<32x128xf32, #tpu.memory_space<vmem_shared>>
      tpu.enqueue_dma source(%dma_start3A_130 : memref<32x128xf32, #tpu.memory_space<vmem_shared>>) target(%arg13 : memref<32x128xf32, #tpu.memory_space<vmem>>) target_semaphore(%run_scoped3A : memref<!tpu.dma_semaphore, #tpu.memory_space<semaphore_mem>>)
      %dma_wait3A_131 = arith.constant 0 : i32
      %dma_wait3A_132 = tpu.memref_slice %arg14[%add3A_118, %dma_wait3A_131] : memref<10240x128xf32, #tpu.memory_space<vmem_shared>> -> memref<32x128xf32, #tpu.memory_space<vmem_shared>>
      %dma_wait3A_133 = arith.constant 0 : i32
      %dma_wait3A_134 = tpu.memref_slice %arg14[%add3A_118, %dma_wait3A_133] : memref<10240x128xf32, #tpu.memory_space<vmem_shared>> -> memref<32x128xf32, #tpu.memory_space<vmem_shared>>
      tpu.wait_dma2 semaphore(%run_scoped3A : memref<!tpu.dma_semaphore, #tpu.memory_space<semaphore_mem>>) src(%dma_wait3A_134 : memref<32x128xf32, #tpu.memory_space<vmem_shared>>) dst(%arg13 : memref<32x128xf32, #tpu.memory_space<vmem>>)
      tpu.yield
    }) : () -> ()
    "tpu.region"() ({
      %run_scoped3A = tpu.sem_alloc : memref<!tpu.dma_semaphore, #tpu.memory_space<semaphore_mem>>
      %dma_start3A_127 = arith.constant 0 : i32
      %dma_start3A_128 = tpu.memref_slice %arg5[%arg0, %add3A_118, %dma_start3A_127] : memref<2x10240x128xf32, #tpu.memory_space<hbm>> -> memref<1x32x128xf32, #tpu.memory_space<hbm>>
      %dma_start3A_129 = tpu.memref_squeeze %dma_start3A_128 : memref<1x32x128xf32, #tpu.memory_space<hbm>> -> memref<32x128xf32, #tpu.memory_space<hbm>>
      %dma_start3A_130 = arith.constant 0 : i32
      %dma_start3A_131 = tpu.memref_slice %arg5[%arg0, %add3A_118, %dma_start3A_130] : memref<2x10240x128xf32, #tpu.memory_space<hbm>> -> memref<1x32x128xf32, #tpu.memory_space<hbm>>
      %dma_start3A_132 = tpu.memref_squeeze %dma_start3A_131 : memref<1x32x128xf32, #tpu.memory_space<hbm>> -> memref<32x128xf32, #tpu.memory_space<hbm>>
      tpu.enqueue_dma source(%arg13 : memref<32x128xf32, #tpu.memory_space<vmem>>) target(%dma_start3A_132 : memref<32x128xf32, #tpu.memory_space<hbm>>) target_semaphore(%run_scoped3A : memref<!tpu.dma_semaphore, #tpu.memory_space<semaphore_mem>>)
      %dma_wait3A_133 = arith.constant 0 : i32
      %dma_wait3A_134 = tpu.memref_slice %arg5[%arg0, %add3A_118, %dma_wait3A_133] : memref<2x10240x128xf32, #tpu.memory_space<hbm>> -> memref<1x32x128xf32, #tpu.memory_space<hbm>>
      %dma_wait3A_135 = tpu.memref_squeeze %dma_wait3A_134 : memref<1x32x128xf32, #tpu.memory_space<hbm>> -> memref<32x128xf32, #tpu.memory_space<hbm>>
      %dma_wait3A_136 = arith.constant 0 : i32
      %dma_wait3A_137 = tpu.memref_slice %arg5[%arg0, %add3A_118, %dma_wait3A_136] : memref<2x10240x128xf32, #tpu.memory_space<hbm>> -> memref<1x32x128xf32, #tpu.memory_space<hbm>>
      %dma_wait3A_138 = tpu.memref_squeeze %dma_wait3A_137 : memref<1x32x128xf32, #tpu.memory_space<hbm>> -> memref<32x128xf32, #tpu.memory_space<hbm>>
      tpu.wait_dma2 semaphore(%run_scoped3A : memref<!tpu.dma_semaphore, #tpu.memory_space<semaphore_mem>>) src(%arg13 : memref<32x128xf32, #tpu.memory_space<vmem>>) dst(%dma_wait3A_138 : memref<32x128xf32, #tpu.memory_space<hbm>>)
      tpu.yield
    }) : () -> ()
    %add3A_119 = arith.constant 512 : i32
    %add3A_120 = arith.addi %mul3A_10, %add3A_119 : i32
    "tpu.region"() ({
      %run_scoped3A = tpu.sem_alloc : memref<!tpu.dma_semaphore, #tpu.memory_space<semaphore_mem>>
      %dma_start3A_127 = arith.constant 0 : i32
      %dma_start3A_128 = tpu.memref_slice %arg14[%add3A_120, %dma_start3A_127] : memref<10240x128xf32, #tpu.memory_space<vmem_shared>> -> memref<32x128xf32, #tpu.memory_space<vmem_shared>>
      %dma_start3A_129 = arith.constant 0 : i32
      %dma_start3A_130 = tpu.memref_slice %arg14[%add3A_120, %dma_start3A_129] : memref<10240x128xf32, #tpu.memory_space<vmem_shared>> -> memref<32x128xf32, #tpu.memory_space<vmem_shared>>
      tpu.enqueue_dma source(%dma_start3A_130 : memref<32x128xf32, #tpu.memory_space<vmem_shared>>) target(%arg13 : memref<32x128xf32, #tpu.memory_space<vmem>>) target_semaphore(%run_scoped3A : memref<!tpu.dma_semaphore, #tpu.memory_space<semaphore_mem>>)
      %dma_wait3A_131 = arith.constant 0 : i32
      %dma_wait3A_132 = tpu.memref_slice %arg14[%add3A_120, %dma_wait3A_131] : memref<10240x128xf32, #tpu.memory_space<vmem_shared>> -> memref<32x128xf32, #tpu.memory_space<vmem_shared>>
      %dma_wait3A_133 = arith.constant 0 : i32
      %dma_wait3A_134 = tpu.memref_slice %arg14[%add3A_120, %dma_wait3A_133] : memref<10240x128xf32, #tpu.memory_space<vmem_shared>> -> memref<32x128xf32, #tpu.memory_space<vmem_shared>>
      tpu.wait_dma2 semaphore(%run_scoped3A : memref<!tpu.dma_semaphore, #tpu.memory_space<semaphore_mem>>) src(%dma_wait3A_134 : memref<32x128xf32, #tpu.memory_space<vmem_shared>>) dst(%arg13 : memref<32x128xf32, #tpu.memory_space<vmem>>)
      tpu.yield
    }) : () -> ()
    "tpu.region"() ({
      %run_scoped3A = tpu.sem_alloc : memref<!tpu.dma_semaphore, #tpu.memory_space<semaphore_mem>>
      %dma_start3A_127 = arith.constant 0 : i32
      %dma_start3A_128 = tpu.memref_slice %arg5[%arg0, %add3A_120, %dma_start3A_127] : memref<2x10240x128xf32, #tpu.memory_space<hbm>> -> memref<1x32x128xf32, #tpu.memory_space<hbm>>
      %dma_start3A_129 = tpu.memref_squeeze %dma_start3A_128 : memref<1x32x128xf32, #tpu.memory_space<hbm>> -> memref<32x128xf32, #tpu.memory_space<hbm>>
      %dma_start3A_130 = arith.constant 0 : i32
      %dma_start3A_131 = tpu.memref_slice %arg5[%arg0, %add3A_120, %dma_start3A_130] : memref<2x10240x128xf32, #tpu.memory_space<hbm>> -> memref<1x32x128xf32, #tpu.memory_space<hbm>>
      %dma_start3A_132 = tpu.memref_squeeze %dma_start3A_131 : memref<1x32x128xf32, #tpu.memory_space<hbm>> -> memref<32x128xf32, #tpu.memory_space<hbm>>
      tpu.enqueue_dma source(%arg13 : memref<32x128xf32, #tpu.memory_space<vmem>>) target(%dma_start3A_132 : memref<32x128xf32, #tpu.memory_space<hbm>>) target_semaphore(%run_scoped3A : memref<!tpu.dma_semaphore, #tpu.memory_space<semaphore_mem>>)
      %dma_wait3A_133 = arith.constant 0 : i32
      %dma_wait3A_134 = tpu.memref_slice %arg5[%arg0, %add3A_120, %dma_wait3A_133] : memref<2x10240x128xf32, #tpu.memory_space<hbm>> -> memref<1x32x128xf32, #tpu.memory_space<hbm>>
      %dma_wait3A_135 = tpu.memref_squeeze %dma_wait3A_134 : memref<1x32x128xf32, #tpu.memory_space<hbm>> -> memref<32x128xf32, #tpu.memory_space<hbm>>
      %dma_wait3A_136 = arith.constant 0 : i32
      %dma_wait3A_137 = tpu.memref_slice %arg5[%arg0, %add3A_120, %dma_wait3A_136] : memref<2x10240x128xf32, #tpu.memory_space<hbm>> -> memref<1x32x128xf32, #tpu.memory_space<hbm>>
      %dma_wait3A_138 = tpu.memref_squeeze %dma_wait3A_137 : memref<1x32x128xf32, #tpu.memory_space<hbm>> -> memref<32x128xf32, #tpu.memory_space<hbm>>
      tpu.wait_dma2 semaphore(%run_scoped3A : memref<!tpu.dma_semaphore, #tpu.memory_space<semaphore_mem>>) src(%arg13 : memref<32x128xf32, #tpu.memory_space<vmem>>) dst(%dma_wait3A_138 : memref<32x128xf32, #tpu.memory_space<hbm>>)
      tpu.yield
    }) : () -> ()
    %add3A_121 = arith.constant 544 : i32
    %add3A_122 = arith.addi %mul3A_10, %add3A_121 : i32
    "tpu.region"() ({
      %run_scoped3A = tpu.sem_alloc : memref<!tpu.dma_semaphore, #tpu.memory_space<semaphore_mem>>
      %dma_start3A_127 = arith.constant 0 : i32
      %dma_start3A_128 = tpu.memref_slice %arg14[%add3A_122, %dma_start3A_127] : memref<10240x128xf32, #tpu.memory_space<vmem_shared>> -> memref<32x128xf32, #tpu.memory_space<vmem_shared>>
      %dma_start3A_129 = arith.constant 0 : i32
      %dma_start3A_130 = tpu.memref_slice %arg14[%add3A_122, %dma_start3A_129] : memref<10240x128xf32, #tpu.memory_space<vmem_shared>> -> memref<32x128xf32, #tpu.memory_space<vmem_shared>>
      tpu.enqueue_dma source(%dma_start3A_130 : memref<32x128xf32, #tpu.memory_space<vmem_shared>>) target(%arg13 : memref<32x128xf32, #tpu.memory_space<vmem>>) target_semaphore(%run_scoped3A : memref<!tpu.dma_semaphore, #tpu.memory_space<semaphore_mem>>)
      %dma_wait3A_131 = arith.constant 0 : i32
      %dma_wait3A_132 = tpu.memref_slice %arg14[%add3A_122, %dma_wait3A_131] : memref<10240x128xf32, #tpu.memory_space<vmem_shared>> -> memref<32x128xf32, #tpu.memory_space<vmem_shared>>
      %dma_wait3A_133 = arith.constant 0 : i32
      %dma_wait3A_134 = tpu.memref_slice %arg14[%add3A_122, %dma_wait3A_133] : memref<10240x128xf32, #tpu.memory_space<vmem_shared>> -> memref<32x128xf32, #tpu.memory_space<vmem_shared>>
      tpu.wait_dma2 semaphore(%run_scoped3A : memref<!tpu.dma_semaphore, #tpu.memory_space<semaphore_mem>>) src(%dma_wait3A_134 : memref<32x128xf32, #tpu.memory_space<vmem_shared>>) dst(%arg13 : memref<32x128xf32, #tpu.memory_space<vmem>>)
      tpu.yield
    }) : () -> ()
    "tpu.region"() ({
      %run_scoped3A = tpu.sem_alloc : memref<!tpu.dma_semaphore, #tpu.memory_space<semaphore_mem>>
      %dma_start3A_127 = arith.constant 0 : i32
      %dma_start3A_128 = tpu.memref_slice %arg5[%arg0, %add3A_122, %dma_start3A_127] : memref<2x10240x128xf32, #tpu.memory_space<hbm>> -> memref<1x32x128xf32, #tpu.memory_space<hbm>>
      %dma_start3A_129 = tpu.memref_squeeze %dma_start3A_128 : memref<1x32x128xf32, #tpu.memory_space<hbm>> -> memref<32x128xf32, #tpu.memory_space<hbm>>
      %dma_start3A_130 = arith.constant 0 : i32
      %dma_start3A_131 = tpu.memref_slice %arg5[%arg0, %add3A_122, %dma_start3A_130] : memref<2x10240x128xf32, #tpu.memory_space<hbm>> -> memref<1x32x128xf32, #tpu.memory_space<hbm>>
      %dma_start3A_132 = tpu.memref_squeeze %dma_start3A_131 : memref<1x32x128xf32, #tpu.memory_space<hbm>> -> memref<32x128xf32, #tpu.memory_space<hbm>>
      tpu.enqueue_dma source(%arg13 : memref<32x128xf32, #tpu.memory_space<vmem>>) target(%dma_start3A_132 : memref<32x128xf32, #tpu.memory_space<hbm>>) target_semaphore(%run_scoped3A : memref<!tpu.dma_semaphore, #tpu.memory_space<semaphore_mem>>)
      %dma_wait3A_133 = arith.constant 0 : i32
      %dma_wait3A_134 = tpu.memref_slice %arg5[%arg0, %add3A_122, %dma_wait3A_133] : memref<2x10240x128xf32, #tpu.memory_space<hbm>> -> memref<1x32x128xf32, #tpu.memory_space<hbm>>
      %dma_wait3A_135 = tpu.memref_squeeze %dma_wait3A_134 : memref<1x32x128xf32, #tpu.memory_space<hbm>> -> memref<32x128xf32, #tpu.memory_space<hbm>>
      %dma_wait3A_136 = arith.constant 0 : i32
      %dma_wait3A_137 = tpu.memref_slice %arg5[%arg0, %add3A_122, %dma_wait3A_136] : memref<2x10240x128xf32, #tpu.memory_space<hbm>> -> memref<1x32x128xf32, #tpu.memory_space<hbm>>
      %dma_wait3A_138 = tpu.memref_squeeze %dma_wait3A_137 : memref<1x32x128xf32, #tpu.memory_space<hbm>> -> memref<32x128xf32, #tpu.memory_space<hbm>>
      tpu.wait_dma2 semaphore(%run_scoped3A : memref<!tpu.dma_semaphore, #tpu.memory_space<semaphore_mem>>) src(%arg13 : memref<32x128xf32, #tpu.memory_space<vmem>>) dst(%dma_wait3A_138 : memref<32x128xf32, #tpu.memory_space<hbm>>)
      tpu.yield
    }) : () -> ()
    %add3A_123 = arith.constant 576 : i32
    %add3A_124 = arith.addi %mul3A_10, %add3A_123 : i32
    "tpu.region"() ({
      %run_scoped3A = tpu.sem_alloc : memref<!tpu.dma_semaphore, #tpu.memory_space<semaphore_mem>>
      %dma_start3A_127 = arith.constant 0 : i32
      %dma_start3A_128 = tpu.memref_slice %arg14[%add3A_124, %dma_start3A_127] : memref<10240x128xf32, #tpu.memory_space<vmem_shared>> -> memref<32x128xf32, #tpu.memory_space<vmem_shared>>
      %dma_start3A_129 = arith.constant 0 : i32
      %dma_start3A_130 = tpu.memref_slice %arg14[%add3A_124, %dma_start3A_129] : memref<10240x128xf32, #tpu.memory_space<vmem_shared>> -> memref<32x128xf32, #tpu.memory_space<vmem_shared>>
      tpu.enqueue_dma source(%dma_start3A_130 : memref<32x128xf32, #tpu.memory_space<vmem_shared>>) target(%arg13 : memref<32x128xf32, #tpu.memory_space<vmem>>) target_semaphore(%run_scoped3A : memref<!tpu.dma_semaphore, #tpu.memory_space<semaphore_mem>>)
      %dma_wait3A_131 = arith.constant 0 : i32
      %dma_wait3A_132 = tpu.memref_slice %arg14[%add3A_124, %dma_wait3A_131] : memref<10240x128xf32, #tpu.memory_space<vmem_shared>> -> memref<32x128xf32, #tpu.memory_space<vmem_shared>>
      %dma_wait3A_133 = arith.constant 0 : i32
      %dma_wait3A_134 = tpu.memref_slice %arg14[%add3A_124, %dma_wait3A_133] : memref<10240x128xf32, #tpu.memory_space<vmem_shared>> -> memref<32x128xf32, #tpu.memory_space<vmem_shared>>
      tpu.wait_dma2 semaphore(%run_scoped3A : memref<!tpu.dma_semaphore, #tpu.memory_space<semaphore_mem>>) src(%dma_wait3A_134 : memref<32x128xf32, #tpu.memory_space<vmem_shared>>) dst(%arg13 : memref<32x128xf32, #tpu.memory_space<vmem>>)
      tpu.yield
    }) : () -> ()
    "tpu.region"() ({
      %run_scoped3A = tpu.sem_alloc : memref<!tpu.dma_semaphore, #tpu.memory_space<semaphore_mem>>
      %dma_start3A_127 = arith.constant 0 : i32
      %dma_start3A_128 = tpu.memref_slice %arg5[%arg0, %add3A_124, %dma_start3A_127] : memref<2x10240x128xf32, #tpu.memory_space<hbm>> -> memref<1x32x128xf32, #tpu.memory_space<hbm>>
      %dma_start3A_129 = tpu.memref_squeeze %dma_start3A_128 : memref<1x32x128xf32, #tpu.memory_space<hbm>> -> memref<32x128xf32, #tpu.memory_space<hbm>>
      %dma_start3A_130 = arith.constant 0 : i32
      %dma_start3A_131 = tpu.memref_slice %arg5[%arg0, %add3A_124, %dma_start3A_130] : memref<2x10240x128xf32, #tpu.memory_space<hbm>> -> memref<1x32x128xf32, #tpu.memory_space<hbm>>
      %dma_start3A_132 = tpu.memref_squeeze %dma_start3A_131 : memref<1x32x128xf32, #tpu.memory_space<hbm>> -> memref<32x128xf32, #tpu.memory_space<hbm>>
      tpu.enqueue_dma source(%arg13 : memref<32x128xf32, #tpu.memory_space<vmem>>) target(%dma_start3A_132 : memref<32x128xf32, #tpu.memory_space<hbm>>) target_semaphore(%run_scoped3A : memref<!tpu.dma_semaphore, #tpu.memory_space<semaphore_mem>>)
      %dma_wait3A_133 = arith.constant 0 : i32
      %dma_wait3A_134 = tpu.memref_slice %arg5[%arg0, %add3A_124, %dma_wait3A_133] : memref<2x10240x128xf32, #tpu.memory_space<hbm>> -> memref<1x32x128xf32, #tpu.memory_space<hbm>>
      %dma_wait3A_135 = tpu.memref_squeeze %dma_wait3A_134 : memref<1x32x128xf32, #tpu.memory_space<hbm>> -> memref<32x128xf32, #tpu.memory_space<hbm>>
      %dma_wait3A_136 = arith.constant 0 : i32
      %dma_wait3A_137 = tpu.memref_slice %arg5[%arg0, %add3A_124, %dma_wait3A_136] : memref<2x10240x128xf32, #tpu.memory_space<hbm>> -> memref<1x32x128xf32, #tpu.memory_space<hbm>>
      %dma_wait3A_138 = tpu.memref_squeeze %dma_wait3A_137 : memref<1x32x128xf32, #tpu.memory_space<hbm>> -> memref<32x128xf32, #tpu.memory_space<hbm>>
      tpu.wait_dma2 semaphore(%run_scoped3A : memref<!tpu.dma_semaphore, #tpu.memory_space<semaphore_mem>>) src(%arg13 : memref<32x128xf32, #tpu.memory_space<vmem>>) dst(%dma_wait3A_138 : memref<32x128xf32, #tpu.memory_space<hbm>>)
      tpu.yield
    }) : () -> ()
    %add3A_125 = arith.constant 608 : i32
    %add3A_126 = arith.addi %mul3A_10, %add3A_125 : i32
    "tpu.region"() ({
      %run_scoped3A = tpu.sem_alloc : memref<!tpu.dma_semaphore, #tpu.memory_space<semaphore_mem>>
      %dma_start3A_127 = arith.constant 0 : i32
      %dma_start3A_128 = tpu.memref_slice %arg14[%add3A_126, %dma_start3A_127] : memref<10240x128xf32, #tpu.memory_space<vmem_shared>> -> memref<32x128xf32, #tpu.memory_space<vmem_shared>>
      %dma_start3A_129 = arith.constant 0 : i32
      %dma_start3A_130 = tpu.memref_slice %arg14[%add3A_126, %dma_start3A_129] : memref<10240x128xf32, #tpu.memory_space<vmem_shared>> -> memref<32x128xf32, #tpu.memory_space<vmem_shared>>
      tpu.enqueue_dma source(%dma_start3A_130 : memref<32x128xf32, #tpu.memory_space<vmem_shared>>) target(%arg13 : memref<32x128xf32, #tpu.memory_space<vmem>>) target_semaphore(%run_scoped3A : memref<!tpu.dma_semaphore, #tpu.memory_space<semaphore_mem>>)
      %dma_wait3A_131 = arith.constant 0 : i32
      %dma_wait3A_132 = tpu.memref_slice %arg14[%add3A_126, %dma_wait3A_131] : memref<10240x128xf32, #tpu.memory_space<vmem_shared>> -> memref<32x128xf32, #tpu.memory_space<vmem_shared>>
      %dma_wait3A_133 = arith.constant 0 : i32
      %dma_wait3A_134 = tpu.memref_slice %arg14[%add3A_126, %dma_wait3A_133] : memref<10240x128xf32, #tpu.memory_space<vmem_shared>> -> memref<32x128xf32, #tpu.memory_space<vmem_shared>>
      tpu.wait_dma2 semaphore(%run_scoped3A : memref<!tpu.dma_semaphore, #tpu.memory_space<semaphore_mem>>) src(%dma_wait3A_134 : memref<32x128xf32, #tpu.memory_space<vmem_shared>>) dst(%arg13 : memref<32x128xf32, #tpu.memory_space<vmem>>)
      tpu.yield
    }) : () -> ()
    "tpu.region"() ({
      %run_scoped3A = tpu.sem_alloc : memref<!tpu.dma_semaphore, #tpu.memory_space<semaphore_mem>>
      %dma_start3A_127 = arith.constant 0 : i32
      %dma_start3A_128 = tpu.memref_slice %arg5[%arg0, %add3A_126, %dma_start3A_127] : memref<2x10240x128xf32, #tpu.memory_space<hbm>> -> memref<1x32x128xf32, #tpu.memory_space<hbm>>
      %dma_start3A_129 = tpu.memref_squeeze %dma_start3A_128 : memref<1x32x128xf32, #tpu.memory_space<hbm>> -> memref<32x128xf32, #tpu.memory_space<hbm>>
      %dma_start3A_130 = arith.constant 0 : i32
      %dma_start3A_131 = tpu.memref_slice %arg5[%arg0, %add3A_126, %dma_start3A_130] : memref<2x10240x128xf32, #tpu.memory_space<hbm>> -> memref<1x32x128xf32, #tpu.memory_space<hbm>>
      %dma_start3A_132 = tpu.memref_squeeze %dma_start3A_131 : memref<1x32x128xf32, #tpu.memory_space<hbm>> -> memref<32x128xf32, #tpu.memory_space<hbm>>
      tpu.enqueue_dma source(%arg13 : memref<32x128xf32, #tpu.memory_space<vmem>>) target(%dma_start3A_132 : memref<32x128xf32, #tpu.memory_space<hbm>>) target_semaphore(%run_scoped3A : memref<!tpu.dma_semaphore, #tpu.memory_space<semaphore_mem>>)
      %dma_wait3A_133 = arith.constant 0 : i32
      %dma_wait3A_134 = tpu.memref_slice %arg5[%arg0, %add3A_126, %dma_wait3A_133] : memref<2x10240x128xf32, #tpu.memory_space<hbm>> -> memref<1x32x128xf32, #tpu.memory_space<hbm>>
      %dma_wait3A_135 = tpu.memref_squeeze %dma_wait3A_134 : memref<1x32x128xf32, #tpu.memory_space<hbm>> -> memref<32x128xf32, #tpu.memory_space<hbm>>
      %dma_wait3A_136 = arith.constant 0 : i32
      %dma_wait3A_137 = tpu.memref_slice %arg5[%arg0, %add3A_126, %dma_wait3A_136] : memref<2x10240x128xf32, #tpu.memory_space<hbm>> -> memref<1x32x128xf32, #tpu.memory_space<hbm>>
      %dma_wait3A_138 = tpu.memref_squeeze %dma_wait3A_137 : memref<1x32x128xf32, #tpu.memory_space<hbm>> -> memref<32x128xf32, #tpu.memory_space<hbm>>
      tpu.wait_dma2 semaphore(%run_scoped3A : memref<!tpu.dma_semaphore, #tpu.memory_space<semaphore_mem>>) src(%arg13 : memref<32x128xf32, #tpu.memory_space<vmem>>) dst(%dma_wait3A_138 : memref<32x128xf32, #tpu.memory_space<hbm>>)
      tpu.yield
    }) : () -> ()
    return
  }
}

module attributes {stable_mosaic.version = 14 : i64} {
  func.func @gcn_matmul_scale_tc(%arg0: i32, %arg1: i32, %arg2: memref<512x256xf32, #tpu.memory_space<vmem>>, %arg3: memref<256x128xf32, #tpu.memory_space<vmem>>, %arg4: memref<32x512xf32, #tpu.memory_space<vmem>>, %arg5: memref<1x512x128xf32, #tpu.memory_space<vmem>>, %arg6: memref<512x1xf32, #tpu.memory_space<vmem>>) attributes {dimension_semantics = [#tpu.dimension_semantics<arbitrary>, #tpu.dimension_semantics<arbitrary>], iteration_bounds = array<i64: 20, 2>, scalar_prefetch = 0 : i64, scratch_operands = 0 : i64, tpu.core_type = #tpu.core_type<tc>, window_params = [{transform_indices = @transform_0, window_bounds = array<i64: 512, 256>}, {transform_indices = @transform_1, window_bounds = array<i64: 256, 128>}, {transform_indices = @transform_2, window_bounds = array<i64: 32, 512>}, {transform_indices = @transform_3, window_bounds = array<i64: 1, 512, 128>}, {transform_indices = @transform_4, window_bounds = array<i64: 512, 1>}]} {
    %get3A = arith.constant 0 : index
    %get3A_0 = arith.constant 0 : index
    %get3A_1 = vector.load %arg4[%get3A, %get3A_0] : memref<32x512xf32, #tpu.memory_space<vmem>>, vector<32x512xf32>
    %reduce_sum3A = arith.constant dense<0.000000e+00> : vector<512xf32>
    %reduce_sum3A_2 = vector.multi_reduction <add>, %get3A_1, %reduce_sum3A [0] : vector<32x512xf32> to vector<512xf32>
    %gt3A = arith.constant 0.000000e+00 : f32
    %gt3A_3 = vector.broadcast %gt3A : f32 to vector<512xf32>
    %gt3A_4 = arith.cmpf ogt, %reduce_sum3A_2, %gt3A_3 : vector<512xf32>
    %max3A = arith.constant 9.99999996E-13 : f32
    %max3A_5 = vector.broadcast %max3A : f32 to vector<512xf32>
    %max3A_6 = arith.maximumf %reduce_sum3A_2, %max3A_5 : vector<512xf32>
    %rsqrt3A = math.rsqrt %max3A_6 : vector<512xf32>
    %jit3A = arith.constant 0.000000e+00 : f32
    %broadcast_in_dim3A = vector.broadcast %jit3A : f32 to vector<512xf32>
    %select_n3A = arith.select %gt3A_4, %rsqrt3A, %broadcast_in_dim3A : vector<512xi1>, vector<512xf32>
    %get3A_7 = arith.constant 0 : index
    %get3A_8 = arith.constant 0 : index
    %get3A_9 = vector.load %arg2[%get3A_7, %get3A_8] : memref<512x256xf32, #tpu.memory_space<vmem>>, vector<512x256xf32>
    %get3A_10 = arith.constant 0 : index
    %get3A_11 = arith.constant 0 : index
    %get3A_12 = vector.load %arg3[%get3A_10, %get3A_11] : memref<256x128xf32, #tpu.memory_space<vmem>>, vector<256x128xf32>
    %dot_general3A = arith.constant dense<0.000000e+00> : vector<512x128xf32>
    %dot_general3A_13 = tpu.matmul %get3A_9, %get3A_12, %dot_general3A {dimension_numbers = #tpu.dot_dimension_numbers<[1], [0], [0], [1], [0, 0, 1, 1], [], []>, transpose_lhs_hint = false} : vector<512x256xf32>, vector<256x128xf32>, vector<512x128xf32> -> vector<512x128xf32>
    %broadcast_in_dim3A_14 = vector.shape_cast %select_n3A : vector<512xf32> to vector<512x1xf32>
    %gt3A_15 = arith.constant 0.000000e+00 : f32
    %gt3A_16 = vector.broadcast %gt3A_15 : f32 to vector<512x1xf32>
    %gt3A_17 = arith.cmpf ogt, %broadcast_in_dim3A_14, %gt3A_16 : vector<512x1xf32>
    %broadcast_in_dim3A_18 = vector.shape_cast %select_n3A : vector<512xf32> to vector<512x1xf32>
    %mul3A = vector.broadcast %broadcast_in_dim3A_18 : vector<512x1xf32> to vector<512x128xf32>
    %mul3A_19 = arith.mulf %dot_general3A_13, %mul3A : vector<512x128xf32>
    %jit3A_20 = arith.constant 0.000000e+00 : f32
    %broadcast_in_dim3A_21 = vector.shape_cast %gt3A_17 : vector<512x1xi1> to vector<512x1xi1>
    %broadcast_in_dim3A_22 = vector.broadcast %broadcast_in_dim3A_21 : vector<512x1xi1> to vector<512x128xi1>
    %broadcast_in_dim3A_23 = vector.broadcast %jit3A_20 : f32 to vector<512x128xf32>
    %select_n3A_24 = arith.select %broadcast_in_dim3A_22, %mul3A_19, %broadcast_in_dim3A_23 : vector<512x128xi1>, vector<512x128xf32>
    %swap3A = arith.constant 0 : index
    %swap3A_25 = arith.constant 0 : index
    %swap3A_26 = arith.constant 0 : index
    %swap3A_27 = vector.load %arg5[%swap3A, %swap3A_25, %swap3A_26] : memref<1x512x128xf32, #tpu.memory_space<vmem>>, vector<1x512x128xf32>
    %swap3A_28 = vector.shape_cast %swap3A_27 : vector<1x512x128xf32> to vector<512x128xf32>
    %swap3A_29 = vector.shape_cast %select_n3A_24 : vector<512x128xf32> to vector<1x512x128xf32>
    tpu.vector_store %arg5[%swap3A, %swap3A_25, %swap3A_26], %swap3A_29 {strides = array<i32>} : memref<1x512x128xf32, #tpu.memory_space<vmem>>, vector<1x512x128xf32>,
    %broadcast_in_dim3A_30 = vector.shape_cast %select_n3A : vector<512xf32> to vector<512x1xf32>
    %swap3A_31 = arith.constant 0 : index
    %swap3A_32 = arith.constant 0 : index
    %swap3A_33 = vector.load %arg6[%swap3A_31, %swap3A_32] : memref<512x1xf32, #tpu.memory_space<vmem>>, vector<512x1xf32>
    tpu.vector_store %arg6[%swap3A_31, %swap3A_32], %broadcast_in_dim3A_30 {strides = array<i32>} : memref<512x1xf32, #tpu.memory_space<vmem>>, vector<512x1xf32>,
    return
  }
  func.func @transform_0(%arg0: i32, %arg1: i32) -> (i32, i32) {
    %c0_i32 = arith.constant 0 : i32
    %c0_i32_0 = arith.constant 0 : i32
    return %arg0, %c0_i32 : i32, i32
  }
  func.func @transform_1(%arg0: i32, %arg1: i32) -> (i32, i32) {
    %c0_i32 = arith.constant 0 : i32
    %c0_i32_0 = arith.constant 0 : i32
    return %c0_i32, %arg1 : i32, i32
  }
  func.func @transform_2(%arg0: i32, %arg1: i32) -> (i32, i32) {
    %c0_i32 = arith.constant 0 : i32
    %c0_i32_0 = arith.constant 0 : i32
    return %c0_i32, %arg0 : i32, i32
  }
  func.func @transform_3(%arg0: i32, %arg1: i32) -> (i32, i32, i32) {
    %c0_i32 = arith.constant 0 : i32
    %c0_i32_0 = arith.constant 0 : i32
    return %arg1, %arg0, %c0_i32 : i32, i32, i32
  }
  func.func @transform_4(%arg0: i32, %arg1: i32) -> (i32, i32) {
    %c0_i32 = arith.constant 0 : i32
    %c0_i32_0 = arith.constant 0 : i32
    return %arg0, %c0_i32 : i32, i32
  }
}

module attributes {stable_mosaic.version = 14 : i64} {
  func.func @gcn_out_scale_tc(%arg0: i32, %arg1: i32, %arg2: memref<1x400x128xf32, #tpu.memory_space<vmem>>, %arg3: memref<400x1xf32, #tpu.memory_space<vmem>>, %arg4: memref<128xf32, #tpu.memory_space<vmem>>, %arg5: memref<400x128xf32, #tpu.memory_space<vmem>>) attributes {dimension_semantics = [#tpu.dimension_semantics<arbitrary>, #tpu.dimension_semantics<arbitrary>], iteration_bounds = array<i64: 25, 2>, scalar_prefetch = 0 : i64, scratch_operands = 0 : i64, tpu.core_type = #tpu.core_type<tc>, window_params = [{transform_indices = @transform_0, window_bounds = array<i64: 1, 400, 128>}, {transform_indices = @transform_1, window_bounds = array<i64: 400, 1>}, {transform_indices = @transform_2, window_bounds = array<i64: 128>}, {transform_indices = @transform_3, window_bounds = array<i64: 400, 128>}]} {
    %get3A = arith.constant 0 : index
    %get3A_0 = arith.constant 0 : index
    %get3A_1 = arith.constant 0 : index
    %get3A_2 = vector.load %arg2[%get3A, %get3A_0, %get3A_1] : memref<1x400x128xf32, #tpu.memory_space<vmem>>, vector<1x400x128xf32>
    %get3A_3 = vector.shape_cast %get3A_2 : vector<1x400x128xf32> to vector<400x128xf32>
    %get3A_4 = arith.constant 0 : index
    %get3A_5 = arith.constant 0 : index
    %get3A_6 = vector.load %arg3[%get3A_4, %get3A_5] : memref<400x1xf32, #tpu.memory_space<vmem>>, vector<400x1xf32>
    %mul3A = vector.broadcast %get3A_6 : vector<400x1xf32> to vector<400x128xf32>
    %mul3A_7 = arith.mulf %get3A_3, %mul3A : vector<400x128xf32>
    %get3A_8 = arith.constant 0 : index
    %get3A_9 = vector.load %arg4[%get3A_8] : memref<128xf32, #tpu.memory_space<vmem>>, vector<128xf32>
    %broadcast_in_dim3A = vector.shape_cast %get3A_9 : vector<128xf32> to vector<1x128xf32>
    %add3A = vector.broadcast %broadcast_in_dim3A : vector<1x128xf32> to vector<400x128xf32>
    %add3A_10 = arith.addf %mul3A_7, %add3A : vector<400x128xf32>
    %swap3A = arith.constant 0 : index
    %swap3A_11 = arith.constant 0 : index
    %swap3A_12 = vector.load %arg5[%swap3A, %swap3A_11] : memref<400x128xf32, #tpu.memory_space<vmem>>, vector<400x128xf32>
    tpu.vector_store %arg5[%swap3A, %swap3A_11], %add3A_10 {strides = array<i32>} : memref<400x128xf32, #tpu.memory_space<vmem>>, vector<400x128xf32>,
    return
  }
  func.func @transform_0(%arg0: i32, %arg1: i32) -> (i32, i32, i32) {
    %c0_i32 = arith.constant 0 : i32
    %c0_i32_0 = arith.constant 0 : i32
    return %arg1, %arg0, %c0_i32 : i32, i32, i32
  }
  func.func @transform_1(%arg0: i32, %arg1: i32) -> (i32, i32) {
    %c0_i32 = arith.constant 0 : i32
    %c0_i32_0 = arith.constant 0 : i32
    return %arg0, %c0_i32 : i32, i32
  }
  func.func @transform_2(%arg0: i32, %arg1: i32) -> i32 {
    %c0_i32 = arith.constant 0 : i32
    return %arg1 : i32
  }
  func.func @transform_3(%arg0: i32, %arg1: i32) -> (i32, i32) {
    %c0_i32 = arith.constant 0 : i32
    return %arg0, %arg1 : i32, i32
  }
}

</mosaic_0001>

<sc_bundles>
// kernel: gcn_degree_sc.3.cloned.1.call-start
scs
__scs_entry_jumppad:
0x0: {  	(pc) =	sbr.rel $0x88, $3  }
0x1: {  	(tag) =	ssettag $0x0;
	lr =	simm.s32 $0x1  }
0x2: {  	[smem:$0x3F9D] =	sst lr;
	_ =	strace $0xD0000000  }
0x3: {  	_ = 	snop  }
0x4: {  	_ = 	snop  }
0x5: {  	_ = 	snop  }
0x6: {  	_ = 	snop  }
0x7: {  	_ = 	snop  }
__scs_overlays_trampoline_lowered:
0x8: {  	[smem:$0x3FAC] =	sst s0  }
0x9: {  	[smem:$0x3FAD] =	sst s1  }
0xa: {  	[smem:$0x3FAE] =	sst s2  }
0xb: {  	[smem:$0x3FAF] =	sst s3  }
0xc: {  	[smem:$0x3FB0] =	sst s4  }
0xd: {  	[smem:$0x3FB1] =	sst s5  }
0xe: {  	[smem:$0x3FB2] =	sst s6  }
0xf: {  	[smem:$0x3FB3] =	sst s7  }
0x10: {  	[smem:$0x3FB4] =	sst s8  }
0x11: {  	[smem:$0x3FB5] =	sst s9;
	s0 =	simm.s32 @!p0 $0x0  }
0x12: {  	s1 =	sld [smem:$0x3F9B];
	s0 =	simm.s32 @p0 $0x1  }
0x13: {  	[smem:$0x3FB6] =	sst s0;
	s0 =	simm.s32 @!p1 $0x0  }
0x14: {  	s2 =	sld [smem:$0x3F9A];
	s0 =	simm.s32 @p1 $0x1  }
0x15: {  	[smem:$0x3FB7] =	sst s0;
	s0 =	simm.s32 @!p2 $0x0  }
0x16: {  	s3 =	sld [smem:$0x3FDB];
	s0 =	simm.s32 @p2 $0x1  }
0x17: {  	s4 =	simm.s32 $0x1BF5;
	[smem:$0x3FB9] =	sst s0  }
0x18: {  	s0 =	sld [smem:$0x3F9C];
	_ =	swait.ge [sflag:s4], $0x0  }
0x19: {  	s7 =	sld [smem:$0x3F9D]  }
0x1a: {  	s8 =	sadd.s32 $0xFFFFE003, lr  }
0x1b: {  	s9 =	sadd.s32 $0xFFFFFEF7, lr;
	s5 =	simm.s32 $0xFFFFFFFF;
	p2 =	slt.u32 s8, $0xFFFFF086  }
0x1c: {  	p1 =	slt.u32 s9, $0xF7A;
	s5 =	simm.s32 @!p2 $0x0  }
0x1d: {  	s5 =	simm.s32 @p1 $0x1;
	p0 =	seq.s32 s7, s2  }
0x1e: {  	s7 =	smul.u32 @!p0 $0xF7A, s2;
	p2 =	seq.s32 @!p0 s5, $0x0  }
0x1f: {  	s9 =	smul.u32 $0xF7A, s1;
	s8 =	simm.s32 @!p0 $0x1BF5;
	p2 =	por !p2, p0  }
0x20: {  	[sflag:s8] =	ssyncset.s32 @!p0 $0xFFFFF086;
	s6 =	sadd.s32 @!p0 s3, s7;
	s7 =	simm.s32 @!p0 $0x108  }
0x21: {  	s3 =	sadd.s32 s3, s9;
	s6 =	sadd.s32 @!p0 $0x88, s6;
	s7 =	simm.s32 @p2 $0x1082  }
0x22: {  	[simem:s7], [sflag:s8] =	dma.local @!p0 [hbm:s6], $0xF7A  }
0x23: {  	s9 =	sor.u32 $0xD0000000, s2;
	s6 =	simm.s32 $0x108;
	_ =	swait.ge @!p0 [sflag:s8], $0x0  }
0x24: {  	s3 =	sadd.s32 $0x88, s3;
	s6 =	simm.s32 @!p1 $0x1082;
	[sflag:s4] =	ssyncset.s32 $0xFFFFF086  }
0x25: {  	[simem:s6], [sflag:s4] =	dma.local [hbm:s3], $0xF7A  }
0x26: {  	[smem:$0x3F9D] =	sst s1;
	(tag) =	ssettag s2;
	_ =	strace s9  }
0x27: {  	s1 =	sld [smem:$0x3FAD]  }
0x28: {  	s2 =	sld [smem:$0x3FAE]  }
0x29: {  	s4 =	sld [smem:$0x3FB0]  }
0x2a: {  	p0 =	seq.s32 s5, $0x0;
	s5 =	sld [smem:$0x3FB1]  }
0x2b: {  	s6 =	sld [smem:$0x3FB2]  }
0x2c: {  	s7 =	sld [smem:$0x3FB3]  }
0x2d: {  	s3 =	simm.s32 $0x108;
	s8 =	sld [smem:$0x3FB4]  }
0x2e: {  	s3 =	simm.s32 @!p0 $0x1082;
	s9 =	sld [smem:$0x3FB5]  }
0x2f: {  	lr =	sadd.s32 s0, s3;
	s0 =	sld [smem:$0x3FAC]  }
0x30: {  	s3 =	sld [smem:$0x3FAF]  }
0x31: {  	[smem:$0x3FB8] =	sst s10  }
0x32: {  	s10 =	sld [smem:$0x3FB6];
	_ =	sdelay $0x3  }
0x33: {  	p0 =	seq.s32 s10, $0x1;
	s10 =	sld [smem:$0x3FB8];
	_ =	sdelay $0x3  }
0x34: {  	[smem:$0x3FB8] =	sst s10  }
0x35: {  	s10 =	sld [smem:$0x3FB7];
	_ =	sdelay $0x3  }
0x36: {  	p1 =	seq.s32 s10, $0x1;
	s10 =	sld [smem:$0x3FB8];
	_ =	sdelay $0x3  }
0x37: {  	[smem:$0x3FB8] =	sst s10  }
0x38: {  	s10 =	sld [smem:$0x3FB9]  }
0x39: {  	_ = 	snop;
	(pc) =	sbr.ind lr, $3  }
0x3a: {  	_ = 	snop  }
0x3b: {  	_ = 	snop  }
0x3c: {  	p2 =	seq.s32 s10, $0x1;
	s10 =	sld [smem:$0x3FB8]  }
0x3d: {  	_ =	shalt  }
0x3e: {  	_ =	shalt  }
0x3f: {  	_ =	shalt  }
0x40: {  	_ =	shalt  }
0x41: {  	_ =	shalt  }
0x42: {  	_ =	shalt  }
0x43: {  	_ =	shalt  }
0x44: {  	_ =	shalt  }
0x45: {  	_ =	shalt  }
0x46: {  	_ =	shalt  }
0x47: {  	_ =	shalt  }
0x48: {  	_ =	shalt  }
0x49: {  	_ =	shalt  }
0x4a: {  	_ =	shalt  }
0x4b: {  	_ =	shalt  }
0x4c: {  	_ =	shalt  }
0x4d: {  	_ =	shalt  }
0x4e: {  	_ =	shalt  }
0x4f: {  	_ =	shalt  }
0x50: {  	_ =	shalt  }
0x51: {  	_ =	shalt  }
0x52: {  	_ =	shalt  }
0x53: {  	_ =	shalt  }
0x54: {  	_ =	shalt  }
0x55: {  	_ =	shalt  }
0x56: {  	_ =	shalt  }
0x57: {  	_ =	shalt  }
0x58: {  	_ =	shalt  }
0x59: {  	_ =	shalt  }
0x5a: {  	_ =	shalt  }
0x5b: {  	_ =	shalt  }
0x5c: {  	_ =	shalt  }
0x5d: {  	_ =	shalt  }
0x5e: {  	_ =	shalt  }
0x5f: {  	_ =	shalt  }
0x60: {  	_ =	shalt  }
0x61: {  	_ =	shalt  }
0x62: {  	_ =	shalt  }
0x63: {  	_ =	shalt  }
0x64: {  	_ =	shalt  }
0x65: {  	_ =	shalt  }
0x66: {  	_ =	shalt  }
0x67: {  	_ =	shalt  }
0x68: {  	_ =	shalt  }
0x69: {  	_ =	shalt  }
0x6a: {  	_ =	shalt  }
0x6b: {  	_ =	shalt  }
0x6c: {  	_ =	shalt  }
0x6d: {  	_ =	shalt  }
0x6e: {  	_ =	shalt  }
0x6f: {  	_ =	shalt  }
0x70: {  	_ =	shalt  }
0x71: {  	_ =	shalt  }
0x72: {  	_ =	shalt  }
0x73: {  	_ =	shalt  }
0x74: {  	_ =	shalt  }
0x75: {  	_ =	shalt  }
0x76: {  	_ =	shalt  }
0x77: {  	_ =	shalt  }
0x78: {  	_ =	shalt  }
0x79: {  	_ =	shalt  }
0x7a: {  	_ =	shalt  }
0x7b: {  	_ =	shalt  }
0x7c: {  	_ =	shalt  }
0x7d: {  	_ =	shalt  }
0x7e: {  	_ =	shalt  }
0x7f: {  	_ =	shalt  }
0x80: {  	_ =	shalt  }
0x81: {  	_ =	shalt  }
0x82: {  	_ =	shalt  }
0x83: {  	_ =	shalt  }
0x84: {  	_ =	shalt  }
0x85: {  	_ =	shalt  }
0x86: {  	_ =	shalt  }
0x87: {  	_ =	shalt  }
.Lfunc_end0:
.L_simem_size_0:
called_computation_lowered:
.L_overlay_start_0:
0x88: {  	s2 =	sld [smem:$0x3FD9]  }
0x89: {  	s3 =	sld [smem:$0x3FFE];
	_ =	sdelay $0x1  }
0x8a: {  	s1 =	srdreg.scid  }
0x8b: {  	s0 =	sand.u32 $0x1, s1  }
0x8c: {  	s17 =	sshll.u32 s0, $0xA;
	s2 =	sadd.s32 s3, s2  }
0x8d: {  	s2 =	sadd.s32 s2, s17  }
0x8e: {  	[smem:$0x3FC4] =	sst s2  }
0x8f: {  	_ = 	snop  }
0x90: {  	s2 =	sld [smem:$0x3FD0];
	(tm) =	ssettm $0x1  }
0x91: {  	s18 =	sld [smem:$0x3FFB];
	_ =	sdelay $0x3  }
0x92: {  	_ =	strace s18  }
0x93: {  	s3 =	sld [smem:$0x3FFC];
	_ =	sdelay $0x3  }
0x94: {  	_ =	strace s3  }
0x95: {  	s3 =	sld [smem:$0x3FFD];
	_ =	sdelay $0x3  }
0x96: {  	_ =	strace s3  }
0x97: {  	_ =	strace $0x8FFFFFFF  }
0x98: {  	s19 =	sld [smem:$0x3FDB];
	_ =	sdelay $0x1  }
0x99: {  	s4 =	simm.s32 $_scs_section_size  }
0x9a: {  	s5 =	simm.s32 $_size__tile_overlayer_lowered;
	s6 =	simm.s32 $_tile_overlayer_lowered  }
0x9b: {  	s22 =	simm.s32 $0x1BFF;
	s21 =	sshll.u32 s6, $0x1;
	s3 =	sadd.s32 s4, s19  }
0x9c: {  	s7 =	simm.s32 $0x0;
	s20 =	sshll.u32 s5, $0x1;
	s5 =	sadd.s32 s21, s3  }
0x9d: {  	[timem:s7], [sflag:s22] =	dma.local [hbm:s5], s20  }
0x9e: {  	_ =	swait.ge [sflag:s22], s20  }
0x9f: {  	s4 =	ssub.s32 $0x0, s20;
	[sflag:s22] =	ssyncset.done $0x0  }
0xa0: {  	[sflag:s22] =	ssyncadd.s32 s4;
	_ =	sdelay $0x1  }
0xa1: {  	s23 =	simm.s32 $0x1B8B  }
0xa2: {  	_ =	swait.ge [sflag:s23], $0x1  }
0xa3: {  	[sflag:s23] =	ssyncset.done $0x0  }
0xa4: {  	s25 =	simm.s32 $0x1B8E;
	s24 =	sld [smem:$0x3FFE];
	[sflag:s23] =	ssyncadd.s32 $0xFFFFFFFF  }
0xa5: {  	s26 =	simm.s32 $execute0_lowered;
	[smem:$0x3FD2] =	sst s25  }
0xa6: {  	s5 =	sshll.u32 s26, $0x1;
	_ =	strace $0x80000046;
	[dreg:$0x1] =	wrdreg $0xFFFFFFFF  }
0xa7: {  	s28 =	simm.s32 $_size_execute0_lowered;
	s3 =	sadd.s32 s3, s5;
	[dreg:$0x0] =	wrdreg $0x0  }
0xa8: {  	s5 =	sshll.u32 s28, $0x1;
	[dreg:$0x2] =	wrdreg s3  }
0xa9: {  	[dreg:$0x3] =	wrdreg s5  }
0xaa: {  	[dreg:$0x4] =	wrdreg $0xC0  }
0xab: {  	_ =	task [dreg:s7], $0x5FFFF  }
0xac: {  	[dreg:$0x1] =	wrdreg $0xFFFFFFFF  }
0xad: {  	[dreg:$0x0] =	wrdreg $0x60  }
0xae: {  	[dreg:$0x2] =	wrdreg s24  }
0xaf: {  	[dreg:$0x3] =	wrdreg s2  }
0xb0: {  	[dreg:$0x4] =	wrdreg $0x9  }
0xb1: {  	_ =	task.clear_ibuf [dreg:s7], $0x5FFFF;
	_ =	strace $0x90000046  }
0xb2: {  	s29 =	simm.s32 $0x9;
	_ =	strace $0x80000048  }
0xb3: {  	_ =	swait.ge [sflag:s29], $0x1  }
0xb4: {  	[sflag:s29] =	ssyncadd.s32 $0xFFFFFFFF  }
0xb5: {  	_ =	strace $0x90000048  }
0xb6: {  	_ =	sfence  }
0xb7: {  	s30 =	sld [smem:$0x0];
	_ =	sdelay $0x2  }
0xb8: {  	s31 =	sshll.u32 s1, $0xD;
	s1 =	sshrl.u32 s1, $0x2  }
0xb9: {  	s3 =	sand.u32 $0x4000, s31;
	s1 =	sadd.s32 s1, s30  }
0xba: {  	s0 =	sor.u32 s3, s0;
	s1 =	sshll.u32 s1, $0x11  }
0xbb: {  	s0 =	sor.u32 s1, s0  }
0xbc: {  	s0 =	sadd.s32 $0x8F2B, s0  }
0xbd: {  	[sflag:s0] =	ssyncadd.remote.s32 $0x1  }
0xbe: {  	_ =	sfence.sel $0xFFFF  }
0xbf: {  	[dreg:$0x0] =	wrdreg $0xFFFFFFFF;
	(pc) =	sbr.abs _section_cstart, $3  }
0xc0: {  	[dreg:$0x1] =	wrdreg $0xFFFFFFFF  }
0xc1: {  	_ =	task.clear_ibuf [dreg:s7], $0x2FFFF;
	_ =	strace $0x9FFFFFFF  }
0xc2: {  	(tm) =	ssettm $0x7FFFFFFF  }
0xc3: {  	_ =	shalt  }
tec
execute0_lowered:
.L_overlay_start_1:
0x0: {  	(tag) =	ssettag $0x1  }
0x1: {  	s3 =	rddreg [dreg:$0x0];
	s1 =	srdreg.scid  }
0x2: {  	s0 =	stileid.u32;
	s4 =	rddreg [dreg:$0x1];
	s9 =	simm.s32 $0x400  }
0x3: {  	s5 =	sand.u32 $0x1, s1;
	s2 =	sshll.u32 s0, $0x1;
	s8 =	sshrl.u32 s0, $0x2  }
0x4: {  	s1 =	rddreg [dreg:$0x2];
	s6 =	sor.u32 s5, s2;
	s8 =	smul.u32 $0x14000, s8  }
0x5: {  	s2 =	simm.s32 $0x0;
	s5 =	ssub.s32 $0x2, s5;
	s7 =	smul.u32 $0x271, s6  }
0x6: {  	[smem:$0x7FF] =	sst s2;
	s6 =	sshll.u32 s6, $0x7;
	s31 =	sshrl.u32 s5, $0x1  }
0x7: {  	_ =	strace $0x80000047;
	s6 =	sand.u32 $0x380, s6;
	s5 =	ssub.s32 s5, s31  }
0x8: {  	s3 =	sadd.s32 s7, s3;
	s6 =	sor.u32 s8, s6;
	s5 =	smax.u32 s5, $0x1  }
0x9: {  	s7 =	simm.s32 $0x1400;
	s8 =	simm.s32 $0x80;
	s6 =	sshrl.u32 s6, $0x3  }
0xa: {  	v0 =	vimm.f32 $0.0e+00;
	v1 =	vimm.f32 $1.000000000e+00;
	vm0 =	vcmask $0x3F20;
	s3 =	sadd.s32 $0xC00, s3;
	s4 =	sadd.s32 s4, s6;
	s6 =	simm.s32 $0x1  }
.LBB2_1:
0xb: {  	s10 =	simm.s32 $0x40;
	s11 =	simm.s32 $0x0  }
.LBB2_2:
0xc: {  	p0 =	sne.s32 s10, $0x9FC0;
	[tilespmem:s11+$0x1400] =	vst v0;
	s11 =	smov.u32 s10;
	s10 =	sadd.s32 $0x40, s10  }
.Ltmp0:
0xd: {  	(pc) =	sbr.rel @p0 .LBB2_2-.Ltmp0, $2  }
0xe: {  	_ =	sdelay $0x2  }
0xf: {  	s11 =	sshra.s32 s11, $0x2  }
0x10: {  	[tilespmem:s11+$0x1400] =	vst v0;
	s10 =	simm.s32 $0x0  }
0x11: {  	[tilespmem:s10], [sflag:$0x1] =	stream.linear.gather [hbm4b:s3+s10], $0x1388, $0x38;
	[tilespmem:$0x3C00] =	vst v63  }
0x12: {  	_ =	swait.ge [sflag:s6], $0x1388  }
0x13: {  	[sflag:s6] =	ssyncset.done $0x0  }
0x14: {  	s11 =	simm.s32 $0x0;
	s10 =	simm.s32 $0x40;
	[sflag:s6] =	ssyncadd.s32 $0xFFFFEC78  }
.LBB2_4:
0x15: {  	p0 =	sne.s32 s10, $0x4DC0;
	v2 =	vld [tilespmem:s11+$0x0];
	_ =	sdelay $0x3  }
.Ltmp1:
0x16: {  	(pc) =	sbr.rel @p0 .LBB2_4-.Ltmp1, $2  }
0x17: {  	_ =	sdelay $0x2  }
0x18: {  	s11 =	sshra.s32 s10, $0x2;
	s10 =	sadd.s32 $0x40, s10;
	[tilespmem:v2+s7+$0x0] =	vst.idx.add.f32.msk $0xffff, v1  }
0x19: {  	v2 =	vld [tilespmem:s11+$0x0];
	_ =	sdelay $0x7  }
0x1a: {  	[tilespmem:v2+s7+$0x0] =	vst.idx.add.f32.msk $0xffff, v1  }
0x1b: {  	v2 =	vld [tilespmem:$0x1378];
	_ =	sdelay $0x5  }
0x1c: {  	s2 =	sadd.s32 $0x1, s2  }
0x1d: {  	p0 =	sne.s32 s2, s5  }
.Ltmp2:
0x1e: {  	[tilespmem:v2+s7+$0x0] =	vst.idx.add.f32.msk vm0, v1;
	(pc) =	sbr.rel @p0 .LBB2_1-.Ltmp2, $4  }
0x1f: {  	[hbm4b:s4+s8] =	stream.strided.scatter [tilespmem:s7], [sflag:$0x1], $0x2800, s9, s8, $0x38;
	[tilespmem:$0x3C00] =	vst v63  }
0x20: {  	_ =	swait.ge [sflag:s6], $0x2800  }
0x21: {  	[sflag:s6] =	ssyncset.done $0x0  }
0x22: {  	[sflag:s6] =	ssyncadd.s32 $0xFFFFD800  }
0x23: {  	_ =	sfence.sel $0x180000  }
0x24: {  	[bflag:$0x0] =	sbarrier.arrive $0xFFFF  }
0x25: {  	p0 =	sne.s32 s0, $0x0;
	_ =	strace $0x90000047  }
0x26: {  	s0 =	sadd.s32 @!p0 $0x100000, s1;
	[bflag:$0x2] =	sbarrier.arrive $0xFFFF  }
0x27: {  	[sflag:s0] =	ssyncadd.tile.s32 @!p0 $0x1;
	_ =	shalt  }
.Lfunc_end2:
_tile_overlayer_lowered:
.L_overlay_start_2:
0x28: {  	(tag) =	ssettag $0x2  }
0x29: {  	s0 =	rddreg [dreg:$0x0];
	s2 =	stileid.u32  }
0x2a: {  	s1 =	rddreg [dreg:$0x1];
	p0 =	sne.s32 s2, $0x0  }
0x2b: {  	s3 =	rddreg [dreg:$0x2];
	[bflag:$0x3] =	sbarrier.arrive $0xFFFF;
	s2 =	simm.s32 @!p0 $0x1C01  }
0x2c: {  	[timem:s3], [sflag:s2] =	dma.local @!p0 [hbm:s0], s1  }
0x2d: {  	s0 =	simm.s32 @!p0 $0x1  }
0x2e: {  	_ =	swait.ge @!p0 [sflag:s0], s1  }
0x2f: {  	s1 =	ssub.s32 @!p0 $0x0, s1;
	[sflag:s0] =	ssyncset.done @!p0 $0x0  }
0x30: {  	[sflag:s0] =	ssyncadd.s32 @!p0 s1  }
0x31: {  	[bflag:$0x3] =	sbarrier.arrive $0xFFFF  }
0x32: {  	_ =	shalt  }

// kernel: gcn_edge_scatter_sc.3.cloned.1.call-start
scs
__scs_entry_jumppad:
0x0: {  	(pc) =	sbr.rel $0x88, $3  }
0x1: {  	(tag) =	ssettag $0x0;
	lr =	simm.s32 $0x1  }
0x2: {  	[smem:$0x3F9D] =	sst lr;
	_ =	strace $0xD0000000  }
0x3: {  	_ = 	snop  }
0x4: {  	_ = 	snop  }
0x5: {  	_ = 	snop  }
0x6: {  	_ = 	snop  }
0x7: {  	_ = 	snop  }
__scs_overlays_trampoline_lowered:
0x8: {  	[smem:$0x3FAC] =	sst s0  }
0x9: {  	[smem:$0x3FAD] =	sst s1  }
0xa: {  	[smem:$0x3FAE] =	sst s2  }
0xb: {  	[smem:$0x3FAF] =	sst s3  }
0xc: {  	[smem:$0x3FB0] =	sst s4  }
0xd: {  	[smem:$0x3FB1] =	sst s5  }
0xe: {  	[smem:$0x3FB2] =	sst s6  }
0xf: {  	[smem:$0x3FB3] =	sst s7  }
0x10: {  	[smem:$0x3FB4] =	sst s8  }
0x11: {  	[smem:$0x3FB5] =	sst s9;
	s0 =	simm.s32 @!p0 $0x0  }
0x12: {  	s1 =	sld [smem:$0x3F9B];
	s0 =	simm.s32 @p0 $0x1  }
0x13: {  	[smem:$0x3FB6] =	sst s0;
	s0 =	simm.s32 @!p1 $0x0  }
0x14: {  	s2 =	sld [smem:$0x3F9A];
	s0 =	simm.s32 @p1 $0x1  }
0x15: {  	[smem:$0x3FB7] =	sst s0;
	s0 =	simm.s32 @!p2 $0x0  }
0x16: {  	s3 =	sld [smem:$0x3FDB];
	s0 =	simm.s32 @p2 $0x1  }
0x17: {  	s4 =	simm.s32 $0x1BF5;
	[smem:$0x3FB9] =	sst s0  }
0x18: {  	s0 =	sld [smem:$0x3F9C];
	_ =	swait.ge [sflag:s4], $0x0  }
0x19: {  	s7 =	sld [smem:$0x3F9D]  }
0x1a: {  	s8 =	sadd.s32 $0xFFFFE003, lr  }
0x1b: {  	s9 =	sadd.s32 $0xFFFFFEF7, lr;
	s5 =	simm.s32 $0xFFFFFFFF;
	p2 =	slt.u32 s8, $0xFFFFF086  }
0x1c: {  	p1 =	slt.u32 s9, $0xF7A;
	s5 =	simm.s32 @!p2 $0x0  }
0x1d: {  	s5 =	simm.s32 @p1 $0x1;
	p0 =	seq.s32 s7, s2  }
0x1e: {  	s7 =	smul.u32 @!p0 $0xF7A, s2;
	p2 =	seq.s32 @!p0 s5, $0x0  }
0x1f: {  	s9 =	smul.u32 $0xF7A, s1;
	s8 =	simm.s32 @!p0 $0x1BF5;
	p2 =	por !p2, p0  }
0x20: {  	[sflag:s8] =	ssyncset.s32 @!p0 $0xFFFFF086;
	s6 =	sadd.s32 @!p0 s3, s7;
	s7 =	simm.s32 @!p0 $0x108  }
0x21: {  	s3 =	sadd.s32 s3, s9;
	s6 =	sadd.s32 @!p0 $0x88, s6;
	s7 =	simm.s32 @p2 $0x1082  }
0x22: {  	[simem:s7], [sflag:s8] =	dma.local @!p0 [hbm:s6], $0xF7A  }
0x23: {  	s9 =	sor.u32 $0xD0000000, s2;
	s6 =	simm.s32 $0x108;
	_ =	swait.ge @!p0 [sflag:s8], $0x0  }
0x24: {  	s3 =	sadd.s32 $0x88, s3;
	s6 =	simm.s32 @!p1 $0x1082;
	[sflag:s4] =	ssyncset.s32 $0xFFFFF086  }
0x25: {  	[simem:s6], [sflag:s4] =	dma.local [hbm:s3], $0xF7A  }
0x26: {  	[smem:$0x3F9D] =	sst s1;
	(tag) =	ssettag s2;
	_ =	strace s9  }
0x27: {  	s1 =	sld [smem:$0x3FAD]  }
0x28: {  	s2 =	sld [smem:$0x3FAE]  }
0x29: {  	s4 =	sld [smem:$0x3FB0]  }
0x2a: {  	p0 =	seq.s32 s5, $0x0;
	s5 =	sld [smem:$0x3FB1]  }
0x2b: {  	s6 =	sld [smem:$0x3FB2]  }
0x2c: {  	s7 =	sld [smem:$0x3FB3]  }
0x2d: {  	s3 =	simm.s32 $0x108;
	s8 =	sld [smem:$0x3FB4]  }
0x2e: {  	s3 =	simm.s32 @!p0 $0x1082;
	s9 =	sld [smem:$0x3FB5]  }
0x2f: {  	lr =	sadd.s32 s0, s3;
	s0 =	sld [smem:$0x3FAC]  }
0x30: {  	s3 =	sld [smem:$0x3FAF]  }
0x31: {  	[smem:$0x3FB8] =	sst s10  }
0x32: {  	s10 =	sld [smem:$0x3FB6];
	_ =	sdelay $0x3  }
0x33: {  	p0 =	seq.s32 s10, $0x1;
	s10 =	sld [smem:$0x3FB8];
	_ =	sdelay $0x3  }
0x34: {  	[smem:$0x3FB8] =	sst s10  }
0x35: {  	s10 =	sld [smem:$0x3FB7];
	_ =	sdelay $0x3  }
0x36: {  	p1 =	seq.s32 s10, $0x1;
	s10 =	sld [smem:$0x3FB8];
	_ =	sdelay $0x3  }
0x37: {  	[smem:$0x3FB8] =	sst s10  }
0x38: {  	s10 =	sld [smem:$0x3FB9]  }
0x39: {  	_ = 	snop;
	(pc) =	sbr.ind lr, $3  }
0x3a: {  	_ = 	snop  }
0x3b: {  	_ = 	snop  }
0x3c: {  	p2 =	seq.s32 s10, $0x1;
	s10 =	sld [smem:$0x3FB8]  }
0x3d: {  	_ =	shalt  }
0x3e: {  	_ =	shalt  }
0x3f: {  	_ =	shalt  }
0x40: {  	_ =	shalt  }
0x41: {  	_ =	shalt  }
0x42: {  	_ =	shalt  }
0x43: {  	_ =	shalt  }
0x44: {  	_ =	shalt  }
0x45: {  	_ =	shalt  }
0x46: {  	_ =	shalt  }
0x47: {  	_ =	shalt  }
0x48: {  	_ =	shalt  }
0x49: {  	_ =	shalt  }
0x4a: {  	_ =	shalt  }
0x4b: {  	_ =	shalt  }
0x4c: {  	_ =	shalt  }
0x4d: {  	_ =	shalt  }
0x4e: {  	_ =	shalt  }
0x4f: {  	_ =	shalt  }
0x50: {  	_ =	shalt  }
0x51: {  	_ =	shalt  }
0x52: {  	_ =	shalt  }
0x53: {  	_ =	shalt  }
0x54: {  	_ =	shalt  }
0x55: {  	_ =	shalt  }
0x56: {  	_ =	shalt  }
0x57: {  	_ =	shalt  }
0x58: {  	_ =	shalt  }
0x59: {  	_ =	shalt  }
0x5a: {  	_ =	shalt  }
0x5b: {  	_ =	shalt  }
0x5c: {  	_ =	shalt  }
0x5d: {  	_ =	shalt  }
0x5e: {  	_ =	shalt  }
0x5f: {  	_ =	shalt  }
0x60: {  	_ =	shalt  }
0x61: {  	_ =	shalt  }
0x62: {  	_ =	shalt  }
0x63: {  	_ =	shalt  }
0x64: {  	_ =	shalt  }
0x65: {  	_ =	shalt  }
0x66: {  	_ =	shalt  }
0x67: {  	_ =	shalt  }
0x68: {  	_ =	shalt  }
0x69: {  	_ =	shalt  }
0x6a: {  	_ =	shalt  }
0x6b: {  	_ =	shalt  }
0x6c: {  	_ =	shalt  }
0x6d: {  	_ =	shalt  }
0x6e: {  	_ =	shalt  }
0x6f: {  	_ =	shalt  }
0x70: {  	_ =	shalt  }
0x71: {  	_ =	shalt  }
0x72: {  	_ =	shalt  }
0x73: {  	_ =	shalt  }
0x74: {  	_ =	shalt  }
0x75: {  	_ =	shalt  }
0x76: {  	_ =	shalt  }
0x77: {  	_ =	shalt  }
0x78: {  	_ =	shalt  }
0x79: {  	_ =	shalt  }
0x7a: {  	_ =	shalt  }
0x7b: {  	_ =	shalt  }
0x7c: {  	_ =	shalt  }
0x7d: {  	_ =	shalt  }
0x7e: {  	_ =	shalt  }
0x7f: {  	_ =	shalt  }
0x80: {  	_ =	shalt  }
0x81: {  	_ =	shalt  }
0x82: {  	_ =	shalt  }
0x83: {  	_ =	shalt  }
0x84: {  	_ =	shalt  }
0x85: {  	_ =	shalt  }
0x86: {  	_ =	shalt  }
0x87: {  	_ =	shalt  }
.Lfunc_end0:
.L_simem_size_0:
called_computation.1_lowered:
.L_overlay_start_0:
0x88: {  	s2 =	sld [smem:$0x3FD9]  }
0x89: {  	s3 =	sld [smem:$0x3FFE];
	_ =	sdelay $0x1  }
0x8a: {  	s1 =	srdreg.scid  }
0x8b: {  	s0 =	sand.u32 $0x1, s1  }
0x8c: {  	s16 =	sshll.u32 s0, $0xA;
	s2 =	sadd.s32 s3, s2  }
0x8d: {  	s2 =	sadd.s32 s2, s16  }
0x8e: {  	[smem:$0x3FC4] =	sst s2  }
0x8f: {  	_ = 	snop  }
0x90: {  	(tm) =	ssettm $0x1  }
0x91: {  	s17 =	sld [smem:$0x3FFB];
	_ =	sdelay $0x3  }
0x92: {  	_ =	strace s17  }
0x93: {  	s2 =	sld [smem:$0x3FFC];
	_ =	sdelay $0x3  }
0x94: {  	_ =	strace s2  }
0x95: {  	s2 =	sld [smem:$0x3FFD];
	_ =	sdelay $0x3  }
0x96: {  	_ =	strace s2  }
0x97: {  	_ =	strace $0x8FFFFFFF  }
0x98: {  	s18 =	sld [smem:$0x3FDB];
	_ =	sdelay $0x1  }
0x99: {  	s19 =	simm.s32 $_scs_section_size  }
0x9a: {  	s4 =	simm.s32 $_size__tile_overlayer_lowered;
	s5 =	simm.s32 $_tile_overlayer_lowered  }
0x9b: {  	s22 =	simm.s32 $0x1BFF;
	s21 =	sshll.u32 s5, $0x1;
	s2 =	sadd.s32 s19, s18  }
0x9c: {  	s6 =	simm.s32 $0x0;
	s20 =	sshll.u32 s4, $0x1;
	s4 =	sadd.s32 s21, s2  }
0x9d: {  	[timem:s6], [sflag:s22] =	dma.local [hbm:s4], s20  }
0x9e: {  	_ =	swait.ge [sflag:s22], s20  }
0x9f: {  	s3 =	ssub.s32 $0x0, s20;
	[sflag:s22] =	ssyncset.done $0x0  }
0xa0: {  	[sflag:s22] =	ssyncadd.s32 s3;
	_ =	sdelay $0x1  }
0xa1: {  	s23 =	simm.s32 $0x1B8B  }
0xa2: {  	_ =	swait.ge [sflag:s23], $0x1  }
0xa3: {  	[sflag:s23] =	ssyncset.done $0x0  }
0xa4: {  	s25 =	simm.s32 $0x1B8E;
	s24 =	sld [smem:$0x3FFE];
	[sflag:s23] =	ssyncadd.s32 $0xFFFFFFFF  }
0xa5: {  	s26 =	simm.s32 $execute0_lowered;
	[smem:$0x3FD2] =	sst s25  }
0xa6: {  	s4 =	sshll.u32 s26, $0x1;
	_ =	strace $0x80000049;
	[dreg:$0x1] =	wrdreg $0xFFFFFFFF  }
0xa7: {  	s28 =	simm.s32 $_size_execute0_lowered;
	s2 =	sadd.s32 s2, s4;
	[dreg:$0x0] =	wrdreg $0x0  }
0xa8: {  	s4 =	sshll.u32 s28, $0x1;
	[dreg:$0x2] =	wrdreg s2  }
0xa9: {  	[dreg:$0x3] =	wrdreg s4  }
0xaa: {  	[dreg:$0x4] =	wrdreg $0xC0  }
0xab: {  	_ =	task [dreg:s6], $0x5FFFF  }
0xac: {  	[dreg:$0x1] =	wrdreg $0xFFFFFFFF  }
0xad: {  	[dreg:$0x0] =	wrdreg $0x60  }
0xae: {  	[dreg:$0x2] =	wrdreg s24  }
0xaf: {  	[dreg:$0x3] =	wrdreg $0xB1000  }
0xb0: {  	[dreg:$0x4] =	wrdreg $0x9  }
0xb1: {  	_ =	task.clear_ibuf [dreg:s6], $0x5FFFF;
	_ =	strace $0x90000049  }
0xb2: {  	s29 =	simm.s32 $0x9;
	_ =	strace $0x8000004B  }
0xb3: {  	_ =	swait.ge [sflag:s29], $0x1  }
0xb4: {  	[sflag:s29] =	ssyncadd.s32 $0xFFFFFFFF  }
0xb5: {  	_ =	strace $0x9000004B  }
0xb6: {  	_ =	sfence  }
0xb7: {  	s30 =	sld [smem:$0x0];
	_ =	sdelay $0x2  }
0xb8: {  	s31 =	sshll.u32 s1, $0xD;
	s1 =	sshrl.u32 s1, $0x2  }
0xb9: {  	s3 =	sand.u32 $0x4000, s31;
	s1 =	sadd.s32 s1, s30  }
0xba: {  	s0 =	sor.u32 s3, s0;
	s1 =	sshll.u32 s1, $0x11  }
0xbb: {  	s0 =	sor.u32 s1, s0  }
0xbc: {  	s0 =	sadd.s32 $0x8F2B, s0  }
0xbd: {  	[sflag:s0] =	ssyncadd.remote.s32 $0x1  }
0xbe: {  	_ =	sfence.sel $0xFFFF  }
0xbf: {  	[dreg:$0x0] =	wrdreg $0xFFFFFFFF;
	(pc) =	sbr.abs _section_cstart, $3  }
0xc0: {  	[dreg:$0x1] =	wrdreg $0xFFFFFFFF  }
0xc1: {  	_ =	task.clear_ibuf [dreg:s6], $0x2FFFF;
	_ =	strace $0x9FFFFFFF  }
0xc2: {  	(tm) =	ssettm $0x7FFFFFFF  }
0xc3: {  	_ =	shalt  }
tec
execute0_lowered:
.L_overlay_start_1:
0x0: {  	(tag) =	ssettag $0x1  }
0x1: {  	s0 =	srdreg.scid;
	s28 =	stileid.u32  }
0x2: {  	s15 =	sand.u32 $0x1, s0;
	s20 =	smul.u32 $0x14000, s28  }
0x3: {  	s1 =	rddreg [dreg:$0x0];
	s22 =	smul.u32 $0x27100, s15  }
0x4: {  	s25 =	sadd.s32 $0x5FA00, s1;
	s0 =	ssub.s32 $0x2, s15;
	s21 =	smul.u32 $0x140000, s15  }
0x5: {  	s2 =	sshrl.u32 s0, $0x1;
	s3 =	sor.u32 $0x2000, s20;
	s4 =	sor.u32 $0x3000, s20  }
0x6: {  	s5 =	sadd.s32 $0x4000, s20;
	s6 =	sadd.s32 $0x5000, s20;
	s7 =	sadd.s32 $0x6000, s20  }
0x7: {  	s8 =	sadd.s32 $0x7000, s20;
	s9 =	sadd.s32 $0x8000, s20;
	s10 =	sadd.s32 $0x9000, s20  }
0x8: {  	s11 =	sadd.s32 $0xA000, s20;
	s12 =	sadd.s32 $0xB000, s20;
	s13 =	sadd.s32 $0xC000, s20  }
0x9: {  	s14 =	sadd.s32 $0xD000, s20;
	s15 =	sadd.s32 $0xE000, s20;
	s16 =	sadd.s32 $0xF000, s20  }
0xa: {  	s17 =	sadd.s32 $0x10000, s20;
	s18 =	sadd.s32 $0x11000, s20;
	s19 =	sadd.s32 $0x12000, s20  }
0xb: {  	s0 =	ssub.s32 s0, s2;
	s2 =	sor.u32 $0x1000, s20;
	s23 =	sadd.s32 s20, s21  }
0xc: {  	s20 =	sadd.s32 $0x13000, s20;
	s23 =	sshrl.u32 s23, $0x3;
	s24 =	sadd.s32 s21, s2  }
0xd: {  	s26 =	sadd.s32 s21, s3;
	s24 =	sshrl.u32 s24, $0x3;
	s23 =	sadd.s32 s25, s23  }
0xe: {  	s26 =	sshrl.u32 s26, $0x3;
	[dreg:$0x3] =	wrdreg s23;
	s24 =	sadd.s32 s25, s24  }
0xf: {  	s23 =	sadd.s32 s25, s26;
	[dreg:$0x4] =	wrdreg s24;
	s24 =	sadd.s32 s21, s4  }
0x10: {  	s26 =	sadd.s32 s21, s5;
	[dreg:$0x5] =	wrdreg s23;
	s23 =	sshrl.u32 s24, $0x3  }
0x11: {  	s24 =	sshrl.u32 s26, $0x3;
	s26 =	sadd.s32 s21, s6;
	s23 =	sadd.s32 s25, s23  }
0x12: {  	s24 =	sadd.s32 s25, s24;
	s26 =	sshrl.u32 s26, $0x3;
	[dreg:$0x6] =	wrdreg s23  }
0x13: {  	[dreg:$0x7] =	wrdreg s24;
	s23 =	sadd.s32 s25, s26;
	s24 =	sadd.s32 s21, s7  }
0x14: {  	s26 =	sadd.s32 s21, s8;
	[dreg:$0x8] =	wrdreg s23;
	s23 =	sshrl.u32 s24, $0x3  }
0x15: {  	s24 =	sshrl.u32 s26, $0x3;
	s26 =	sadd.s32 s21, s9;
	s23 =	sadd.s32 s25, s23  }
0x16: {  	s24 =	sadd.s32 s25, s24;
	s26 =	sshrl.u32 s26, $0x3;
	[dreg:$0x9] =	wrdreg s23  }
0x17: {  	[dreg:$0xa] =	wrdreg s24;
	s23 =	sadd.s32 s25, s26;
	s24 =	sadd.s32 s21, s10  }
0x18: {  	s26 =	sadd.s32 s21, s11;
	[dreg:$0xb] =	wrdreg s23;
	s23 =	sshrl.u32 s24, $0x3  }
0x19: {  	s24 =	sshrl.u32 s26, $0x3;
	s26 =	sadd.s32 s21, s12;
	s23 =	sadd.s32 s25, s23  }
0x1a: {  	s24 =	sadd.s32 s25, s24;
	s26 =	sshrl.u32 s26, $0x3;
	[dreg:$0xc] =	wrdreg s23  }
0x1b: {  	[dreg:$0xd] =	wrdreg s24;
	s23 =	sadd.s32 s25, s26;
	s24 =	sadd.s32 s21, s13  }
0x1c: {  	s26 =	sadd.s32 s21, s14;
	[dreg:$0xe] =	wrdreg s23;
	s23 =	sshrl.u32 s24, $0x3  }
0x1d: {  	s24 =	sshrl.u32 s26, $0x3;
	s26 =	sadd.s32 s21, s15;
	s23 =	sadd.s32 s25, s23  }
0x1e: {  	s24 =	sadd.s32 s25, s24;
	s26 =	sshrl.u32 s26, $0x3;
	[dreg:$0xf] =	wrdreg s23  }
0x1f: {  	[dreg:$0x10] =	wrdreg s24;
	s23 =	sadd.s32 s25, s26;
	s24 =	sadd.s32 s21, s16  }
0x20: {  	s26 =	sadd.s32 s21, s17;
	[dreg:$0x11] =	wrdreg s23;
	s23 =	sshrl.u32 s24, $0x3  }
0x21: {  	s24 =	sshrl.u32 s26, $0x3;
	s26 =	sadd.s32 s21, s18;
	s23 =	sadd.s32 s25, s23  }
0x22: {  	s24 =	sadd.s32 s25, s24;
	s26 =	sshrl.u32 s26, $0x3;
	[dreg:$0x12] =	wrdreg s23  }
0x23: {  	[dreg:$0x13] =	wrdreg s24;
	s23 =	sadd.s32 s25, s26;
	s24 =	sadd.s32 s21, s19  }
0x24: {  	s21 =	sadd.s32 s21, s20;
	[dreg:$0x14] =	wrdreg s23;
	s23 =	sshrl.u32 s24, $0x3  }
0x25: {  	s21 =	sshrl.u32 s21, $0x3;
	s23 =	sadd.s32 s25, s23  }
0x26: {  	s21 =	sadd.s32 s25, s21;
	[dreg:$0x15] =	wrdreg s23  }
0x27: {  	[dreg:$0x16] =	wrdreg s21  }
0x28: {  	s21 =	simm.s32 $0x0;
	s23 =	rddreg [dreg:$0x1]  }
0x29: {  	s30 =	simm.s32 $0x4;
	[smem:$0x7FF] =	sst s21;
	s2 =	sadd.s32 s2, s23  }
0x2a: {  	s3 =	sadd.s32 s3, s23;
	_ =	strace $0x8000004A;
	[dreg:$0x1a] =	wrdreg s2  }
0x2b: {  	s31 =	simm.s32 $0x2880;
	s4 =	sadd.s32 s4, s23;
	[dreg:$0x1b] =	wrdreg s3  }
0x2c: {  	s26 =	smul.u32 $0x2710, s28;
	s5 =	sadd.s32 s5, s23;
	[dreg:$0x1c] =	wrdreg s4  }
0x2d: {  	s0 =	smax.u32 s0, $0x1;
	s6 =	sadd.s32 s6, s23;
	[dreg:$0x1d] =	wrdreg s5  }
0x2e: {  	s22 =	sadd.s32 s26, s22;
	s7 =	sadd.s32 s7, s23;
	[dreg:$0x1e] =	wrdreg s6  }
0x2f: {  	s24 =	sshrl.u32 s26, $0x3;
	s8 =	sadd.s32 s8, s23;
	[dreg:$0x1f] =	wrdreg s7  }
0x30: {  	s25 =	sadd.s32 $0xC00, s1;
	s9 =	sadd.s32 s9, s23;
	[smem:$0x7F2] =	sst s8  }
0x31: {  	s26 =	smul.u32 $0x4E2, s28;
	s12 =	sadd.s32 s12, s23;
	[smem:$0x7F3] =	sst s9  }
0x32: {  	s29 =	sadd.s32 s25, s24;
	s13 =	sadd.s32 s13, s23;
	[smem:$0x7F4] =	sst s12  }
0x33: {  	s24 =	smul.u32 $0x50000, s28;
	s14 =	sadd.s32 s14, s23;
	[smem:$0x7F5] =	sst s13  }
0x34: {  	s22 =	sshrl.u32 s22, $0x3;
	s15 =	sadd.s32 s15, s23;
	[smem:$0x7F6] =	sst s14  }
0x35: {  	s28 =	simm.s32 $0x50;
	s16 =	sadd.s32 s16, s23;
	[smem:$0x7F7] =	sst s15  }
0x36: {  	s25 =	sadd.s32 s26, s25;
	s17 =	sadd.s32 s17, s23;
	[smem:$0x7F8] =	sst s16  }
0x37: {  	s22 =	sadd.s32 s22, s1;
	s18 =	sadd.s32 s18, s23;
	[smem:$0x7F9] =	sst s17  }
0x38: {  	s26 =	sadd.s32 $0xFA00, s1;
	s10 =	sadd.s32 s10, s23;
	[smem:$0x7FA] =	sst s18  }
0x39: {  	s11 =	sadd.s32 s11, s23;
	s24 =	sshrl.u32 s24, $0x2;
	[smem:$0x7FC] =	sst s0  }
0x3a: {  	s22 =	sadd.s32 $0x5C00, s22;
	s15 =	sadd.s32 s20, s23;
	[dreg:$0x17] =	wrdreg s29  }
0x3b: {  	s18 =	simm.s32 $0xA;
	s20 =	simm.s32 $0x2780;
	s16 =	simm.s32 $0x2800  }
0x3c: {  	s17 =	simm.s32 $0x5100;
	s0 =	simm.s32 $0x2;
	s2 =	simm.s32 $0x7  }
0x3d: {  	s3 =	simm.s32 $0x3;
	s4 =	simm.s32 $0x6;
	s5 =	simm.s32 $0x8  }
.Ltmp0:
0x3e: {  	[dreg:$0x18] =	wrdreg s22;
	s1 =	sadd.s32 s24, s23;
	(pc) =	sbr.rel .LBB2_1-.Ltmp0, $4  }
0x3f: {  	s6 =	simm.s32 $0x9;
	s22 =	sadd.s32 s19, s23;
	[dreg:$0x19] =	wrdreg s1  }
0x40: {  	s7 =	simm.s32 $0x0;
	s24 =	sadd.s32 $0xA, s29;
	[smem:$0x7FB] =	sst s22  }
0x41: {  	s19 =	simm.s32 $0xA100;
	s29 =	simm.s32 $0x1;
	[smem:$0x7FD] =	sst s24  }
0x42: {  	v0 =	vimm.f32 $0.0e+00;
	s24 =	simm.s32 $0x2900;
	s22 =	simm.s32 $0x7900;
	s1 =	simm.s32 $0x5  }
.LBB2_9:
0x43: {  	_ =	swait.ge [sflag:s29], $0x2800  }
0x44: {  	[sflag:s29] =	ssyncset.done $0x0  }
0x45: {  	[sflag:s29] =	ssyncadd.s32 $0xFFFFD800  }
0x46: {  	_ =	swait.ge [sflag:s30], $0x50  }
0x47: {  	[sflag:s30] =	ssyncset.done $0x0  }
0x48: {  	[sflag:s30] =	ssyncadd.s32 $0xFFFFFFB0  }
0x49: {  	[spmem:s23] =	stream.indirect.scatter.add.f32 [tilespmem:s24], [sflag:$0x7], $0x80, s20, s28, $0xb8;
	[tilespmem:$0x1F100] =	vst v63  }
0x4a: {  	_ =	swait.ge [sflag:s0], $0x2800  }
0x4b: {  	[sflag:s0] =	ssyncset.done $0x0  }
0x4c: {  	[sflag:s0] =	ssyncadd.s32 $0xFFFFD800  }
0x4d: {  	_ =	swait.ge [sflag:s1], $0x50  }
0x4e: {  	[sflag:s1] =	ssyncset.done $0x0  }
0x4f: {  	[sflag:s1] =	ssyncadd.s32 $0xFFFFFFB0  }
0x50: {  	[spmem:s23] =	stream.indirect.scatter.add.f32 [tilespmem:s17], [sflag:$0x8], $0x80, s16, s28, $0xb8;
	[tilespmem:$0x1F100] =	vst v63  }
0x51: {  	_ =	swait.ge [sflag:s2], $0x2800  }
0x52: {  	[sflag:s2] =	ssyncset.done $0x0  }
0x53: {  	[sflag:s2] =	ssyncadd.s32 $0xFFFFD800  }
0x54: {  	_ =	swait.ge [sflag:s5], $0x2800  }
0x55: {  	[sflag:s5] =	ssyncset.done $0x0  }
0x56: {  	[sflag:s5] =	ssyncadd.s32 $0xFFFFD800  }
0x57: {  	_ =	swait.ge [sflag:s6], $0x2800  }
0x58: {  	[sflag:s6] =	ssyncset.done $0x0  }
0x59: {  	[sflag:s6] =	ssyncadd.s32 $0xFFFFD800  }
0x5a: {  	[bflag:$0x0] =	sbarrier.arrive $0xFFFF  }
0x5b: {  	s8 =	rddreg [dreg:$0x19]  }
0x5c: {  	[tilespmem:s19], [sflag:$0xA] =	stream.linear.gather [spmem:s8], $0x1000, $0x38;
	[tilespmem:$0x1F100] =	vst v63  }
0x5d: {  	_ =	swait.ge [sflag:s18], $0x1000  }
0x5e: {  	[sflag:s18] =	ssyncset.done $0x0  }
0x5f: {  	s10 =	rddreg [dreg:$0x3];
	[sflag:s18] =	ssyncadd.s32 $0xFFFFF000  }
0x60: {  	[hbm4b:s10+s21] =	stream.linear.scatter [tilespmem:s19], [sflag:$0xA], $0x1000, $0x38;
	[tilespmem:$0x1F100] =	vst v63  }
0x61: {  	_ =	swait.ge [sflag:s18], $0x1000  }
0x62: {  	[sflag:s18] =	ssyncset.done $0x0  }
0x63: {  	s11 =	rddreg [dreg:$0x1a];
	[sflag:s18] =	ssyncadd.s32 $0xFFFFF000  }
0x64: {  	[tilespmem:s19], [sflag:$0xA] =	stream.linear.gather [spmem:s11], $0x1000, $0x38;
	[tilespmem:$0x1F100] =	vst v63  }
0x65: {  	_ =	swait.ge [sflag:s18], $0x1000  }
0x66: {  	[sflag:s18] =	ssyncset.done $0x0  }
0x67: {  	s12 =	rddreg [dreg:$0x4];
	[sflag:s18] =	ssyncadd.s32 $0xFFFFF000  }
0x68: {  	[hbm4b:s12+s21] =	stream.linear.scatter [tilespmem:s19], [sflag:$0xA], $0x1000, $0x38;
	[tilespmem:$0x1F100] =	vst v63  }
0x69: {  	_ =	swait.ge [sflag:s18], $0x1000  }
0x6a: {  	[sflag:s18] =	ssyncset.done $0x0  }
0x6b: {  	s9 =	rddreg [dreg:$0x1b];
	[sflag:s18] =	ssyncadd.s32 $0xFFFFF000  }
0x6c: {  	[tilespmem:s19], [sflag:$0xA] =	stream.linear.gather [spmem:s9], $0x1000, $0x38;
	[tilespmem:$0x1F100] =	vst v63  }
0x6d: {  	_ =	swait.ge [sflag:s18], $0x1000  }
0x6e: {  	[sflag:s18] =	ssyncset.done $0x0  }
0x6f: {  	s10 =	rddreg [dreg:$0x5];
	[sflag:s18] =	ssyncadd.s32 $0xFFFFF000  }
0x70: {  	[hbm4b:s10+s21] =	stream.linear.scatter [tilespmem:s19], [sflag:$0xA], $0x1000, $0x38;
	[tilespmem:$0x1F100] =	vst v63  }
0x71: {  	_ =	swait.ge [sflag:s18], $0x1000  }
0x72: {  	[sflag:s18] =	ssyncset.done $0x0  }
0x73: {  	s11 =	rddreg [dreg:$0x1c];
	[sflag:s18] =	ssyncadd.s32 $0xFFFFF000  }
0x74: {  	[tilespmem:s19], [sflag:$0xA] =	stream.linear.gather [spmem:s11], $0x1000, $0x38;
	[tilespmem:$0x1F100] =	vst v63  }
0x75: {  	_ =	swait.ge [sflag:s18], $0x1000  }
0x76: {  	[sflag:s18] =	ssyncset.done $0x0  }
0x77: {  	s12 =	rddreg [dreg:$0x6];
	[sflag:s18] =	ssyncadd.s32 $0xFFFFF000  }
0x78: {  	[hbm4b:s12+s21] =	stream.linear.scatter [tilespmem:s19], [sflag:$0xA], $0x1000, $0x38;
	[tilespmem:$0x1F100] =	vst v63  }
0x79: {  	_ =	swait.ge [sflag:s18], $0x1000  }
0x7a: {  	[sflag:s18] =	ssyncset.done $0x0  }
0x7b: {  	s9 =	rddreg [dreg:$0x1d];
	[sflag:s18] =	ssyncadd.s32 $0xFFFFF000  }
0x7c: {  	[tilespmem:s19], [sflag:$0xA] =	stream.linear.gather [spmem:s9], $0x1000, $0x38;
	[tilespmem:$0x1F100] =	vst v63  }
0x7d: {  	_ =	swait.ge [sflag:s18], $0x1000  }
0x7e: {  	[sflag:s18] =	ssyncset.done $0x0  }
0x7f: {  	s10 =	rddreg [dreg:$0x7];
	[sflag:s18] =	ssyncadd.s32 $0xFFFFF000  }
0x80: {  	[hbm4b:s10+s21] =	stream.linear.scatter [tilespmem:s19], [sflag:$0xA], $0x1000, $0x38;
	[tilespmem:$0x1F100] =	vst v63  }
0x81: {  	_ =	swait.ge [sflag:s18], $0x1000  }
0x82: {  	[sflag:s18] =	ssyncset.done $0x0  }
0x83: {  	s11 =	rddreg [dreg:$0x1e];
	[sflag:s18] =	ssyncadd.s32 $0xFFFFF000  }
0x84: {  	[tilespmem:s19], [sflag:$0xA] =	stream.linear.gather [spmem:s11], $0x1000, $0x38;
	[tilespmem:$0x1F100] =	vst v63  }
0x85: {  	_ =	swait.ge [sflag:s18], $0x1000  }
0x86: {  	[sflag:s18] =	ssyncset.done $0x0  }
0x87: {  	s12 =	rddreg [dreg:$0x8];
	[sflag:s18] =	ssyncadd.s32 $0xFFFFF000  }
0x88: {  	[hbm4b:s12+s21] =	stream.linear.scatter [tilespmem:s19], [sflag:$0xA], $0x1000, $0x38;
	[tilespmem:$0x1F100] =	vst v63  }
0x89: {  	_ =	swait.ge [sflag:s18], $0x1000  }
0x8a: {  	[sflag:s18] =	ssyncset.done $0x0  }
0x8b: {  	s9 =	rddreg [dreg:$0x1f];
	[sflag:s18] =	ssyncadd.s32 $0xFFFFF000  }
0x8c: {  	[tilespmem:s19], [sflag:$0xA] =	stream.linear.gather [spmem:s9], $0x1000, $0x38;
	[tilespmem:$0x1F100] =	vst v63  }
0x8d: {  	_ =	swait.ge [sflag:s18], $0x1000  }
0x8e: {  	[sflag:s18] =	ssyncset.done $0x0  }
0x8f: {  	s10 =	rddreg [dreg:$0x9];
	[sflag:s18] =	ssyncadd.s32 $0xFFFFF000  }
0x90: {  	[hbm4b:s10+s21] =	stream.linear.scatter [tilespmem:s19], [sflag:$0xA], $0x1000, $0x38;
	[tilespmem:$0x1F100] =	vst v63  }
0x91: {  	_ =	swait.ge [sflag:s18], $0x1000  }
0x92: {  	s11 =	sld [smem:$0x7F2]  }
0x93: {  	[sflag:s18] =	ssyncset.done $0x0  }
0x94: {  	[sflag:s18] =	ssyncadd.s32 $0xFFFFF000  }
0x95: {  	[tilespmem:s19], [sflag:$0xA] =	stream.linear.gather [spmem:s11], $0x1000, $0x38;
	[tilespmem:$0x1F100] =	vst v63  }
0x96: {  	_ =	swait.ge [sflag:s18], $0x1000  }
0x97: {  	[sflag:s18] =	ssyncset.done $0x0  }
0x98: {  	s12 =	rddreg [dreg:$0xa];
	[sflag:s18] =	ssyncadd.s32 $0xFFFFF000  }
0x99: {  	[hbm4b:s12+s21] =	stream.linear.scatter [tilespmem:s19], [sflag:$0xA], $0x1000, $0x38;
	[tilespmem:$0x1F100] =	vst v63  }
0x9a: {  	_ =	swait.ge [sflag:s18], $0x1000  }
0x9b: {  	s9 =	sld [smem:$0x7F3]  }
0x9c: {  	[sflag:s18] =	ssyncset.done $0x0  }
0x9d: {  	[sflag:s18] =	ssyncadd.s32 $0xFFFFF000  }
0x9e: {  	[tilespmem:s19], [sflag:$0xA] =	stream.linear.gather [spmem:s9], $0x1000, $0x38;
	[tilespmem:$0x1F100] =	vst v63  }
0x9f: {  	_ =	swait.ge [sflag:s18], $0x1000  }
0xa0: {  	[sflag:s18] =	ssyncset.done $0x0  }
0xa1: {  	s10 =	rddreg [dreg:$0xb];
	[sflag:s18] =	ssyncadd.s32 $0xFFFFF000  }
0xa2: {  	[hbm4b:s10+s21] =	stream.linear.scatter [tilespmem:s19], [sflag:$0xA], $0x1000, $0x38;
	[tilespmem:$0x1F100] =	vst v63  }
0xa3: {  	_ =	swait.ge [sflag:s18], $0x1000  }
0xa4: {  	[sflag:s18] =	ssyncset.done $0x0  }
0xa5: {  	[sflag:s18] =	ssyncadd.s32 $0xFFFFF000  }
0xa6: {  	[tilespmem:s19], [sflag:$0xA] =	stream.linear.gather [spmem:s13], $0x1000, $0x38;
	[tilespmem:$0x1F100] =	vst v63  }
0xa7: {  	_ =	swait.ge [sflag:s18], $0x1000  }
0xa8: {  	[sflag:s18] =	ssyncset.done $0x0  }
0xa9: {  	s11 =	rddreg [dreg:$0xc];
	[sflag:s18] =	ssyncadd.s32 $0xFFFFF000  }
0xaa: {  	[hbm4b:s11+s21] =	stream.linear.scatter [tilespmem:s19], [sflag:$0xA], $0x1000, $0x38;
	[tilespmem:$0x1F100] =	vst v63  }
0xab: {  	_ =	swait.ge [sflag:s18], $0x1000  }
0xac: {  	[sflag:s18] =	ssyncset.done $0x0  }
0xad: {  	[sflag:s18] =	ssyncadd.s32 $0xFFFFF000  }
0xae: {  	[tilespmem:s19], [sflag:$0xA] =	stream.linear.gather [spmem:s14], $0x1000, $0x38;
	[tilespmem:$0x1F100] =	vst v63  }
0xaf: {  	_ =	swait.ge [sflag:s18], $0x1000  }
0xb0: {  	[sflag:s18] =	ssyncset.done $0x0  }
0xb1: {  	s12 =	rddreg [dreg:$0xd];
	[sflag:s18] =	ssyncadd.s32 $0xFFFFF000  }
0xb2: {  	[hbm4b:s12+s21] =	stream.linear.scatter [tilespmem:s19], [sflag:$0xA], $0x1000, $0x38;
	[tilespmem:$0x1F100] =	vst v63  }
0xb3: {  	_ =	swait.ge [sflag:s18], $0x1000  }
0xb4: {  	s10 =	smov.u32 s13;
	s13 =	sld [smem:$0x7F4]  }
0xb5: {  	[sflag:s18] =	ssyncset.done $0x0  }
0xb6: {  	[sflag:s18] =	ssyncadd.s32 $0xFFFFF000  }
0xb7: {  	[tilespmem:s19], [sflag:$0xA] =	stream.linear.gather [spmem:s13], $0x1000, $0x38;
	[tilespmem:$0x1F100] =	vst v63  }
0xb8: {  	_ =	swait.ge [sflag:s18], $0x1000  }
0xb9: {  	[sflag:s18] =	ssyncset.done $0x0  }
0xba: {  	s11 =	smov.u32 s14;
	s14 =	rddreg [dreg:$0xe];
	[sflag:s18] =	ssyncadd.s32 $0xFFFFF000  }
0xbb: {  	[hbm4b:s14+s21] =	stream.linear.scatter [tilespmem:s19], [sflag:$0xA], $0x1000, $0x38;
	[tilespmem:$0x1F100] =	vst v63  }
0xbc: {  	_ =	swait.ge [sflag:s18], $0x1000  }
0xbd: {  	s9 =	sld [smem:$0x7F5]  }
0xbe: {  	[sflag:s18] =	ssyncset.done $0x0  }
0xbf: {  	[sflag:s18] =	ssyncadd.s32 $0xFFFFF000  }
0xc0: {  	[tilespmem:s19], [sflag:$0xA] =	stream.linear.gather [spmem:s9], $0x1000, $0x38;
	[tilespmem:$0x1F100] =	vst v63  }
0xc1: {  	_ =	swait.ge [sflag:s18], $0x1000  }
0xc2: {  	[sflag:s18] =	ssyncset.done $0x0  }
0xc3: {  	s12 =	rddreg [dreg:$0xf];
	[sflag:s18] =	ssyncadd.s32 $0xFFFFF000  }
0xc4: {  	[hbm4b:s12+s21] =	stream.linear.scatter [tilespmem:s19], [sflag:$0xA], $0x1000, $0x38;
	[tilespmem:$0x1F100] =	vst v63  }
0xc5: {  	_ =	swait.ge [sflag:s18], $0x1000  }
0xc6: {  	s13 =	sld [smem:$0x7F6]  }
0xc7: {  	[sflag:s18] =	ssyncset.done $0x0  }
0xc8: {  	[sflag:s18] =	ssyncadd.s32 $0xFFFFF000  }
0xc9: {  	[tilespmem:s19], [sflag:$0xA] =	stream.linear.gather [spmem:s13], $0x1000, $0x38;
	[tilespmem:$0x1F100] =	vst v63  }
0xca: {  	_ =	swait.ge [sflag:s18], $0x1000  }
0xcb: {  	[sflag:s18] =	ssyncset.done $0x0  }
0xcc: {  	s14 =	rddreg [dreg:$0x10];
	[sflag:s18] =	ssyncadd.s32 $0xFFFFF000  }
0xcd: {  	[hbm4b:s14+s21] =	stream.linear.scatter [tilespmem:s19], [sflag:$0xA], $0x1000, $0x38;
	[tilespmem:$0x1F100] =	vst v63  }
0xce: {  	_ =	swait.ge [sflag:s18], $0x1000  }
0xcf: {  	s9 =	sld [smem:$0x7F7]  }
0xd0: {  	[sflag:s18] =	ssyncset.done $0x0  }
0xd1: {  	[sflag:s18] =	ssyncadd.s32 $0xFFFFF000  }
0xd2: {  	[tilespmem:s19], [sflag:$0xA] =	stream.linear.gather [spmem:s9], $0x1000, $0x38;
	[tilespmem:$0x1F100] =	vst v63  }
0xd3: {  	_ =	swait.ge [sflag:s18], $0x1000  }
0xd4: {  	[sflag:s18] =	ssyncset.done $0x0  }
0xd5: {  	s12 =	rddreg [dreg:$0x11];
	[sflag:s18] =	ssyncadd.s32 $0xFFFFF000  }
0xd6: {  	[hbm4b:s12+s21] =	stream.linear.scatter [tilespmem:s19], [sflag:$0xA], $0x1000, $0x38;
	[tilespmem:$0x1F100] =	vst v63  }
0xd7: {  	_ =	swait.ge [sflag:s18], $0x1000  }
0xd8: {  	s13 =	sld [smem:$0x7F8]  }
0xd9: {  	[sflag:s18] =	ssyncset.done $0x0  }
0xda: {  	[sflag:s18] =	ssyncadd.s32 $0xFFFFF000  }
0xdb: {  	[tilespmem:s19], [sflag:$0xA] =	stream.linear.gather [spmem:s13], $0x1000, $0x38;
	[tilespmem:$0x1F100] =	vst v63  }
0xdc: {  	_ =	swait.ge [sflag:s18], $0x1000  }
0xdd: {  	[sflag:s18] =	ssyncset.done $0x0  }
0xde: {  	s14 =	rddreg [dreg:$0x12];
	[sflag:s18] =	ssyncadd.s32 $0xFFFFF000  }
0xdf: {  	[hbm4b:s14+s21] =	stream.linear.scatter [tilespmem:s19], [sflag:$0xA], $0x1000, $0x38;
	[tilespmem:$0x1F100] =	vst v63  }
0xe0: {  	_ =	swait.ge [sflag:s18], $0x1000  }
0xe1: {  	s9 =	sld [smem:$0x7F9]  }
0xe2: {  	[sflag:s18] =	ssyncset.done $0x0  }
0xe3: {  	[sflag:s18] =	ssyncadd.s32 $0xFFFFF000  }
0xe4: {  	[tilespmem:s19], [sflag:$0xA] =	stream.linear.gather [spmem:s9], $0x1000, $0x38;
	[tilespmem:$0x1F100] =	vst v63  }
0xe5: {  	_ =	swait.ge [sflag:s18], $0x1000  }
0xe6: {  	[sflag:s18] =	ssyncset.done $0x0  }
0xe7: {  	s12 =	rddreg [dreg:$0x13];
	[sflag:s18] =	ssyncadd.s32 $0xFFFFF000  }
0xe8: {  	[hbm4b:s12+s21] =	stream.linear.scatter [tilespmem:s19], [sflag:$0xA], $0x1000, $0x38;
	[tilespmem:$0x1F100] =	vst v63  }
0xe9: {  	_ =	swait.ge [sflag:s18], $0x1000  }
0xea: {  	s13 =	sld [smem:$0x7FA]  }
0xeb: {  	[sflag:s18] =	ssyncset.done $0x0  }
0xec: {  	[sflag:s18] =	ssyncadd.s32 $0xFFFFF000  }
0xed: {  	[tilespmem:s19], [sflag:$0xA] =	stream.linear.gather [spmem:s13], $0x1000, $0x38;
	[tilespmem:$0x1F100] =	vst v63  }
0xee: {  	_ =	swait.ge [sflag:s18], $0x1000  }
0xef: {  	[sflag:s18] =	ssyncset.done $0x0  }
0xf0: {  	s14 =	rddreg [dreg:$0x14];
	[sflag:s18] =	ssyncadd.s32 $0xFFFFF000  }
0xf1: {  	[hbm4b:s14+s21] =	stream.linear.scatter [tilespmem:s19], [sflag:$0xA], $0x1000, $0x38;
	[tilespmem:$0x1F100] =	vst v63  }
0xf2: {  	_ =	swait.ge [sflag:s18], $0x1000  }
0xf3: {  	s9 =	sld [smem:$0x7FB]  }
0xf4: {  	[sflag:s18] =	ssyncset.done $0x0  }
0xf5: {  	[sflag:s18] =	ssyncadd.s32 $0xFFFFF000  }
0xf6: {  	[tilespmem:s19], [sflag:$0xA] =	stream.linear.gather [spmem:s9], $0x1000, $0x38;
	[tilespmem:$0x1F100] =	vst v63  }
0xf7: {  	_ =	swait.ge [sflag:s18], $0x1000  }
0xf8: {  	[sflag:s18] =	ssyncset.done $0x0  }
0xf9: {  	s12 =	rddreg [dreg:$0x15];
	[sflag:s18] =	ssyncadd.s32 $0xFFFFF000  }
0xfa: {  	[hbm4b:s12+s21] =	stream.linear.scatter [tilespmem:s19], [sflag:$0xA], $0x1000, $0x38;
	[tilespmem:$0x1F100] =	vst v63  }
0xfb: {  	_ =	swait.ge [sflag:s18], $0x1000  }
0xfc: {  	[sflag:s18] =	ssyncset.done $0x0  }
0xfd: {  	[sflag:s18] =	ssyncadd.s32 $0xFFFFF000  }
0xfe: {  	[tilespmem:s19], [sflag:$0xA] =	stream.linear.gather [spmem:s15], $0x1000, $0x38;
	[tilespmem:$0x1F100] =	vst v63  }
0xff: {  	_ =	swait.ge [sflag:s18], $0x1000  }
0x100: {  	[sflag:s18] =	ssyncset.done $0x0  }
0x101: {  	s13 =	rddreg [dreg:$0x16];
	[sflag:s18] =	ssyncadd.s32 $0xFFFFF000  }
0x102: {  	[hbm4b:s13+s21] =	stream.linear.scatter [tilespmem:s19], [sflag:$0xA], $0x1000, $0x38;
	[tilespmem:$0x1F100] =	vst v63  }
0x103: {  	_ =	swait.ge [sflag:s18], $0x1000  }
0x104: {  	s14 =	sld [smem:$0x7FC];
	_ =	sdelay $0x1  }
0x105: {  	s7 =	sadd.s32 $0x1, s7  }
0x106: {  	p0 =	sne.s32 s7, s14  }
.Ltmp1:
0x107: {  	_ = 	snop;
	(pc) =	sbr.rel @!p0 .LBB2_10-.Ltmp1, $3  }
0x108: {  	_ =	sdelay $0x1  }
0x109: {  	[sflag:s18] =	ssyncset.done $0x0  }
0x10a: {  	[sflag:s18] =	ssyncadd.s32 $0xFFFFF000  }
.LBB2_1:
0x10b: {  	s8 =	rddreg [dreg:$0x18]  }
0x10c: {  	[tilespmem:s21], [sflag:$0xA] =	stream.linear.gather [hbm4b:s8+s21], $0x2710, $0x38;
	[tilespmem:$0x1F100] =	vst v63  }
0x10d: {  	_ =	swait.ge [sflag:s18], $0x2710  }
0x10e: {  	[sflag:s18] =	ssyncset.done $0x0  }
0x10f: {  	s9 =	simm.s32 $0x200;
	s8 =	simm.s32 $0x0;
	[sflag:s18] =	ssyncadd.s32 $0xFFFFD8F0  }
.LBB2_2:
0x110: {  	p0 =	sne.s32 s9, $0x3E00;
	[tilespmem:s8+$0xA170] =	vst v0  }
0x111: {  	[tilespmem:s8+$0xA100] =	vst v0  }
0x112: {  	[tilespmem:s8+$0xA110] =	vst v0  }
.Ltmp2:
0x113: {  	[tilespmem:s8+$0xA120] =	vst v0;
	(pc) =	sbr.rel @p0 .LBB2_2-.Ltmp2, $4  }
0x114: {  	[tilespmem:s8+$0xA130] =	vst v0  }
0x115: {  	[tilespmem:s8+$0xA140] =	vst v0  }
0x116: {  	[tilespmem:s8+$0xA150] =	vst v0  }
0x117: {  	[tilespmem:s8+$0xA160] =	vst v0;
	s8 =	sshra.s32 s9, $0x2;
	s9 =	sadd.s32 $0x200, s9  }
0x118: {  	[tilespmem:s8+$0xA170] =	vst v0  }
0x119: {  	[tilespmem:s8+$0xA100] =	vst v0  }
0x11a: {  	[tilespmem:s8+$0xA110] =	vst v0  }
0x11b: {  	[tilespmem:s8+$0xA120] =	vst v0  }
0x11c: {  	[tilespmem:s8+$0xA130] =	vst v0  }
0x11d: {  	[tilespmem:s8+$0xA140] =	vst v0  }
0x11e: {  	[tilespmem:s8+$0xA150] =	vst v0  }
0x11f: {  	[tilespmem:s8+$0xA160] =	vst v0;
	s9 =	rddreg [dreg:$0x19]  }
0x120: {  	[spmem:s9] =	stream.linear.scatter [tilespmem:s19], [sflag:$0xA], $0x1000, $0x38;
	[tilespmem:$0x1F100] =	vst v63  }
0x121: {  	_ =	swait.ge [sflag:s18], $0x1000  }
0x122: {  	[sflag:s18] =	ssyncset.done $0x0  }
0x123: {  	s12 =	rddreg [dreg:$0x1a];
	[sflag:s18] =	ssyncadd.s32 $0xFFFFF000  }
0x124: {  	[spmem:s12] =	stream.linear.scatter [tilespmem:s19], [sflag:$0xA], $0x1000, $0x38;
	[tilespmem:$0x1F100] =	vst v63  }
0x125: {  	_ =	swait.ge [sflag:s18], $0x1000  }
0x126: {  	[sflag:s18] =	ssyncset.done $0x0  }
0x127: {  	s13 =	rddreg [dreg:$0x1b];
	[sflag:s18] =	ssyncadd.s32 $0xFFFFF000  }
0x128: {  	[spmem:s13] =	stream.linear.scatter [tilespmem:s19], [sflag:$0xA], $0x1000, $0x38;
	[tilespmem:$0x1F100] =	vst v63  }
0x129: {  	_ =	swait.ge [sflag:s18], $0x1000  }
0x12a: {  	[sflag:s18] =	ssyncset.done $0x0  }
0x12b: {  	s14 =	rddreg [dreg:$0x1c];
	[sflag:s18] =	ssyncadd.s32 $0xFFFFF000  }
0x12c: {  	[spmem:s14] =	stream.linear.scatter [tilespmem:s19], [sflag:$0xA], $0x1000, $0x38;
	[tilespmem:$0x1F100] =	vst v63  }
0x12d: {  	_ =	swait.ge [sflag:s18], $0x1000  }
0x12e: {  	[sflag:s18] =	ssyncset.done $0x0  }
0x12f: {  	s9 =	rddreg [dreg:$0x1d];
	[sflag:s18] =	ssyncadd.s32 $0xFFFFF000  }
0x130: {  	[spmem:s9] =	stream.linear.scatter [tilespmem:s19], [sflag:$0xA], $0x1000, $0x38;
	[tilespmem:$0x1F100] =	vst v63  }
0x131: {  	_ =	swait.ge [sflag:s18], $0x1000  }
0x132: {  	[sflag:s18] =	ssyncset.done $0x0  }
0x133: {  	s12 =	rddreg [dreg:$0x1e];
	[sflag:s18] =	ssyncadd.s32 $0xFFFFF000  }
0x134: {  	[spmem:s12] =	stream.linear.scatter [tilespmem:s19], [sflag:$0xA], $0x1000, $0x38;
	[tilespmem:$0x1F100] =	vst v63  }
0x135: {  	_ =	swait.ge [sflag:s18], $0x1000  }
0x136: {  	[sflag:s18] =	ssyncset.done $0x0  }
0x137: {  	s13 =	rddreg [dreg:$0x1f];
	[sflag:s18] =	ssyncadd.s32 $0xFFFFF000  }
0x138: {  	[spmem:s13] =	stream.linear.scatter [tilespmem:s19], [sflag:$0xA], $0x1000, $0x38;
	[tilespmem:$0x1F100] =	vst v63  }
0x139: {  	_ =	swait.ge [sflag:s18], $0x1000  }
0x13a: {  	s14 =	sld [smem:$0x7F2]  }
0x13b: {  	[sflag:s18] =	ssyncset.done $0x0  }
0x13c: {  	[sflag:s18] =	ssyncadd.s32 $0xFFFFF000  }
0x13d: {  	[spmem:s14] =	stream.linear.scatter [tilespmem:s19], [sflag:$0xA], $0x1000, $0x38;
	[tilespmem:$0x1F100] =	vst v63  }
0x13e: {  	_ =	swait.ge [sflag:s18], $0x1000  }
0x13f: {  	s9 =	sld [smem:$0x7F3]  }
0x140: {  	[sflag:s18] =	ssyncset.done $0x0  }
0x141: {  	[sflag:s18] =	ssyncadd.s32 $0xFFFFF000  }
0x142: {  	[spmem:s9] =	stream.linear.scatter [tilespmem:s19], [sflag:$0xA], $0x1000, $0x38;
	[tilespmem:$0x1F100] =	vst v63  }
0x143: {  	_ =	swait.ge [sflag:s18], $0x1000  }
0x144: {  	[sflag:s18] =	ssyncset.done $0x0  }
0x145: {  	[sflag:s18] =	ssyncadd.s32 $0xFFFFF000  }
0x146: {  	[spmem:s10] =	stream.linear.scatter [tilespmem:s19], [sflag:$0xA], $0x1000, $0x38;
	[tilespmem:$0x1F100] =	vst v63  }
0x147: {  	_ =	swait.ge [sflag:s18], $0x1000  }
0x148: {  	[sflag:s18] =	ssyncset.done $0x0  }
0x149: {  	[sflag:s18] =	ssyncadd.s32 $0xFFFFF000  }
0x14a: {  	[spmem:s11] =	stream.linear.scatter [tilespmem:s19], [sflag:$0xA], $0x1000, $0x38;
	[tilespmem:$0x1F100] =	vst v63  }
0x14b: {  	_ =	swait.ge [sflag:s18], $0x1000  }
0x14c: {  	s12 =	sld [smem:$0x7F4]  }
0x14d: {  	[sflag:s18] =	ssyncset.done $0x0  }
0x14e: {  	[sflag:s18] =	ssyncadd.s32 $0xFFFFF000  }
0x14f: {  	[spmem:s12] =	stream.linear.scatter [tilespmem:s19], [sflag:$0xA], $0x1000, $0x38;
	[tilespmem:$0x1F100] =	vst v63  }
0x150: {  	_ =	swait.ge [sflag:s18], $0x1000  }
0x151: {  	s9 =	sld [smem:$0x7F5]  }
0x152: {  	[sflag:s18] =	ssyncset.done $0x0  }
0x153: {  	[sflag:s18] =	ssyncadd.s32 $0xFFFFF000  }
0x154: {  	[spmem:s9] =	stream.linear.scatter [tilespmem:s19], [sflag:$0xA], $0x1000, $0x38;
	[tilespmem:$0x1F100] =	vst v63  }
0x155: {  	_ =	swait.ge [sflag:s18], $0x1000  }
0x156: {  	s13 =	smov.u32 s10;
	s10 =	sld [smem:$0x7F6]  }
0x157: {  	[sflag:s18] =	ssyncset.done $0x0  }
0x158: {  	[sflag:s18] =	ssyncadd.s32 $0xFFFFF000  }
0x159: {  	[spmem:s10] =	stream.linear.scatter [tilespmem:s19], [sflag:$0xA], $0x1000, $0x38;
	[tilespmem:$0x1F100] =	vst v63  }
0x15a: {  	_ =	swait.ge [sflag:s18], $0x1000  }
0x15b: {  	s14 =	smov.u32 s11;
	s11 =	sld [smem:$0x7F7]  }
0x15c: {  	[sflag:s18] =	ssyncset.done $0x0  }
0x15d: {  	[sflag:s18] =	ssyncadd.s32 $0xFFFFF000  }
0x15e: {  	[spmem:s11] =	stream.linear.scatter [tilespmem:s19], [sflag:$0xA], $0x1000, $0x38;
	[tilespmem:$0x1F100] =	vst v63  }
0x15f: {  	_ =	swait.ge [sflag:s18], $0x1000  }
0x160: {  	s12 =	sld [smem:$0x7F8]  }
0x161: {  	[sflag:s18] =	ssyncset.done $0x0  }
0x162: {  	[sflag:s18] =	ssyncadd.s32 $0xFFFFF000  }
0x163: {  	[spmem:s12] =	stream.linear.scatter [tilespmem:s19], [sflag:$0xA], $0x1000, $0x38;
	[tilespmem:$0x1F100] =	vst v63  }
0x164: {  	_ =	swait.ge [sflag:s18], $0x1000  }
0x165: {  	s9 =	sld [smem:$0x7F9]  }
0x166: {  	[sflag:s18] =	ssyncset.done $0x0  }
0x167: {  	[sflag:s18] =	ssyncadd.s32 $0xFFFFF000  }
0x168: {  	[spmem:s9] =	stream.linear.scatter [tilespmem:s19], [sflag:$0xA], $0x1000, $0x38;
	[tilespmem:$0x1F100] =	vst v63  }
0x169: {  	_ =	swait.ge [sflag:s18], $0x1000  }
0x16a: {  	s10 =	sld [smem:$0x7FA]  }
0x16b: {  	[sflag:s18] =	ssyncset.done $0x0  }
0x16c: {  	[sflag:s18] =	ssyncadd.s32 $0xFFFFF000  }
0x16d: {  	[spmem:s10] =	stream.linear.scatter [tilespmem:s19], [sflag:$0xA], $0x1000, $0x38;
	[tilespmem:$0x1F100] =	vst v63  }
0x16e: {  	_ =	swait.ge [sflag:s18], $0x1000  }
0x16f: {  	s11 =	sld [smem:$0x7FB]  }
0x170: {  	[sflag:s18] =	ssyncset.done $0x0  }
0x171: {  	[sflag:s18] =	ssyncadd.s32 $0xFFFFF000  }
0x172: {  	[spmem:s11] =	stream.linear.scatter [tilespmem:s19], [sflag:$0xA], $0x1000, $0x38;
	[tilespmem:$0x1F100] =	vst v63  }
0x173: {  	_ =	swait.ge [sflag:s18], $0x1000  }
0x174: {  	[sflag:s18] =	ssyncset.done $0x0  }
0x175: {  	[sflag:s18] =	ssyncadd.s32 $0xFFFFF000  }
0x176: {  	[spmem:s15] =	stream.linear.scatter [tilespmem:s19], [sflag:$0xA], $0x1000, $0x38;
	[tilespmem:$0x1F100] =	vst v63  }
0x177: {  	_ =	swait.ge [sflag:s18], $0x1000  }
0x178: {  	[sflag:s18] =	ssyncset.done $0x0  }
0x179: {  	[sflag:s18] =	ssyncadd.s32 $0xFFFFF000  }
0x17a: {  	[bflag:$0x0] =	sbarrier.arrive $0xFFFF  }
0x17b: {  	s8 =	simm.s32 $0x0;
	s9 =	rddreg [dreg:$0x17]  }
0x17c: {  	[tilespmem:s20], [sflag:$0x4] =	stream.linear.gather [hbm4b:s9+s8], $0x50, $0x38;
	[tilespmem:$0x1F100] =	vst v63  }
0x17d: {  	s12 =	sld [smem:$0x7FD]  }
0x17e: {  	[tilespmem:s24], [sflag:$0x1] =	stream.indirect.gather [hbm4b:s26+s28], $0x80, s8, s28, $0xb8;
	[tilespmem:$0x1F100] =	vst v63  }
.Ltmp3:
0x17f: {  	_ = 	snop;
	(pc) =	sbr.rel .LBB2_4-.Ltmp3, $4  }
0x180: {  	_ = 	snop  }
0x181: {  	[tilespmem:s16], [sflag:$0x5] =	stream.linear.gather [hbm4b:s12+s8], $0x50, $0x38;
	[tilespmem:$0x1F100] =	vst v63  }
0x182: {  	s10 =	simm.s32 $0x0;
	s9 =	simm.s32 $0xA0  }
0x183: {  	[tilespmem:s17], [sflag:$0x2] =	stream.indirect.gather [hbm4b:s26+s28], $0x80, s28, s28, $0xb8;
	[tilespmem:$0x1F100] =	vst v63  }
.LBB2_7:
0x184: {  	s11 =	sadd.s32 s8, s25  }
0x185: {  	s11 =	sadd.s32 $0x14, s11  }
0x186: {  	[tilespmem:s31], [sflag:$0x6] =	stream.linear.gather [hbm4b:s11+s21], $0x50, $0x38;
	[tilespmem:$0x1F100] =	vst v63  }
0x187: {  	_ = 	snop  }
0x188: {  	[tilespmem:s22], [sflag:$0x3] =	stream.indirect.gather [hbm4b:s26+s28], $0x80, s9, s28, $0xb8;
	[tilespmem:$0x1F100] =	vst v63  }
.LBB2_8:
0x189: {  	_ =	swait.ge [sflag:s0], $0x2800  }
0x18a: {  	[sflag:s0] =	ssyncset.done $0x0  }
0x18b: {  	[sflag:s0] =	ssyncadd.s32 $0xFFFFD800  }
0x18c: {  	_ =	swait.ge [sflag:s1], $0x50  }
0x18d: {  	[sflag:s1] =	ssyncset.done $0x0  }
0x18e: {  	[sflag:s1] =	ssyncadd.s32 $0xFFFFFFB0  }
0x18f: {  	[spmem:s23] =	stream.indirect.scatter.add.f32 [tilespmem:s17], [sflag:$0x8], $0x80, s16, s28, $0xb8;
	[tilespmem:$0x1F100] =	vst v63  }
0x190: {  	_ =	swait.ge [sflag:s2], $0x2800  }
0x191: {  	s11 =	sadd.s32 s8, s25;
	[sflag:s2] =	ssyncset.done $0x0  }
0x192: {  	s12 =	sadd.s32 $0x1E, s11;
	[sflag:s2] =	ssyncadd.s32 $0xFFFFD800  }
0x193: {  	[tilespmem:s20], [sflag:$0x4] =	stream.linear.gather [hbm4b:s12+s21], $0x50, $0x38;
	[tilespmem:$0x1F100] =	vst v63  }
0x194: {  	s12 =	sadd.s32 $0x50, s9  }
0x195: {  	[tilespmem:s24], [sflag:$0x1] =	stream.indirect.gather [hbm4b:s26+s28], $0x80, s12, s28, $0xb8;
	[tilespmem:$0x1F100] =	vst v63  }
0x196: {  	_ =	swait.ge [sflag:s3], $0x2800  }
0x197: {  	[sflag:s3] =	ssyncset.done $0x0  }
0x198: {  	[sflag:s3] =	ssyncadd.s32 $0xFFFFD800  }
0x199: {  	_ =	swait.ge [sflag:s4], $0x50  }
0x19a: {  	[sflag:s4] =	ssyncset.done $0x0  }
0x19b: {  	s8 =	sadd.s32 $0x1E, s8;
	[sflag:s4] =	ssyncadd.s32 $0xFFFFFFB0  }
0x19c: {  	[spmem:s23] =	stream.indirect.scatter.add.f32 [tilespmem:s22], [sflag:$0x9], $0x80, s31, s28, $0xb8;
	[tilespmem:$0x1F100] =	vst v63  }
0x19d: {  	p0 =	sne.s32 s8, $0x4CE;
	_ =	swait.ge [sflag:s5], $0x2800  }
.Ltmp4:
0x19e: {  	[sflag:s5] =	ssyncset.done $0x0;
	(pc) =	sbr.rel @!p0 .LBB2_9-.Ltmp4, $4  }
0x19f: {  	s11 =	sadd.s32 $0x28, s11;
	[sflag:s5] =	ssyncadd.s32 $0xFFFFD800  }
0x1a0: {  	[tilespmem:s16], [sflag:$0x5] =	stream.linear.gather [hbm4b:s11+s21], $0x50, $0x38;
	[tilespmem:$0x1F100] =	vst v63  }
0x1a1: {  	s10 =	sadd.s32 $0x1, s10;
	s12 =	sadd.s32 $0xA0, s9;
	s9 =	sadd.s32 $0xF0, s9  }
0x1a2: {  	[tilespmem:s17], [sflag:$0x2] =	stream.indirect.gather [hbm4b:s26+s28], $0x80, s12, s28, $0xb8;
	[tilespmem:$0x1F100] =	vst v63  }
.LBB2_4:
0x1a3: {  	_ =	swait.ge [sflag:s29], $0x2800  }
0x1a4: {  	p0 =	seq.s32 s10, $0x0;
	[sflag:s29] =	ssyncset.done $0x0  }
.Ltmp5:
0x1a5: {  	[sflag:s29] =	ssyncadd.s32 $0xFFFFD800;
	(pc) =	sbr.rel @p0 .LBB2_7-.Ltmp5, $4  }
0x1a6: {  	_ =	swait.ge [sflag:s30], $0x50  }
0x1a7: {  	[sflag:s30] =	ssyncset.done $0x0  }
0x1a8: {  	[sflag:s30] =	ssyncadd.s32 $0xFFFFFFB0  }
0x1a9: {  	[spmem:s23] =	stream.indirect.scatter.add.f32 [tilespmem:s24], [sflag:$0x7], $0x80, s20, s28, $0xb8;
	[tilespmem:$0x1F100] =	vst v63  }
0x1aa: {  	p0 =	seq.s32 s10, $0x29  }
.Ltmp6:
0x1ab: {  	_ = 	snop;
	(pc) =	sbr.rel @p0 .LBB2_8-.Ltmp6, $1  }
0x1ac: {  	_ =	sdelay $0x3  }
.Ltmp7:
0x1ad: {  	(pc) =	sbr.rel .LBB2_7-.Ltmp7, $4  }
0x1ae: {  	_ = 	snop  }
0x1af: {  	_ =	swait.ge [sflag:s6], $0x2800  }
0x1b0: {  	[sflag:s6] =	ssyncset.done $0x0  }
0x1b1: {  	[sflag:s6] =	ssyncadd.s32 $0xFFFFD800  }
.LBB2_10:
0x1b2: {  	_ =	sfence.sel $0x180000  }
0x1b3: {  	[bflag:$0x0] =	sbarrier.arrive $0xFFFF  }
0x1b4: {  	_ =	strace $0x9000004A  }
0x1b5: {  	s0 =	stileid.u32;
	[bflag:$0x2] =	sbarrier.arrive $0xFFFF  }
0x1b6: {  	p0 =	sne.s32 s0, $0x0;
	s0 =	rddreg [dreg:$0x2]  }
0x1b7: {  	s0 =	sadd.s32 @!p0 $0x100000, s0  }
0x1b8: {  	[sflag:s0] =	ssyncadd.tile.s32 @!p0 $0x1;
	_ =	shalt  }
.Lfunc_end2:
_tile_overlayer_lowered:
.L_overlay_start_2:
0x1b9: {  	(tag) =	ssettag $0x2  }
0x1ba: {  	s0 =	rddreg [dreg:$0x0];
	s2 =	stileid.u32  }
0x1bb: {  	s1 =	rddreg [dreg:$0x1];
	p0 =	sne.s32 s2, $0x0  }
0x1bc: {  	s3 =	rddreg [dreg:$0x2];
	[bflag:$0x3] =	sbarrier.arrive $0xFFFF;
	s2 =	simm.s32 @!p0 $0x1C0A  }
0x1bd: {  	[timem:s3], [sflag:s2] =	dma.local @!p0 [hbm:s0], s1  }
0x1be: {  	s0 =	simm.s32 @!p0 $0xA  }
0x1bf: {  	_ =	swait.ge @!p0 [sflag:s0], s1  }
0x1c0: {  	s1 =	ssub.s32 @!p0 $0x0, s1;
	[sflag:s0] =	ssyncset.done @!p0 $0x0  }
0x1c1: {  	[sflag:s0] =	ssyncadd.s32 @!p0 s1  }
0x1c2: {  	[bflag:$0x3] =	sbarrier.arrive $0xFFFF  }
0x1c3: {  	_ =	shalt  }

</sc_bundles>
